<compile_context>
chip_gen: v7x
topology: tpu7x:2x2x1
jax: 0.10.2.dev20260603
libtpu: 0.0.44.dev20260713+nightly
codegen_flags: <defaults>
</compile_context>

<pallas_src>
import functools
import jax
import jax.numpy as jnp
from jax import lax
from jax.experimental import pallas as pl
from jax.experimental.pallas import tpu as pltpu
from jax.experimental.pallas import tpu_sc as plsc

BATCH_ = 1024
DIM_ = 128
CH_ = 50
NUM_E_ = 50000


_NC = 2
_NS = 16
_NW = _NC * _NS
_BPW = BATCH_ // _NW


def _sc_gather_body(ee_hbm, re_hbm, t0_hbm, t1_hbm, e1_hbm, rl_hbm,
                    idx0_v, idx1_v, rows0_v, rows1_v, sem0, sem1):
  wid = lax.axis_index("s") * _NC + lax.axis_index("c")
  base = wid * _BPW
  pltpu.sync_copy(t0_hbm.at[pl.ds(base, _BPW)], idx0_v)
  pltpu.sync_copy(t1_hbm.at[pl.ds(base, _BPW)], idx1_v)
  cp0 = pltpu.async_copy(ee_hbm.at[idx0_v], rows0_v, sem0)
  cp1 = pltpu.async_copy(re_hbm.at[idx1_v], rows1_v, sem1)
  cp0.wait()
  cp1.wait()
  pltpu.sync_copy(rows0_v, e1_hbm.at[pl.ds(base, _BPW)])
  pltpu.sync_copy(rows1_v, rl_hbm.at[pl.ds(base, _BPW)])


def _sc_gather(eEmbeds, rEmbeds, t0, t1):
  mesh = plsc.VectorSubcoreMesh(core_axis_name="c", subcore_axis_name="s")
  fn = pl.kernel(
      _sc_gather_body,
      mesh=mesh,
      out_type=[
          jax.ShapeDtypeStruct((BATCH_, DIM_), jnp.float32),
          jax.ShapeDtypeStruct((BATCH_, DIM_), jnp.float32),
      ],
      scratch_types=[
          pltpu.VMEM((_BPW,), jnp.int32),
          pltpu.VMEM((_BPW,), jnp.int32),
          pltpu.VMEM((_BPW, DIM_), jnp.float32),
          pltpu.VMEM((_BPW, DIM_), jnp.float32),
          pltpu.SemaphoreType.DMA,
          pltpu.SemaphoreType.DMA,
      ],
  )
  return fn(eEmbeds, rEmbeds, t0, t1)



_BB = 256


def _front_body(sb0_ref, w6_ref, beta_ref, e1_ref, rl_ref, wr_ref, s2_ref,
                b2_ref, out_ref):
  a = jnp.tanh(e1_ref[...]) * sb0_ref[0] + sb0_ref[1]
  b = rl_ref[...] * sb0_ref[2] + sb0_ref[3]
  z = jnp.zeros((_BB, 1), jnp.float32)
  am = jnp.concatenate([z, a[:, :-1]], axis=1)
  ap = jnp.concatenate([a[:, 1:], z], axis=1)
  bm = jnp.concatenate([z, b[:, :-1]], axis=1)
  bp = jnp.concatenate([b[:, 1:], z], axis=1)
  acc = jnp.zeros((_BB, DIM_), jnp.float32)
  for c in range(CH_):
    y = (am * w6_ref[0, c] + a * w6_ref[1, c] + ap * w6_ref[2, c]
         + bm * w6_ref[3, c] + b * w6_ref[4, c] + bp * w6_ref[5, c]
         + beta_ref[c])
    y = jnp.maximum(y, 0.0)
    acc = acc + jnp.dot(y, wr_ref[c], preferred_element_type=jnp.float32)
  out_ref[...] = jnp.maximum(acc * s2_ref[...] + b2_ref[...], 0.0)


def _front(e1raw, rlraw, sb0, w6, beta, wr, s2, b2):
  grid = BATCH_ // _BB
  return pl.pallas_call(
      _front_body,
      grid=(grid,),
      in_specs=[
          pl.BlockSpec(memory_space=pltpu.SMEM),
          pl.BlockSpec(memory_space=pltpu.SMEM),
          pl.BlockSpec(memory_space=pltpu.SMEM),
          pl.BlockSpec((_BB, DIM_), lambda i: (i, 0)),
          pl.BlockSpec((_BB, DIM_), lambda i: (i, 0)),
          pl.BlockSpec((CH_, DIM_, DIM_), lambda i: (0, 0, 0)),
          pl.BlockSpec((1, DIM_), lambda i: (0, 0)),
          pl.BlockSpec((1, DIM_), lambda i: (0, 0)),
      ],
      out_specs=pl.BlockSpec((_BB, DIM_), lambda i: (i, 0)),
      out_shape=jax.ShapeDtypeStruct((BATCH_, DIM_), jnp.float32),
  )(sb0, w6, beta, e1raw, rlraw, wr, s2, b2)



_NB = 2048


def _scores_body(x_ref, ee_ref, out_ref):
  et = jnp.tanh(ee_ref[...])
  s = lax.dot_general(x_ref[...], et, (((1,), (1,)), ((), ())),
                      preferred_element_type=jnp.float32)
  out_ref[...] = jnp.maximum(s, 0.0)


def _scores(x, eEmbeds):
  grid = pl.cdiv(NUM_E_, _NB)
  return pl.pallas_call(
      _scores_body,
      grid=(grid,),
      in_specs=[
          pl.BlockSpec((BATCH_, DIM_), lambda i: (0, 0)),
          pl.BlockSpec((_NB, DIM_), lambda i: (i, 0)),
      ],
      out_specs=pl.BlockSpec((BATCH_, _NB), lambda i: (0, i)),
      out_shape=jax.ShapeDtypeStruct((BATCH_, NUM_E_), jnp.float32),
  )(x, eEmbeds)



def kernel(eEmbeds, rEmbeds, triplets, conv_w, conv_b, fc_w, fc_b,
           bn0_g, bn0_b, bn1_g, bn1_b, bn2_g, bn2_b):
  inv = 1.0 / jnp.sqrt(jnp.float32(1.0 + 1e-5))
  s0 = inv * bn0_g
  sb0 = jnp.stack([s0[0], bn0_b[0], s0[1], bn0_b[1]]).astype(jnp.float32)
  g1s = inv * bn1_g
  w6 = conv_w.transpose(1, 2, 0).reshape(6, CH_) * g1s[None, :]
  beta = conv_b * g1s + bn1_b
  wr = fc_w.reshape(DIM_, CH_, DIM_).transpose(1, 2, 0)
  s2 = (inv * bn2_g).reshape(1, DIM_)
  b2 = (fc_b * inv * bn2_g + bn2_b).reshape(1, DIM_)

  t0 = triplets[:, 0].astype(jnp.int32)
  t1 = triplets[:, 1].astype(jnp.int32)
  e1raw, rlraw = _sc_gather(eEmbeds, rEmbeds, t0, t1)

  x = _front(e1raw, rlraw, sb0, w6, beta, wr, s2, b2)
  return _scores(x, eEmbeds)

# --- scband reference (transcript-rebuilt; emitter-appended) ---
"""Pipeline reference for scband-regcn-39573828665586 (READ-ONLY COPY).

The authoritative reference and input builder live on the scoring server;
editing this copy changes nothing except your own understanding.
"""

import jax, jax.numpy as jnp
import numpy as np

EPS = 1e-5
NUM_E = 50000
NUM_R2 = 1000
DIM = 128
BATCH = 1024
CHANNELS = 50
KERNEL = 3


def setup_inputs(seed: int = 0) -> dict:
    key = jax.random.key(seed)
    ks = jax.random.split(key, 12)
    eEmbeds = jax.random.normal(ks[0], (NUM_E, DIM), dtype=jnp.float32)
    rEmbeds = jax.random.normal(ks[1], (NUM_R2, DIM), dtype=jnp.float32)
    triplets = jax.random.randint(ks[2], (BATCH, 3), 0, NUM_R2, dtype=jnp.int64) if jax.config.jax_enable_x64 else jax.random.randint(ks[2], (BATCH, 3), 0, NUM_R2).astype(jnp.int32)
    conv_w = jax.random.normal(ks[3], (CHANNELS, 2, KERNEL), dtype=jnp.float32) * 0.1
    conv_b = jnp.zeros((CHANNELS,), dtype=jnp.float32)
    fc_w = jax.random.normal(ks[4], (DIM, DIM * CHANNELS), dtype=jnp.float32) * (1.0 / np.sqrt(DIM * CHANNELS))
    fc_b = jnp.zeros((DIM,), dtype=jnp.float32)
    bn0_g = jnp.ones((2,), dtype=jnp.float32)
    bn0_b = jnp.zeros((2,), dtype=jnp.float32)
    bn1_g = jnp.ones((CHANNELS,), dtype=jnp.float32)
    bn1_b = jnp.zeros((CHANNELS,), dtype=jnp.float32)
    bn2_g = jnp.ones((DIM,), dtype=jnp.float32)
    bn2_b = jnp.zeros((DIM,), dtype=jnp.float32)
    return {
        'eEmbeds': eEmbeds, 'rEmbeds': rEmbeds, 'triplets': triplets,
        'conv_w': conv_w, 'conv_b': conv_b, 'fc_w': fc_w, 'fc_b': fc_b,
        'bn0_g': bn0_g, 'bn0_b': bn0_b, 'bn1_g': bn1_g, 'bn1_b': bn1_b,
        'bn2_g': bn2_g, 'bn2_b': bn2_b,
    }


def reference(eEmbeds, rEmbeds, triplets, conv_w, conv_b, fc_w, fc_b,
              bn0_g, bn0_b, bn1_g, bn1_b, bn2_g, bn2_b):
    # ConvTransE decoder forward (eval mode: dropout off, BN with running mean=0, var=1)
    inv = 1.0 / jnp.sqrt(1.0 + EPS)
    eT = jnp.tanh(eEmbeds)
    e1 = jnp.take(eT, triplets[:, 0], axis=0)[:, None, :]   # [B,1,D] gather
    rl = jnp.take(rEmbeds, triplets[:, 1], axis=0)[:, None, :]
    x = jnp.concatenate([e1, rl], axis=1)                    # [B,2,D]
    x = x * inv * bn0_g[None, :, None] + bn0_b[None, :, None]
    x = jax.lax.conv_general_dilated(
        x, conv_w, window_strides=(1,), padding=[(1, 1)],
        dimension_numbers=('NCH', 'OIH', 'NCH')) + conv_b[None, :, None]
    x = x * inv * bn1_g[None, :, None] + bn1_b[None, :, None]
    x = jax.nn.relu(x)                                       # [B,50,D]
    b = x.shape[0]
    x = x.reshape(b, -1)                                     # [B,50*D]
    x = x @ fc_w.T + fc_b                                    # [B,D]
    x = x * inv * bn2_g[None, :] + bn2_b[None, :]
    x = jax.nn.relu(x)
    scores = jax.nn.relu(x @ eT.T)                           # [B,NUM_E]
    return scores

if __name__ == "__main__":
    import jax
    _d = setup_inputs()
    print(jax.jit(kernel)(*tuple(_d.values())))

</pallas_src>

<mosaic_0001>
#map = affine_map<(d0, d1) -> (0, 0)>
#map1 = affine_map<(d0, d1) -> (0)>
module attributes {stable_mosaic.version = 14 : i64} {
  func.func @_sc_gather_body(%arg0: i32, %arg1: i32, %arg2: memref<50000x128xf32, #tpu.memory_space<hbm>>, %arg3: memref<1000x128xf32, #tpu.memory_space<hbm>>, %arg4: memref<1024xi32, #tpu.memory_space<hbm>>, %arg5: memref<1024xi32, #tpu.memory_space<hbm>>, %arg6: memref<1024x128xf32, #tpu.memory_space<hbm>>, %arg7: memref<1024x128xf32, #tpu.memory_space<hbm>>, %arg8: memref<32xi32, #tpu.memory_space<vmem>>, %arg9: memref<32xi32, #tpu.memory_space<vmem>>, %arg10: memref<32x128xf32, #tpu.memory_space<vmem>>, %arg11: memref<32x128xf32, #tpu.memory_space<vmem>>, %arg12: memref<!tpu.dma_semaphore, #tpu.memory_space<semaphore_mem>>, %arg13: memref<!tpu.dma_semaphore, #tpu.memory_space<semaphore_mem>>) attributes {dimension_semantics = [#tpu.dimension_semantics<core_parallel>, #tpu.dimension_semantics<subcore_parallel>], iteration_bounds = array<i64: 2, 16>, scalar_prefetch = 0 : i64, scratch_operands = 6 : i64, tpu.core_type = #tpu.core_type<sc_vector_subcore>, window_params = [{transform_indices = #map}, {transform_indices = #map}, {transform_indices = #map1}, {transform_indices = #map1}, {transform_indices = #map}, {transform_indices = #map}]} {
    %mul3A = arith.constant 2 : i32
    %mul3A_0 = arith.muli %arg1, %mul3A : i32
    %add3A = arith.addi %mul3A_0, %arg0 : i32
    %mul3A_1 = arith.constant 32 : i32
    %mul3A_2 = arith.muli %add3A, %mul3A_1 : i32
    "tpu.region"() ({
      %run_scoped3A = tpu.sem_alloc : memref<!tpu.dma_semaphore, #tpu.memory_space<semaphore_mem>>
      %dma_start3A_13 = tpu.memref_slice %arg4[%mul3A_2] : memref<1024xi32, #tpu.memory_space<hbm>> -> memref<32xi32, #tpu.memory_space<hbm>>
      %dma_start3A_14 = tpu.memref_slice %arg4[%mul3A_2] : memref<1024xi32, #tpu.memory_space<hbm>> -> memref<32xi32, #tpu.memory_space<hbm>>
      tpu.enqueue_dma source(%dma_start3A_14 : memref<32xi32, #tpu.memory_space<hbm>>) target(%arg8 : memref<32xi32, #tpu.memory_space<vmem>>) target_semaphore(%run_scoped3A : memref<!tpu.dma_semaphore, #tpu.memory_space<semaphore_mem>>)
      %dma_wait3A_15 = tpu.memref_slice %arg4[%mul3A_2] : memref<1024xi32, #tpu.memory_space<hbm>> -> memref<32xi32, #tpu.memory_space<hbm>>
      %dma_wait3A_16 = tpu.memref_slice %arg4[%mul3A_2] : memref<1024xi32, #tpu.memory_space<hbm>> -> memref<32xi32, #tpu.memory_space<hbm>>
      tpu.wait_dma2 semaphore(%run_scoped3A : memref<!tpu.dma_semaphore, #tpu.memory_space<semaphore_mem>>) src(%dma_wait3A_16 : memref<32xi32, #tpu.memory_space<hbm>>) dst(%arg8 : memref<32xi32, #tpu.memory_space<vmem>>)
      tpu.yield
    }) : () -> ()
    "tpu.region"() ({
      %run_scoped3A = tpu.sem_alloc : memref<!tpu.dma_semaphore, #tpu.memory_space<semaphore_mem>>
      %dma_start3A_13 = tpu.memref_slice %arg5[%mul3A_2] : memref<1024xi32, #tpu.memory_space<hbm>> -> memref<32xi32, #tpu.memory_space<hbm>>
      %dma_start3A_14 = tpu.memref_slice %arg5[%mul3A_2] : memref<1024xi32, #tpu.memory_space<hbm>> -> memref<32xi32, #tpu.memory_space<hbm>>
      tpu.enqueue_dma source(%dma_start3A_14 : memref<32xi32, #tpu.memory_space<hbm>>) target(%arg9 : memref<32xi32, #tpu.memory_space<vmem>>) target_semaphore(%run_scoped3A : memref<!tpu.dma_semaphore, #tpu.memory_space<semaphore_mem>>)
      %dma_wait3A_15 = tpu.memref_slice %arg5[%mul3A_2] : memref<1024xi32, #tpu.memory_space<hbm>> -> memref<32xi32, #tpu.memory_space<hbm>>
      %dma_wait3A_16 = tpu.memref_slice %arg5[%mul3A_2] : memref<1024xi32, #tpu.memory_space<hbm>> -> memref<32xi32, #tpu.memory_space<hbm>>
      tpu.wait_dma2 semaphore(%run_scoped3A : memref<!tpu.dma_semaphore, #tpu.memory_space<semaphore_mem>>) src(%dma_wait3A_16 : memref<32xi32, #tpu.memory_space<hbm>>) dst(%arg9 : memref<32xi32, #tpu.memory_space<vmem>>)
      tpu.yield
    }) : () -> ()
    %dma_start3A = arith.constant 0 : i32
    %dma_start3A_3 = arith.constant 0 : i32
    %dma_start3A_4 = tpu.memref_slice %arg2[%dma_start3A, %dma_start3A_3] : memref<50000x128xf32, #tpu.memory_space<hbm>> -> memref<50000x128xf32, #tpu.memory_space<hbm>>
    tpu.enqueue_indirect_dma source(%dma_start3A_4 : memref<50000x128xf32, #tpu.memory_space<hbm>>) target(%arg10 : memref<32x128xf32, #tpu.memory_space<vmem>>) offsets(%arg8 : memref<32xi32, #tpu.memory_space<vmem>>) semaphore(%arg12 : memref<!tpu.dma_semaphore, #tpu.memory_space<semaphore_mem>>)
    %dma_start3A_5 = arith.constant 0 : i32
    %dma_start3A_6 = arith.constant 0 : i32
    %dma_start3A_7 = tpu.memref_slice %arg3[%dma_start3A_5, %dma_start3A_6] : memref<1000x128xf32, #tpu.memory_space<hbm>> -> memref<1000x128xf32, #tpu.memory_space<hbm>>
    tpu.enqueue_indirect_dma source(%dma_start3A_7 : memref<1000x128xf32, #tpu.memory_space<hbm>>) target(%arg11 : memref<32x128xf32, #tpu.memory_space<vmem>>) offsets(%arg9 : memref<32xi32, #tpu.memory_space<vmem>>) semaphore(%arg13 : memref<!tpu.dma_semaphore, #tpu.memory_space<semaphore_mem>>)
    %dma_wait3A = arith.constant 0 : i32
    %dma_wait3A_8 = arith.constant 0 : i32
    %dma_wait3A_9 = tpu.memref_slice %arg2[%dma_wait3A, %dma_wait3A_8] : memref<50000x128xf32, #tpu.memory_space<hbm>> -> memref<50000x128xf32, #tpu.memory_space<hbm>>
    tpu.wait_indirect_dma semaphore(%arg12 : memref<!tpu.dma_semaphore, #tpu.memory_space<semaphore_mem>>) src(%dma_wait3A_9 : memref<50000x128xf32, #tpu.memory_space<hbm>>) dst(%arg10 : memref<32x128xf32, #tpu.memory_space<vmem>>)
    %dma_wait3A_10 = arith.constant 0 : i32
    %dma_wait3A_11 = arith.constant 0 : i32
    %dma_wait3A_12 = tpu.memref_slice %arg3[%dma_wait3A_10, %dma_wait3A_11] : memref<1000x128xf32, #tpu.memory_space<hbm>> -> memref<1000x128xf32, #tpu.memory_space<hbm>>
    tpu.wait_indirect_dma semaphore(%arg13 : memref<!tpu.dma_semaphore, #tpu.memory_space<semaphore_mem>>) src(%dma_wait3A_12 : memref<1000x128xf32, #tpu.memory_space<hbm>>) dst(%arg11 : memref<32x128xf32, #tpu.memory_space<vmem>>)
    "tpu.region"() ({
      %run_scoped3A = tpu.sem_alloc : memref<!tpu.dma_semaphore, #tpu.memory_space<semaphore_mem>>
      %dma_start3A_13 = arith.constant 0 : i32
      %dma_start3A_14 = tpu.memref_slice %arg6[%mul3A_2, %dma_start3A_13] : memref<1024x128xf32, #tpu.memory_space<hbm>> -> memref<32x128xf32, #tpu.memory_space<hbm>>
      %dma_start3A_15 = arith.constant 0 : i32
      %dma_start3A_16 = tpu.memref_slice %arg6[%mul3A_2, %dma_start3A_15] : memref<1024x128xf32, #tpu.memory_space<hbm>> -> memref<32x128xf32, #tpu.memory_space<hbm>>
      tpu.enqueue_dma source(%arg10 : memref<32x128xf32, #tpu.memory_space<vmem>>) target(%dma_start3A_16 : memref<32x128xf32, #tpu.memory_space<hbm>>) target_semaphore(%run_scoped3A : memref<!tpu.dma_semaphore, #tpu.memory_space<semaphore_mem>>)
      %dma_wait3A_17 = arith.constant 0 : i32
      %dma_wait3A_18 = tpu.memref_slice %arg6[%mul3A_2, %dma_wait3A_17] : memref<1024x128xf32, #tpu.memory_space<hbm>> -> memref<32x128xf32, #tpu.memory_space<hbm>>
      %dma_wait3A_19 = arith.constant 0 : i32
      %dma_wait3A_20 = tpu.memref_slice %arg6[%mul3A_2, %dma_wait3A_19] : memref<1024x128xf32, #tpu.memory_space<hbm>> -> memref<32x128xf32, #tpu.memory_space<hbm>>
      tpu.wait_dma2 semaphore(%run_scoped3A : memref<!tpu.dma_semaphore, #tpu.memory_space<semaphore_mem>>) src(%arg10 : memref<32x128xf32, #tpu.memory_space<vmem>>) dst(%dma_wait3A_20 : memref<32x128xf32, #tpu.memory_space<hbm>>)
      tpu.yield
    }) : () -> ()
    "tpu.region"() ({
      %run_scoped3A = tpu.sem_alloc : memref<!tpu.dma_semaphore, #tpu.memory_space<semaphore_mem>>
      %dma_start3A_13 = arith.constant 0 : i32
      %dma_start3A_14 = tpu.memref_slice %arg7[%mul3A_2, %dma_start3A_13] : memref<1024x128xf32, #tpu.memory_space<hbm>> -> memref<32x128xf32, #tpu.memory_space<hbm>>
      %dma_start3A_15 = arith.constant 0 : i32
      %dma_start3A_16 = tpu.memref_slice %arg7[%mul3A_2, %dma_start3A_15] : memref<1024x128xf32, #tpu.memory_space<hbm>> -> memref<32x128xf32, #tpu.memory_space<hbm>>
      tpu.enqueue_dma source(%arg11 : memref<32x128xf32, #tpu.memory_space<vmem>>) target(%dma_start3A_16 : memref<32x128xf32, #tpu.memory_space<hbm>>) target_semaphore(%run_scoped3A : memref<!tpu.dma_semaphore, #tpu.memory_space<semaphore_mem>>)
      %dma_wait3A_17 = arith.constant 0 : i32
      %dma_wait3A_18 = tpu.memref_slice %arg7[%mul3A_2, %dma_wait3A_17] : memref<1024x128xf32, #tpu.memory_space<hbm>> -> memref<32x128xf32, #tpu.memory_space<hbm>>
      %dma_wait3A_19 = arith.constant 0 : i32
      %dma_wait3A_20 = tpu.memref_slice %arg7[%mul3A_2, %dma_wait3A_19] : memref<1024x128xf32, #tpu.memory_space<hbm>> -> memref<32x128xf32, #tpu.memory_space<hbm>>
      tpu.wait_dma2 semaphore(%run_scoped3A : memref<!tpu.dma_semaphore, #tpu.memory_space<semaphore_mem>>) src(%arg11 : memref<32x128xf32, #tpu.memory_space<vmem>>) dst(%dma_wait3A_20 : memref<32x128xf32, #tpu.memory_space<hbm>>)
      tpu.yield
    }) : () -> ()
    return
  }
}

module attributes {stable_mosaic.version = 14 : i64} {
  func.func @_scores_body(%arg0: i32, %arg1: memref<1024x128xf32, #tpu.memory_space<vmem>>, %arg2: memref<2048x128xf32, #tpu.memory_space<vmem>>, %arg3: memref<1024x2048xf32, #tpu.memory_space<vmem>>) attributes {dimension_semantics = [#tpu.dimension_semantics<arbitrary>], iteration_bounds = array<i64: 25>, scalar_prefetch = 0 : i64, scratch_operands = 0 : i64, tpu.core_type = #tpu.core_type<tc>, window_params = [{pipeline_mode = #tpu.pipeline_mode<synchronous>, transform_indices = @transform_0, window_bounds = array<i64: 1024, 128>}, {transform_indices = @transform_1, window_bounds = array<i64: 2048, 128>}, {transform_indices = @transform_2, window_bounds = array<i64: 1024, 2048>}]} {
    %get3A = arith.constant 0 : index
    %get3A_0 = arith.constant 0 : index
    %get3A_1 = vector.load %arg2[%get3A, %get3A_0] : memref<2048x128xf32, #tpu.memory_space<vmem>>, vector<2048x128xf32>
    %tanh3A = math.tanh %get3A_1 : vector<2048x128xf32>
    %get3A_2 = arith.constant 0 : index
    %get3A_3 = arith.constant 0 : index
    %get3A_4 = vector.load %arg1[%get3A_2, %get3A_3] : memref<1024x128xf32, #tpu.memory_space<vmem>>, vector<1024x128xf32>
    %dot_general3A = arith.constant dense<0.000000e+00> : vector<1024x2048xf32>
    %dot_general3A_5 = tpu.matmul %get3A_4, %tanh3A, %dot_general3A {dimension_numbers = #tpu.dot_dimension_numbers<[1], [1], [0], [0], [0, 0, 1, 0], [], []>, transpose_lhs_hint = false} : vector<1024x128xf32>, vector<2048x128xf32>, vector<1024x2048xf32> -> vector<1024x2048xf32>
    %max3A = arith.constant 0.000000e+00 : f32
    %max3A_6 = vector.broadcast %max3A : f32 to vector<1024x2048xf32>
    %max3A_7 = arith.maximumf %dot_general3A_5, %max3A_6 : vector<1024x2048xf32>
    %swap3A = arith.constant 0 : index
    %swap3A_8 = arith.constant 0 : index
    %swap3A_9 = vector.load %arg3[%swap3A, %swap3A_8] : memref<1024x2048xf32, #tpu.memory_space<vmem>>, vector<1024x2048xf32>
    tpu.vector_store %arg3[%swap3A, %swap3A_8], %max3A_7 {strides = array<i32>} : memref<1024x2048xf32, #tpu.memory_space<vmem>>, vector<1024x2048xf32>,
    return
  }
  func.func @transform_0(%arg0: i32) -> (i32, i32) {
    %c0_i32 = arith.constant 0 : i32
    %c0_i32_0 = arith.constant 0 : i32
    %c0_i32_1 = arith.constant 0 : i32
    return %c0_i32, %c0_i32_0 : i32, i32
  }
  func.func @transform_1(%arg0: i32) -> (i32, i32) {
    %c0_i32 = arith.constant 0 : i32
    %c0_i32_0 = arith.constant 0 : i32
    return %arg0, %c0_i32 : i32, i32
  }
  func.func @transform_2(%arg0: i32) -> (i32, i32) {
    %c0_i32 = arith.constant 0 : i32
    %c0_i32_0 = arith.constant 0 : i32
    return %c0_i32, %arg0 : i32, i32
  }
}

module attributes {stable_mosaic.version = 14 : i64} {
  func.func @_front_body(%arg0: i32, %arg1: memref<4xf32, #tpu.memory_space<smem>>, %arg2: memref<6x50xf32, #tpu.memory_space<smem>>, %arg3: memref<50xf32, #tpu.memory_space<smem>>, %arg4: memref<256x128xf32, #tpu.memory_space<vmem>>, %arg5: memref<256x128xf32, #tpu.memory_space<vmem>>, %arg6: memref<50x128x128xf32, #tpu.memory_space<vmem>>, %arg7: memref<1x128xf32, #tpu.memory_space<vmem>>, %arg8: memref<1x128xf32, #tpu.memory_space<vmem>>, %arg9: memref<256x128xf32, #tpu.memory_space<vmem>>) attributes {dimension_semantics = [#tpu.dimension_semantics<arbitrary>], iteration_bounds = array<i64: 4>, scalar_prefetch = 0 : i64, scratch_operands = 0 : i64, tpu.core_type = #tpu.core_type<tc>, window_params = [{transform_indices = @transform_0, window_bounds = array<i64: 4>}, {transform_indices = @transform_1, window_bounds = array<i64: 6, 50>}, {transform_indices = @transform_2, window_bounds = array<i64: 50>}, {transform_indices = @transform_3, window_bounds = array<i64: 256, 128>}, {transform_indices = @transform_4, window_bounds = array<i64: 256, 128>}, {pipeline_mode = #tpu.pipeline_mode<synchronous>, transform_indices = @transform_5, window_bounds = array<i64: 50, 128, 128>}, {pipeline_mode = #tpu.pipeline_mode<synchronous>, transform_indices = @transform_6, window_bounds = array<i64: 1, 128>}, {pipeline_mode = #tpu.pipeline_mode<synchronous>, transform_indices = @transform_7, window_bounds = array<i64: 1, 128>}, {transform_indices = @transform_8, window_bounds = array<i64: 256, 128>}]} {
    %get3A = arith.constant 0 : index
    %get3A_0 = arith.constant 0 : index
    %get3A_1 = vector.load %arg4[%get3A, %get3A_0] : memref<256x128xf32, #tpu.memory_space<vmem>>, vector<256x128xf32>
    %tanh3A = math.tanh %get3A_1 : vector<256x128xf32>
    %get3A_2 = arith.constant 0 : index
    %get3A_3 = memref.load %arg1[%get3A_2] : memref<4xf32, #tpu.memory_space<smem>>
    %mul3A = vector.broadcast %get3A_3 : f32 to vector<256x128xf32>
    %mul3A_4 = arith.mulf %tanh3A, %mul3A : vector<256x128xf32>
    %get3A_5 = arith.constant 1 : index
    %get3A_6 = memref.load %arg1[%get3A_5] : memref<4xf32, #tpu.memory_space<smem>>
    %add3A = vector.broadcast %get3A_6 : f32 to vector<256x128xf32>
    %add3A_7 = arith.addf %mul3A_4, %add3A : vector<256x128xf32>
    %get3A_8 = arith.constant 0 : index
    %get3A_9 = arith.constant 0 : index
    %get3A_10 = vector.load %arg5[%get3A_8, %get3A_9] : memref<256x128xf32, #tpu.memory_space<vmem>>, vector<256x128xf32>
    %get3A_11 = arith.constant 2 : index
    %get3A_12 = memref.load %arg1[%get3A_11] : memref<4xf32, #tpu.memory_space<smem>>
    %mul3A_13 = vector.broadcast %get3A_12 : f32 to vector<256x128xf32>
    %mul3A_14 = arith.mulf %get3A_10, %mul3A_13 : vector<256x128xf32>
    %get3A_15 = arith.constant 3 : index
    %get3A_16 = memref.load %arg1[%get3A_15] : memref<4xf32, #tpu.memory_space<smem>>
    %add3A_17 = vector.broadcast %get3A_16 : f32 to vector<256x128xf32>
    %add3A_18 = arith.addf %mul3A_14, %add3A_17 : vector<256x128xf32>
    %broadcast_in_dim3A = arith.constant 0.000000e+00 : f32
    %broadcast_in_dim3A_19 = vector.broadcast %broadcast_in_dim3A : f32 to vector<256x1xf32>
    %slice3A = vector.extract_strided_slice %add3A_7 {offsets = [0, 0], sizes = [256, 127], strides = [1, 1]} : vector<256x128xf32> to vector<256x127xf32>
    %concatenate3A = tpu.concatenate %broadcast_in_dim3A_19, %slice3A in 1 : vector<256x1xf32>, vector<256x127xf32> -> vector<256x128xf32>
    %slice3A_20 = vector.extract_strided_slice %add3A_7 {offsets = [0, 1], sizes = [256, 127], strides = [1, 1]} : vector<256x128xf32> to vector<256x127xf32>
    %concatenate3A_21 = tpu.concatenate %slice3A_20, %broadcast_in_dim3A_19 in 1 : vector<256x127xf32>, vector<256x1xf32> -> vector<256x128xf32>
    %slice3A_22 = vector.extract_strided_slice %add3A_18 {offsets = [0, 0], sizes = [256, 127], strides = [1, 1]} : vector<256x128xf32> to vector<256x127xf32>
    %concatenate3A_23 = tpu.concatenate %broadcast_in_dim3A_19, %slice3A_22 in 1 : vector<256x1xf32>, vector<256x127xf32> -> vector<256x128xf32>
    %slice3A_24 = vector.extract_strided_slice %add3A_18 {offsets = [0, 1], sizes = [256, 127], strides = [1, 1]} : vector<256x128xf32> to vector<256x127xf32>
    %concatenate3A_25 = tpu.concatenate %slice3A_24, %broadcast_in_dim3A_19 in 1 : vector<256x127xf32>, vector<256x1xf32> -> vector<256x128xf32>
    %broadcast_in_dim3A_26 = arith.constant 0.000000e+00 : f32
    %broadcast_in_dim3A_27 = vector.broadcast %broadcast_in_dim3A_26 : f32 to vector<256x128xf32>
    %get3A_28 = arith.constant 0 : index
    %get3A_29 = arith.constant 0 : index
    %get3A_30 = memref.load %arg2[%get3A_28, %get3A_29] : memref<6x50xf32, #tpu.memory_space<smem>>
    %mul3A_31 = vector.broadcast %get3A_30 : f32 to vector<256x128xf32>
    %mul3A_32 = arith.mulf %concatenate3A, %mul3A_31 : vector<256x128xf32>
    %get3A_33 = arith.constant 1 : index
    %get3A_34 = arith.constant 0 : index
    %get3A_35 = memref.load %arg2[%get3A_33, %get3A_34] : memref<6x50xf32, #tpu.memory_space<smem>>
    %mul3A_36 = vector.broadcast %get3A_35 : f32 to vector<256x128xf32>
    %mul3A_37 = arith.mulf %add3A_7, %mul3A_36 : vector<256x128xf32>
    %add3A_38 = arith.addf %mul3A_32, %mul3A_37 : vector<256x128xf32>
    %get3A_39 = arith.constant 2 : index
    %get3A_40 = arith.constant 0 : index
    %get3A_41 = memref.load %arg2[%get3A_39, %get3A_40] : memref<6x50xf32, #tpu.memory_space<smem>>
    %mul3A_42 = vector.broadcast %get3A_41 : f32 to vector<256x128xf32>
    %mul3A_43 = arith.mulf %concatenate3A_21, %mul3A_42 : vector<256x128xf32>
    %add3A_44 = arith.addf %add3A_38, %mul3A_43 : vector<256x128xf32>
    %get3A_45 = arith.constant 3 : index
    %get3A_46 = arith.constant 0 : index
    %get3A_47 = memref.load %arg2[%get3A_45, %get3A_46] : memref<6x50xf32, #tpu.memory_space<smem>>
    %mul3A_48 = vector.broadcast %get3A_47 : f32 to vector<256x128xf32>
    %mul3A_49 = arith.mulf %concatenate3A_23, %mul3A_48 : vector<256x128xf32>
    %add3A_50 = arith.addf %add3A_44, %mul3A_49 : vector<256x128xf32>
    %get3A_51 = arith.constant 4 : index
    %get3A_52 = arith.constant 0 : index
    %get3A_53 = memref.load %arg2[%get3A_51, %get3A_52] : memref<6x50xf32, #tpu.memory_space<smem>>
    %mul3A_54 = vector.broadcast %get3A_53 : f32 to vector<256x128xf32>
    %mul3A_55 = arith.mulf %add3A_18, %mul3A_54 : vector<256x128xf32>
    %add3A_56 = arith.addf %add3A_50, %mul3A_55 : vector<256x128xf32>
    %get3A_57 = arith.constant 5 : index
    %get3A_58 = arith.constant 0 : index
    %get3A_59 = memref.load %arg2[%get3A_57, %get3A_58] : memref<6x50xf32, #tpu.memory_space<smem>>
    %mul3A_60 = vector.broadcast %get3A_59 : f32 to vector<256x128xf32>
    %mul3A_61 = arith.mulf %concatenate3A_25, %mul3A_60 : vector<256x128xf32>
    %add3A_62 = arith.addf %add3A_56, %mul3A_61 : vector<256x128xf32>
    %get3A_63 = arith.constant 0 : index
    %get3A_64 = memref.load %arg3[%get3A_63] : memref<50xf32, #tpu.memory_space<smem>>
    %add3A_65 = vector.broadcast %get3A_64 : f32 to vector<256x128xf32>
    %add3A_66 = arith.addf %add3A_62, %add3A_65 : vector<256x128xf32>
    %max3A = arith.constant 0.000000e+00 : f32
    %max3A_67 = vector.broadcast %max3A : f32 to vector<256x128xf32>
    %max3A_68 = arith.maximumf %add3A_66, %max3A_67 : vector<256x128xf32>
    %get3A_69 = arith.constant 0 : index
    %get3A_70 = arith.constant 0 : index
    %get3A_71 = arith.constant 0 : index
    %get3A_72 = vector.load %arg6[%get3A_69, %get3A_70, %get3A_71] : memref<50x128x128xf32, #tpu.memory_space<vmem>>, vector<1x128x128xf32>
    %get3A_73 = vector.shape_cast %get3A_72 : vector<1x128x128xf32> to vector<128x128xf32>
    %dot_general3A = arith.constant dense<0.000000e+00> : vector<256x128xf32>
    %dot_general3A_74 = tpu.matmul %max3A_68, %get3A_73, %dot_general3A {dimension_numbers = #tpu.dot_dimension_numbers<[1], [0], [0], [1], [0, 0, 1, 1], [], []>, transpose_lhs_hint = false} : vector<256x128xf32>, vector<128x128xf32>, vector<256x128xf32> -> vector<256x128xf32>
    %add3A_75 = arith.addf %broadcast_in_dim3A_27, %dot_general3A_74 : vector<256x128xf32>
    %get3A_76 = arith.constant 0 : index
    %get3A_77 = arith.constant 1 : index
    %get3A_78 = memref.load %arg2[%get3A_76, %get3A_77] : memref<6x50xf32, #tpu.memory_space<smem>>
    %mul3A_79 = vector.broadcast %get3A_78 : f32 to vector<256x128xf32>
    %mul3A_80 = arith.mulf %concatenate3A, %mul3A_79 : vector<256x128xf32>
    %get3A_81 = arith.constant 1 : index
    %get3A_82 = arith.constant 1 : index
    %get3A_83 = memref.load %arg2[%get3A_81, %get3A_82] : memref<6x50xf32, #tpu.memory_space<smem>>
    %mul3A_84 = vector.broadcast %get3A_83 : f32 to vector<256x128xf32>
    %mul3A_85 = arith.mulf %add3A_7, %mul3A_84 : vector<256x128xf32>
    %add3A_86 = arith.addf %mul3A_80, %mul3A_85 : vector<256x128xf32>
    %get3A_87 = arith.constant 2 : index
    %get3A_88 = arith.constant 1 : index
    %get3A_89 = memref.load %arg2[%get3A_87, %get3A_88] : memref<6x50xf32, #tpu.memory_space<smem>>
    %mul3A_90 = vector.broadcast %get3A_89 : f32 to vector<256x128xf32>
    %mul3A_91 = arith.mulf %concatenate3A_21, %mul3A_90 : vector<256x128xf32>
    %add3A_92 = arith.addf %add3A_86, %mul3A_91 : vector<256x128xf32>
    %get3A_93 = arith.constant 3 : index
    %get3A_94 = arith.constant 1 : index
    %get3A_95 = memref.load %arg2[%get3A_93, %get3A_94] : memref<6x50xf32, #tpu.memory_space<smem>>
    %mul3A_96 = vector.broadcast %get3A_95 : f32 to vector<256x128xf32>
    %mul3A_97 = arith.mulf %concatenate3A_23, %mul3A_96 : vector<256x128xf32>
    %add3A_98 = arith.addf %add3A_92, %mul3A_97 : vector<256x128xf32>
    %get3A_99 = arith.constant 4 : index
    %get3A_100 = arith.constant 1 : index
    %get3A_101 = memref.load %arg2[%get3A_99, %get3A_100] : memref<6x50xf32, #tpu.memory_space<smem>>
    %mul3A_102 = vector.broadcast %get3A_101 : f32 to vector<256x128xf32>
    %mul3A_103 = arith.mulf %add3A_18, %mul3A_102 : vector<256x128xf32>
    %add3A_104 = arith.addf %add3A_98, %mul3A_103 : vector<256x128xf32>
    %get3A_105 = arith.constant 5 : index
    %get3A_106 = arith.constant 1 : index
    %get3A_107 = memref.load %arg2[%get3A_105, %get3A_106] : memref<6x50xf32, #tpu.memory_space<smem>>
    %mul3A_108 = vector.broadcast %get3A_107 : f32 to vector<256x128xf32>
    %mul3A_109 = arith.mulf %concatenate3A_25, %mul3A_108 : vector<256x128xf32>
    %add3A_110 = arith.addf %add3A_104, %mul3A_109 : vector<256x128xf32>
    %get3A_111 = arith.constant 1 : index
    %get3A_112 = memref.load %arg3[%get3A_111] : memref<50xf32, #tpu.memory_space<smem>>
    %add3A_113 = vector.broadcast %get3A_112 : f32 to vector<256x128xf32>
    %add3A_114 = arith.addf %add3A_110, %add3A_113 : vector<256x128xf32>
    %max3A_115 = arith.constant 0.000000e+00 : f32
    %max3A_116 = vector.broadcast %max3A_115 : f32 to vector<256x128xf32>
    %max3A_117 = arith.maximumf %add3A_114, %max3A_116 : vector<256x128xf32>
    %get3A_118 = arith.constant 1 : index
    %get3A_119 = arith.constant 0 : index
    %get3A_120 = arith.constant 0 : index
    %get3A_121 = vector.load %arg6[%get3A_118, %get3A_119, %get3A_120] : memref<50x128x128xf32, #tpu.memory_space<vmem>>, vector<1x128x128xf32>
    %get3A_122 = vector.shape_cast %get3A_121 : vector<1x128x128xf32> to vector<128x128xf32>
    %dot_general3A_123 = arith.constant dense<0.000000e+00> : vector<256x128xf32>
    %dot_general3A_124 = tpu.matmul %max3A_117, %get3A_122, %dot_general3A_123 {dimension_numbers = #tpu.dot_dimension_numbers<[1], [0], [0], [1], [0, 0, 1, 1], [], []>, transpose_lhs_hint = false} : vector<256x128xf32>, vector<128x128xf32>, vector<256x128xf32> -> vector<256x128xf32>
    %add3A_125 = arith.addf %add3A_75, %dot_general3A_124 : vector<256x128xf32>
    %get3A_126 = arith.constant 0 : index
    %get3A_127 = arith.constant 2 : index
    %get3A_128 = memref.load %arg2[%get3A_126, %get3A_127] : memref<6x50xf32, #tpu.memory_space<smem>>
    %mul3A_129 = vector.broadcast %get3A_128 : f32 to vector<256x128xf32>
    %mul3A_130 = arith.mulf %concatenate3A, %mul3A_129 : vector<256x128xf32>
    %get3A_131 = arith.constant 1 : index
    %get3A_132 = arith.constant 2 : index
    %get3A_133 = memref.load %arg2[%get3A_131, %get3A_132] : memref<6x50xf32, #tpu.memory_space<smem>>
    %mul3A_134 = vector.broadcast %get3A_133 : f32 to vector<256x128xf32>
    %mul3A_135 = arith.mulf %add3A_7, %mul3A_134 : vector<256x128xf32>
    %add3A_136 = arith.addf %mul3A_130, %mul3A_135 : vector<256x128xf32>
    %get3A_137 = arith.constant 2 : index
    %get3A_138 = arith.constant 2 : index
    %get3A_139 = memref.load %arg2[%get3A_137, %get3A_138] : memref<6x50xf32, #tpu.memory_space<smem>>
    %mul3A_140 = vector.broadcast %get3A_139 : f32 to vector<256x128xf32>
    %mul3A_141 = arith.mulf %concatenate3A_21, %mul3A_140 : vector<256x128xf32>
    %add3A_142 = arith.addf %add3A_136, %mul3A_141 : vector<256x128xf32>
    %get3A_143 = arith.constant 3 : index
    %get3A_144 = arith.constant 2 : index
    %get3A_145 = memref.load %arg2[%get3A_143, %get3A_144] : memref<6x50xf32, #tpu.memory_space<smem>>
    %mul3A_146 = vector.broadcast %get3A_145 : f32 to vector<256x128xf32>
    %mul3A_147 = arith.mulf %concatenate3A_23, %mul3A_146 : vector<256x128xf32>
    %add3A_148 = arith.addf %add3A_142, %mul3A_147 : vector<256x128xf32>
    %get3A_149 = arith.constant 4 : index
    %get3A_150 = arith.constant 2 : index
    %get3A_151 = memref.load %arg2[%get3A_149, %get3A_150] : memref<6x50xf32, #tpu.memory_space<smem>>
    %mul3A_152 = vector.broadcast %get3A_151 : f32 to vector<256x128xf32>
    %mul3A_153 = arith.mulf %add3A_18, %mul3A_152 : vector<256x128xf32>
    %add3A_154 = arith.addf %add3A_148, %mul3A_153 : vector<256x128xf32>
    %get3A_155 = arith.constant 5 : index
    %get3A_156 = arith.constant 2 : index
    %get3A_157 = memref.load %arg2[%get3A_155, %get3A_156] : memref<6x50xf32, #tpu.memory_space<smem>>
    %mul3A_158 = vector.broadcast %get3A_157 : f32 to vector<256x128xf32>
    %mul3A_159 = arith.mulf %concatenate3A_25, %mul3A_158 : vector<256x128xf32>
    %add3A_160 = arith.addf %add3A_154, %mul3A_159 : vector<256x128xf32>
    %get3A_161 = arith.constant 2 : index
    %get3A_162 = memref.load %arg3[%get3A_161] : memref<50xf32, #tpu.memory_space<smem>>
    %add3A_163 = vector.broadcast %get3A_162 : f32 to vector<256x128xf32>
    %add3A_164 = arith.addf %add3A_160, %add3A_163 : vector<256x128xf32>
    %max3A_165 = arith.constant 0.000000e+00 : f32
    %max3A_166 = vector.broadcast %max3A_165 : f32 to vector<256x128xf32>
    %max3A_167 = arith.maximumf %add3A_164, %max3A_166 : vector<256x128xf32>
    %get3A_168 = arith.constant 2 : index
    %get3A_169 = arith.constant 0 : index
    %get3A_170 = arith.constant 0 : index
    %get3A_171 = vector.load %arg6[%get3A_168, %get3A_169, %get3A_170] : memref<50x128x128xf32, #tpu.memory_space<vmem>>, vector<1x128x128xf32>
    %get3A_172 = vector.shape_cast %get3A_171 : vector<1x128x128xf32> to vector<128x128xf32>
    %dot_general3A_173 = arith.constant dense<0.000000e+00> : vector<256x128xf32>
    %dot_general3A_174 = tpu.matmul %max3A_167, %get3A_172, %dot_general3A_173 {dimension_numbers = #tpu.dot_dimension_numbers<[1], [0], [0], [1], [0, 0, 1, 1], [], []>, transpose_lhs_hint = false} : vector<256x128xf32>, vector<128x128xf32>, vector<256x128xf32> -> vector<256x128xf32>
    %add3A_175 = arith.addf %add3A_125, %dot_general3A_174 : vector<256x128xf32>
    %get3A_176 = arith.constant 0 : index
    %get3A_177 = arith.constant 3 : index
    %get3A_178 = memref.load %arg2[%get3A_176, %get3A_177] : memref<6x50xf32, #tpu.memory_space<smem>>
    %mul3A_179 = vector.broadcast %get3A_178 : f32 to vector<256x128xf32>
    %mul3A_180 = arith.mulf %concatenate3A, %mul3A_179 : vector<256x128xf32>
    %get3A_181 = arith.constant 1 : index
    %get3A_182 = arith.constant 3 : index
    %get3A_183 = memref.load %arg2[%get3A_181, %get3A_182] : memref<6x50xf32, #tpu.memory_space<smem>>
    %mul3A_184 = vector.broadcast %get3A_183 : f32 to vector<256x128xf32>
    %mul3A_185 = arith.mulf %add3A_7, %mul3A_184 : vector<256x128xf32>
    %add3A_186 = arith.addf %mul3A_180, %mul3A_185 : vector<256x128xf32>
    %get3A_187 = arith.constant 2 : index
    %get3A_188 = arith.constant 3 : index
    %get3A_189 = memref.load %arg2[%get3A_187, %get3A_188] : memref<6x50xf32, #tpu.memory_space<smem>>
    %mul3A_190 = vector.broadcast %get3A_189 : f32 to vector<256x128xf32>
    %mul3A_191 = arith.mulf %concatenate3A_21, %mul3A_190 : vector<256x128xf32>
    %add3A_192 = arith.addf %add3A_186, %mul3A_191 : vector<256x128xf32>
    %get3A_193 = arith.constant 3 : index
    %get3A_194 = arith.constant 3 : index
    %get3A_195 = memref.load %arg2[%get3A_193, %get3A_194] : memref<6x50xf32, #tpu.memory_space<smem>>
    %mul3A_196 = vector.broadcast %get3A_195 : f32 to vector<256x128xf32>
    %mul3A_197 = arith.mulf %concatenate3A_23, %mul3A_196 : vector<256x128xf32>
    %add3A_198 = arith.addf %add3A_192, %mul3A_197 : vector<256x128xf32>
    %get3A_199 = arith.constant 4 : index
    %get3A_200 = arith.constant 3 : index
    %get3A_201 = memref.load %arg2[%get3A_199, %get3A_200] : memref<6x50xf32, #tpu.memory_space<smem>>
    %mul3A_202 = vector.broadcast %get3A_201 : f32 to vector<256x128xf32>
    %mul3A_203 = arith.mulf %add3A_18, %mul3A_202 : vector<256x128xf32>
    %add3A_204 = arith.addf %add3A_198, %mul3A_203 : vector<256x128xf32>
    %get3A_205 = arith.constant 5 : index
    %get3A_206 = arith.constant 3 : index
    %get3A_207 = memref.load %arg2[%get3A_205, %get3A_206] : memref<6x50xf32, #tpu.memory_space<smem>>
    %mul3A_208 = vector.broadcast %get3A_207 : f32 to vector<256x128xf32>
    %mul3A_209 = arith.mulf %concatenate3A_25, %mul3A_208 : vector<256x128xf32>
    %add3A_210 = arith.addf %add3A_204, %mul3A_209 : vector<256x128xf32>
    %get3A_211 = arith.constant 3 : index
    %get3A_212 = memref.load %arg3[%get3A_211] : memref<50xf32, #tpu.memory_space<smem>>
    %add3A_213 = vector.broadcast %get3A_212 : f32 to vector<256x128xf32>
    %add3A_214 = arith.addf %add3A_210, %add3A_213 : vector<256x128xf32>
    %max3A_215 = arith.constant 0.000000e+00 : f32
    %max3A_216 = vector.broadcast %max3A_215 : f32 to vector<256x128xf32>
    %max3A_217 = arith.maximumf %add3A_214, %max3A_216 : vector<256x128xf32>
    %get3A_218 = arith.constant 3 : index
    %get3A_219 = arith.constant 0 : index
    %get3A_220 = arith.constant 0 : index
    %get3A_221 = vector.load %arg6[%get3A_218, %get3A_219, %get3A_220] : memref<50x128x128xf32, #tpu.memory_space<vmem>>, vector<1x128x128xf32>
    %get3A_222 = vector.shape_cast %get3A_221 : vector<1x128x128xf32> to vector<128x128xf32>
    %dot_general3A_223 = arith.constant dense<0.000000e+00> : vector<256x128xf32>
    %dot_general3A_224 = tpu.matmul %max3A_217, %get3A_222, %dot_general3A_223 {dimension_numbers = #tpu.dot_dimension_numbers<[1], [0], [0], [1], [0, 0, 1, 1], [], []>, transpose_lhs_hint = false} : vector<256x128xf32>, vector<128x128xf32>, vector<256x128xf32> -> vector<256x128xf32>
    %add3A_225 = arith.addf %add3A_175, %dot_general3A_224 : vector<256x128xf32>
    %get3A_226 = arith.constant 0 : index
    %get3A_227 = arith.constant 4 : index
    %get3A_228 = memref.load %arg2[%get3A_226, %get3A_227] : memref<6x50xf32, #tpu.memory_space<smem>>
    %mul3A_229 = vector.broadcast %get3A_228 : f32 to vector<256x128xf32>
    %mul3A_230 = arith.mulf %concatenate3A, %mul3A_229 : vector<256x128xf32>
    %get3A_231 = arith.constant 1 : index
    %get3A_232 = arith.constant 4 : index
    %get3A_233 = memref.load %arg2[%get3A_231, %get3A_232] : memref<6x50xf32, #tpu.memory_space<smem>>
    %mul3A_234 = vector.broadcast %get3A_233 : f32 to vector<256x128xf32>
    %mul3A_235 = arith.mulf %add3A_7, %mul3A_234 : vector<256x128xf32>
    %add3A_236 = arith.addf %mul3A_230, %mul3A_235 : vector<256x128xf32>
    %get3A_237 = arith.constant 2 : index
    %get3A_238 = arith.constant 4 : index
    %get3A_239 = memref.load %arg2[%get3A_237, %get3A_238] : memref<6x50xf32, #tpu.memory_space<smem>>
    %mul3A_240 = vector.broadcast %get3A_239 : f32 to vector<256x128xf32>
    %mul3A_241 = arith.mulf %concatenate3A_21, %mul3A_240 : vector<256x128xf32>
    %add3A_242 = arith.addf %add3A_236, %mul3A_241 : vector<256x128xf32>
    %get3A_243 = arith.constant 3 : index
    %get3A_244 = arith.constant 4 : index
    %get3A_245 = memref.load %arg2[%get3A_243, %get3A_244] : memref<6x50xf32, #tpu.memory_space<smem>>
    %mul3A_246 = vector.broadcast %get3A_245 : f32 to vector<256x128xf32>
    %mul3A_247 = arith.mulf %concatenate3A_23, %mul3A_246 : vector<256x128xf32>
    %add3A_248 = arith.addf %add3A_242, %mul3A_247 : vector<256x128xf32>
    %get3A_249 = arith.constant 4 : index
    %get3A_250 = arith.constant 4 : index
    %get3A_251 = memref.load %arg2[%get3A_249, %get3A_250] : memref<6x50xf32, #tpu.memory_space<smem>>
    %mul3A_252 = vector.broadcast %get3A_251 : f32 to vector<256x128xf32>
    %mul3A_253 = arith.mulf %add3A_18, %mul3A_252 : vector<256x128xf32>
    %add3A_254 = arith.addf %add3A_248, %mul3A_253 : vector<256x128xf32>
    %get3A_255 = arith.constant 5 : index
    %get3A_256 = arith.constant 4 : index
    %get3A_257 = memref.load %arg2[%get3A_255, %get3A_256] : memref<6x50xf32, #tpu.memory_space<smem>>
    %mul3A_258 = vector.broadcast %get3A_257 : f32 to vector<256x128xf32>
    %mul3A_259 = arith.mulf %concatenate3A_25, %mul3A_258 : vector<256x128xf32>
    %add3A_260 = arith.addf %add3A_254, %mul3A_259 : vector<256x128xf32>
    %get3A_261 = arith.constant 4 : index
    %get3A_262 = memref.load %arg3[%get3A_261] : memref<50xf32, #tpu.memory_space<smem>>
    %add3A_263 = vector.broadcast %get3A_262 : f32 to vector<256x128xf32>
    %add3A_264 = arith.addf %add3A_260, %add3A_263 : vector<256x128xf32>
    %max3A_265 = arith.constant 0.000000e+00 : f32
    %max3A_266 = vector.broadcast %max3A_265 : f32 to vector<256x128xf32>
    %max3A_267 = arith.maximumf %add3A_264, %max3A_266 : vector<256x128xf32>
    %get3A_268 = arith.constant 4 : index
    %get3A_269 = arith.constant 0 : index
    %get3A_270 = arith.constant 0 : index
    %get3A_271 = vector.load %arg6[%get3A_268, %get3A_269, %get3A_270] : memref<50x128x128xf32, #tpu.memory_space<vmem>>, vector<1x128x128xf32>
    %get3A_272 = vector.shape_cast %get3A_271 : vector<1x128x128xf32> to vector<128x128xf32>
    %dot_general3A_273 = arith.constant dense<0.000000e+00> : vector<256x128xf32>
    %dot_general3A_274 = tpu.matmul %max3A_267, %get3A_272, %dot_general3A_273 {dimension_numbers = #tpu.dot_dimension_numbers<[1], [0], [0], [1], [0, 0, 1, 1], [], []>, transpose_lhs_hint = false} : vector<256x128xf32>, vector<128x128xf32>, vector<256x128xf32> -> vector<256x128xf32>
    %add3A_275 = arith.addf %add3A_225, %dot_general3A_274 : vector<256x128xf32>
    %get3A_276 = arith.constant 0 : index
    %get3A_277 = arith.constant 5 : index
    %get3A_278 = memref.load %arg2[%get3A_276, %get3A_277] : memref<6x50xf32, #tpu.memory_space<smem>>
    %mul3A_279 = vector.broadcast %get3A_278 : f32 to vector<256x128xf32>
    %mul3A_280 = arith.mulf %concatenate3A, %mul3A_279 : vector<256x128xf32>
    %get3A_281 = arith.constant 1 : index
    %get3A_282 = arith.constant 5 : index
    %get3A_283 = memref.load %arg2[%get3A_281, %get3A_282] : memref<6x50xf32, #tpu.memory_space<smem>>
    %mul3A_284 = vector.broadcast %get3A_283 : f32 to vector<256x128xf32>
    %mul3A_285 = arith.mulf %add3A_7, %mul3A_284 : vector<256x128xf32>
    %add3A_286 = arith.addf %mul3A_280, %mul3A_285 : vector<256x128xf32>
    %get3A_287 = arith.constant 2 : index
    %get3A_288 = arith.constant 5 : index
    %get3A_289 = memref.load %arg2[%get3A_287, %get3A_288] : memref<6x50xf32, #tpu.memory_space<smem>>
    %mul3A_290 = vector.broadcast %get3A_289 : f32 to vector<256x128xf32>
    %mul3A_291 = arith.mulf %concatenate3A_21, %mul3A_290 : vector<256x128xf32>
    %add3A_292 = arith.addf %add3A_286, %mul3A_291 : vector<256x128xf32>
    %get3A_293 = arith.constant 3 : index
    %get3A_294 = arith.constant 5 : index
    %get3A_295 = memref.load %arg2[%get3A_293, %get3A_294] : memref<6x50xf32, #tpu.memory_space<smem>>
    %mul3A_296 = vector.broadcast %get3A_295 : f32 to vector<256x128xf32>
    %mul3A_297 = arith.mulf %concatenate3A_23, %mul3A_296 : vector<256x128xf32>
    %add3A_298 = arith.addf %add3A_292, %mul3A_297 : vector<256x128xf32>
    %get3A_299 = arith.constant 4 : index
    %get3A_300 = arith.constant 5 : index
    %get3A_301 = memref.load %arg2[%get3A_299, %get3A_300] : memref<6x50xf32, #tpu.memory_space<smem>>
    %mul3A_302 = vector.broadcast %get3A_301 : f32 to vector<256x128xf32>
    %mul3A_303 = arith.mulf %add3A_18, %mul3A_302 : vector<256x128xf32>
    %add3A_304 = arith.addf %add3A_298, %mul3A_303 : vector<256x128xf32>
    %get3A_305 = arith.constant 5 : index
    %get3A_306 = arith.constant 5 : index
    %get3A_307 = memref.load %arg2[%get3A_305, %get3A_306] : memref<6x50xf32, #tpu.memory_space<smem>>
    %mul3A_308 = vector.broadcast %get3A_307 : f32 to vector<256x128xf32>
    %mul3A_309 = arith.mulf %concatenate3A_25, %mul3A_308 : vector<256x128xf32>
    %add3A_310 = arith.addf %add3A_304, %mul3A_309 : vector<256x128xf32>
    %get3A_311 = arith.constant 5 : index
    %get3A_312 = memref.load %arg3[%get3A_311] : memref<50xf32, #tpu.memory_space<smem>>
    %add3A_313 = vector.broadcast %get3A_312 : f32 to vector<256x128xf32>
    %add3A_314 = arith.addf %add3A_310, %add3A_313 : vector<256x128xf32>
    %max3A_315 = arith.constant 0.000000e+00 : f32
    %max3A_316 = vector.broadcast %max3A_315 : f32 to vector<256x128xf32>
    %max3A_317 = arith.maximumf %add3A_314, %max3A_316 : vector<256x128xf32>
    %get3A_318 = arith.constant 5 : index
    %get3A_319 = arith.constant 0 : index
    %get3A_320 = arith.constant 0 : index
    %get3A_321 = vector.load %arg6[%get3A_318, %get3A_319, %get3A_320] : memref<50x128x128xf32, #tpu.memory_space<vmem>>, vector<1x128x128xf32>
    %get3A_322 = vector.shape_cast %get3A_321 : vector<1x128x128xf32> to vector<128x128xf32>
    %dot_general3A_323 = arith.constant dense<0.000000e+00> : vector<256x128xf32>
    %dot_general3A_324 = tpu.matmul %max3A_317, %get3A_322, %dot_general3A_323 {dimension_numbers = #tpu.dot_dimension_numbers<[1], [0], [0], [1], [0, 0, 1, 1], [], []>, transpose_lhs_hint = false} : vector<256x128xf32>, vector<128x128xf32>, vector<256x128xf32> -> vector<256x128xf32>
    %add3A_325 = arith.addf %add3A_275, %dot_general3A_324 : vector<256x128xf32>
    %get3A_326 = arith.constant 0 : index
    %get3A_327 = arith.constant 6 : index
    %get3A_328 = memref.load %arg2[%get3A_326, %get3A_327] : memref<6x50xf32, #tpu.memory_space<smem>>
    %mul3A_329 = vector.broadcast %get3A_328 : f32 to vector<256x128xf32>
    %mul3A_330 = arith.mulf %concatenate3A, %mul3A_329 : vector<256x128xf32>
    %get3A_331 = arith.constant 1 : index
    %get3A_332 = arith.constant 6 : index
    %get3A_333 = memref.load %arg2[%get3A_331, %get3A_332] : memref<6x50xf32, #tpu.memory_space<smem>>
    %mul3A_334 = vector.broadcast %get3A_333 : f32 to vector<256x128xf32>
    %mul3A_335 = arith.mulf %add3A_7, %mul3A_334 : vector<256x128xf32>
    %add3A_336 = arith.addf %mul3A_330, %mul3A_335 : vector<256x128xf32>
    %get3A_337 = arith.constant 2 : index
    %get3A_338 = arith.constant 6 : index
    %get3A_339 = memref.load %arg2[%get3A_337, %get3A_338] : memref<6x50xf32, #tpu.memory_space<smem>>
    %mul3A_340 = vector.broadcast %get3A_339 : f32 to vector<256x128xf32>
    %mul3A_341 = arith.mulf %concatenate3A_21, %mul3A_340 : vector<256x128xf32>
    %add3A_342 = arith.addf %add3A_336, %mul3A_341 : vector<256x128xf32>
    %get3A_343 = arith.constant 3 : index
    %get3A_344 = arith.constant 6 : index
    %get3A_345 = memref.load %arg2[%get3A_343, %get3A_344] : memref<6x50xf32, #tpu.memory_space<smem>>
    %mul3A_346 = vector.broadcast %get3A_345 : f32 to vector<256x128xf32>
    %mul3A_347 = arith.mulf %concatenate3A_23, %mul3A_346 : vector<256x128xf32>
    %add3A_348 = arith.addf %add3A_342, %mul3A_347 : vector<256x128xf32>
    %get3A_349 = arith.constant 4 : index
    %get3A_350 = arith.constant 6 : index
    %get3A_351 = memref.load %arg2[%get3A_349, %get3A_350] : memref<6x50xf32, #tpu.memory_space<smem>>
    %mul3A_352 = vector.broadcast %get3A_351 : f32 to vector<256x128xf32>
    %mul3A_353 = arith.mulf %add3A_18, %mul3A_352 : vector<256x128xf32>
    %add3A_354 = arith.addf %add3A_348, %mul3A_353 : vector<256x128xf32>
    %get3A_355 = arith.constant 5 : index
    %get3A_356 = arith.constant 6 : index
    %get3A_357 = memref.load %arg2[%get3A_355, %get3A_356] : memref<6x50xf32, #tpu.memory_space<smem>>
    %mul3A_358 = vector.broadcast %get3A_357 : f32 to vector<256x128xf32>
    %mul3A_359 = arith.mulf %concatenate3A_25, %mul3A_358 : vector<256x128xf32>
    %add3A_360 = arith.addf %add3A_354, %mul3A_359 : vector<256x128xf32>
    %get3A_361 = arith.constant 6 : index
    %get3A_362 = memref.load %arg3[%get3A_361] : memref<50xf32, #tpu.memory_space<smem>>
    %add3A_363 = vector.broadcast %get3A_362 : f32 to vector<256x128xf32>
    %add3A_364 = arith.addf %add3A_360, %add3A_363 : vector<256x128xf32>
    %max3A_365 = arith.constant 0.000000e+00 : f32
    %max3A_366 = vector.broadcast %max3A_365 : f32 to vector<256x128xf32>
    %max3A_367 = arith.maximumf %add3A_364, %max3A_366 : vector<256x128xf32>
    %get3A_368 = arith.constant 6 : index
    %get3A_369 = arith.constant 0 : index
    %get3A_370 = arith.constant 0 : index
    %get3A_371 = vector.load %arg6[%get3A_368, %get3A_369, %get3A_370] : memref<50x128x128xf32, #tpu.memory_space<vmem>>, vector<1x128x128xf32>
    %get3A_372 = vector.shape_cast %get3A_371 : vector<1x128x128xf32> to vector<128x128xf32>
    %dot_general3A_373 = arith.constant dense<0.000000e+00> : vector<256x128xf32>
    %dot_general3A_374 = tpu.matmul %max3A_367, %get3A_372, %dot_general3A_373 {dimension_numbers = #tpu.dot_dimension_numbers<[1], [0], [0], [1], [0, 0, 1, 1], [], []>, transpose_lhs_hint = false} : vector<256x128xf32>, vector<128x128xf32>, vector<256x128xf32> -> vector<256x128xf32>
    %add3A_375 = arith.addf %add3A_325, %dot_general3A_374 : vector<256x128xf32>
    %get3A_376 = arith.constant 0 : index
    %get3A_377 = arith.constant 7 : index
    %get3A_378 = memref.load %arg2[%get3A_376, %get3A_377] : memref<6x50xf32, #tpu.memory_space<smem>>
    %mul3A_379 = vector.broadcast %get3A_378 : f32 to vector<256x128xf32>
    %mul3A_380 = arith.mulf %concatenate3A, %mul3A_379 : vector<256x128xf32>
    %get3A_381 = arith.constant 1 : index
    %get3A_382 = arith.constant 7 : index
    %get3A_383 = memref.load %arg2[%get3A_381, %get3A_382] : memref<6x50xf32, #tpu.memory_space<smem>>
    %mul3A_384 = vector.broadcast %get3A_383 : f32 to vector<256x128xf32>
    %mul3A_385 = arith.mulf %add3A_7, %mul3A_384 : vector<256x128xf32>
    %add3A_386 = arith.addf %mul3A_380, %mul3A_385 : vector<256x128xf32>
    %get3A_387 = arith.constant 2 : index
    %get3A_388 = arith.constant 7 : index
    %get3A_389 = memref.load %arg2[%get3A_387, %get3A_388] : memref<6x50xf32, #tpu.memory_space<smem>>
    %mul3A_390 = vector.broadcast %get3A_389 : f32 to vector<256x128xf32>
    %mul3A_391 = arith.mulf %concatenate3A_21, %mul3A_390 : vector<256x128xf32>
    %add3A_392 = arith.addf %add3A_386, %mul3A_391 : vector<256x128xf32>
    %get3A_393 = arith.constant 3 : index
    %get3A_394 = arith.constant 7 : index
    %get3A_395 = memref.load %arg2[%get3A_393, %get3A_394] : memref<6x50xf32, #tpu.memory_space<smem>>
    %mul3A_396 = vector.broadcast %get3A_395 : f32 to vector<256x128xf32>
    %mul3A_397 = arith.mulf %concatenate3A_23, %mul3A_396 : vector<256x128xf32>
    %add3A_398 = arith.addf %add3A_392, %mul3A_397 : vector<256x128xf32>
    %get3A_399 = arith.constant 4 : index
    %get3A_400 = arith.constant 7 : index
    %get3A_401 = memref.load %arg2[%get3A_399, %get3A_400] : memref<6x50xf32, #tpu.memory_space<smem>>
    %mul3A_402 = vector.broadcast %get3A_401 : f32 to vector<256x128xf32>
    %mul3A_403 = arith.mulf %add3A_18, %mul3A_402 : vector<256x128xf32>
    %add3A_404 = arith.addf %add3A_398, %mul3A_403 : vector<256x128xf32>
    %get3A_405 = arith.constant 5 : index
    %get3A_406 = arith.constant 7 : index
    %get3A_407 = memref.load %arg2[%get3A_405, %get3A_406] : memref<6x50xf32, #tpu.memory_space<smem>>
    %mul3A_408 = vector.broadcast %get3A_407 : f32 to vector<256x128xf32>
    %mul3A_409 = arith.mulf %concatenate3A_25, %mul3A_408 : vector<256x128xf32>
    %add3A_410 = arith.addf %add3A_404, %mul3A_409 : vector<256x128xf32>
    %get3A_411 = arith.constant 7 : index
    %get3A_412 = memref.load %arg3[%get3A_411] : memref<50xf32, #tpu.memory_space<smem>>
    %add3A_413 = vector.broadcast %get3A_412 : f32 to vector<256x128xf32>
    %add3A_414 = arith.addf %add3A_410, %add3A_413 : vector<256x128xf32>
    %max3A_415 = arith.constant 0.000000e+00 : f32
    %max3A_416 = vector.broadcast %max3A_415 : f32 to vector<256x128xf32>
    %max3A_417 = arith.maximumf %add3A_414, %max3A_416 : vector<256x128xf32>
    %get3A_418 = arith.constant 7 : index
    %get3A_419 = arith.constant 0 : index
    %get3A_420 = arith.constant 0 : index
    %get3A_421 = vector.load %arg6[%get3A_418, %get3A_419, %get3A_420] : memref<50x128x128xf32, #tpu.memory_space<vmem>>, vector<1x128x128xf32>
    %get3A_422 = vector.shape_cast %get3A_421 : vector<1x128x128xf32> to vector<128x128xf32>
    %dot_general3A_423 = arith.constant dense<0.000000e+00> : vector<256x128xf32>
    %dot_general3A_424 = tpu.matmul %max3A_417, %get3A_422, %dot_general3A_423 {dimension_numbers = #tpu.dot_dimension_numbers<[1], [0], [0], [1], [0, 0, 1, 1], [], []>, transpose_lhs_hint = false} : vector<256x128xf32>, vector<128x128xf32>, vector<256x128xf32> -> vector<256x128xf32>
    %add3A_425 = arith.addf %add3A_375, %dot_general3A_424 : vector<256x128xf32>
    %get3A_426 = arith.constant 0 : index
    %get3A_427 = arith.constant 8 : index
    %get3A_428 = memref.load %arg2[%get3A_426, %get3A_427] : memref<6x50xf32, #tpu.memory_space<smem>>
    %mul3A_429 = vector.broadcast %get3A_428 : f32 to vector<256x128xf32>
    %mul3A_430 = arith.mulf %concatenate3A, %mul3A_429 : vector<256x128xf32>
    %get3A_431 = arith.constant 1 : index
    %get3A_432 = arith.constant 8 : index
    %get3A_433 = memref.load %arg2[%get3A_431, %get3A_432] : memref<6x50xf32, #tpu.memory_space<smem>>
    %mul3A_434 = vector.broadcast %get3A_433 : f32 to vector<256x128xf32>
    %mul3A_435 = arith.mulf %add3A_7, %mul3A_434 : vector<256x128xf32>
    %add3A_436 = arith.addf %mul3A_430, %mul3A_435 : vector<256x128xf32>
    %get3A_437 = arith.constant 2 : index
    %get3A_438 = arith.constant 8 : index
    %get3A_439 = memref.load %arg2[%get3A_437, %get3A_438] : memref<6x50xf32, #tpu.memory_space<smem>>
    %mul3A_440 = vector.broadcast %get3A_439 : f32 to vector<256x128xf32>
    %mul3A_441 = arith.mulf %concatenate3A_21, %mul3A_440 : vector<256x128xf32>
    %add3A_442 = arith.addf %add3A_436, %mul3A_441 : vector<256x128xf32>
    %get3A_443 = arith.constant 3 : index
    %get3A_444 = arith.constant 8 : index
    %get3A_445 = memref.load %arg2[%get3A_443, %get3A_444] : memref<6x50xf32, #tpu.memory_space<smem>>
    %mul3A_446 = vector.broadcast %get3A_445 : f32 to vector<256x128xf32>
    %mul3A_447 = arith.mulf %concatenate3A_23, %mul3A_446 : vector<256x128xf32>
    %add3A_448 = arith.addf %add3A_442, %mul3A_447 : vector<256x128xf32>
    %get3A_449 = arith.constant 4 : index
    %get3A_450 = arith.constant 8 : index
    %get3A_451 = memref.load %arg2[%get3A_449, %get3A_450] : memref<6x50xf32, #tpu.memory_space<smem>>
    %mul3A_452 = vector.broadcast %get3A_451 : f32 to vector<256x128xf32>
    %mul3A_453 = arith.mulf %add3A_18, %mul3A_452 : vector<256x128xf32>
    %add3A_454 = arith.addf %add3A_448, %mul3A_453 : vector<256x128xf32>
    %get3A_455 = arith.constant 5 : index
    %get3A_456 = arith.constant 8 : index
    %get3A_457 = memref.load %arg2[%get3A_455, %get3A_456] : memref<6x50xf32, #tpu.memory_space<smem>>
    %mul3A_458 = vector.broadcast %get3A_457 : f32 to vector<256x128xf32>
    %mul3A_459 = arith.mulf %concatenate3A_25, %mul3A_458 : vector<256x128xf32>
    %add3A_460 = arith.addf %add3A_454, %mul3A_459 : vector<256x128xf32>
    %get3A_461 = arith.constant 8 : index
    %get3A_462 = memref.load %arg3[%get3A_461] : memref<50xf32, #tpu.memory_space<smem>>
    %add3A_463 = vector.broadcast %get3A_462 : f32 to vector<256x128xf32>
    %add3A_464 = arith.addf %add3A_460, %add3A_463 : vector<256x128xf32>
    %max3A_465 = arith.constant 0.000000e+00 : f32
    %max3A_466 = vector.broadcast %max3A_465 : f32 to vector<256x128xf32>
    %max3A_467 = arith.maximumf %add3A_464, %max3A_466 : vector<256x128xf32>
    %get3A_468 = arith.constant 8 : index
    %get3A_469 = arith.constant 0 : index
    %get3A_470 = arith.constant 0 : index
    %get3A_471 = vector.load %arg6[%get3A_468, %get3A_469, %get3A_470] : memref<50x128x128xf32, #tpu.memory_space<vmem>>, vector<1x128x128xf32>
    %get3A_472 = vector.shape_cast %get3A_471 : vector<1x128x128xf32> to vector<128x128xf32>
    %dot_general3A_473 = arith.constant dense<0.000000e+00> : vector<256x128xf32>
    %dot_general3A_474 = tpu.matmul %max3A_467, %get3A_472, %dot_general3A_473 {dimension_numbers = #tpu.dot_dimension_numbers<[1], [0], [0], [1], [0, 0, 1, 1], [], []>, transpose_lhs_hint = false} : vector<256x128xf32>, vector<128x128xf32>, vector<256x128xf32> -> vector<256x128xf32>
    %add3A_475 = arith.addf %add3A_425, %dot_general3A_474 : vector<256x128xf32>
    %get3A_476 = arith.constant 0 : index
    %get3A_477 = arith.constant 9 : index
    %get3A_478 = memref.load %arg2[%get3A_476, %get3A_477] : memref<6x50xf32, #tpu.memory_space<smem>>
    %mul3A_479 = vector.broadcast %get3A_478 : f32 to vector<256x128xf32>
    %mul3A_480 = arith.mulf %concatenate3A, %mul3A_479 : vector<256x128xf32>
    %get3A_481 = arith.constant 1 : index
    %get3A_482 = arith.constant 9 : index
    %get3A_483 = memref.load %arg2[%get3A_481, %get3A_482] : memref<6x50xf32, #tpu.memory_space<smem>>
    %mul3A_484 = vector.broadcast %get3A_483 : f32 to vector<256x128xf32>
    %mul3A_485 = arith.mulf %add3A_7, %mul3A_484 : vector<256x128xf32>
    %add3A_486 = arith.addf %mul3A_480, %mul3A_485 : vector<256x128xf32>
    %get3A_487 = arith.constant 2 : index
    %get3A_488 = arith.constant 9 : index
    %get3A_489 = memref.load %arg2[%get3A_487, %get3A_488] : memref<6x50xf32, #tpu.memory_space<smem>>
    %mul3A_490 = vector.broadcast %get3A_489 : f32 to vector<256x128xf32>
    %mul3A_491 = arith.mulf %concatenate3A_21, %mul3A_490 : vector<256x128xf32>
    %add3A_492 = arith.addf %add3A_486, %mul3A_491 : vector<256x128xf32>
    %get3A_493 = arith.constant 3 : index
    %get3A_494 = arith.constant 9 : index
    %get3A_495 = memref.load %arg2[%get3A_493, %get3A_494] : memref<6x50xf32, #tpu.memory_space<smem>>
    %mul3A_496 = vector.broadcast %get3A_495 : f32 to vector<256x128xf32>
    %mul3A_497 = arith.mulf %concatenate3A_23, %mul3A_496 : vector<256x128xf32>
    %add3A_498 = arith.addf %add3A_492, %mul3A_497 : vector<256x128xf32>
    %get3A_499 = arith.constant 4 : index
    %get3A_500 = arith.constant 9 : index
    %get3A_501 = memref.load %arg2[%get3A_499, %get3A_500] : memref<6x50xf32, #tpu.memory_space<smem>>
    %mul3A_502 = vector.broadcast %get3A_501 : f32 to vector<256x128xf32>
    %mul3A_503 = arith.mulf %add3A_18, %mul3A_502 : vector<256x128xf32>
    %add3A_504 = arith.addf %add3A_498, %mul3A_503 : vector<256x128xf32>
    %get3A_505 = arith.constant 5 : index
    %get3A_506 = arith.constant 9 : index
    %get3A_507 = memref.load %arg2[%get3A_505, %get3A_506] : memref<6x50xf32, #tpu.memory_space<smem>>
    %mul3A_508 = vector.broadcast %get3A_507 : f32 to vector<256x128xf32>
    %mul3A_509 = arith.mulf %concatenate3A_25, %mul3A_508 : vector<256x128xf32>
    %add3A_510 = arith.addf %add3A_504, %mul3A_509 : vector<256x128xf32>
    %get3A_511 = arith.constant 9 : index
    %get3A_512 = memref.load %arg3[%get3A_511] : memref<50xf32, #tpu.memory_space<smem>>
    %add3A_513 = vector.broadcast %get3A_512 : f32 to vector<256x128xf32>
    %add3A_514 = arith.addf %add3A_510, %add3A_513 : vector<256x128xf32>
    %max3A_515 = arith.constant 0.000000e+00 : f32
    %max3A_516 = vector.broadcast %max3A_515 : f32 to vector<256x128xf32>
    %max3A_517 = arith.maximumf %add3A_514, %max3A_516 : vector<256x128xf32>
    %get3A_518 = arith.constant 9 : index
    %get3A_519 = arith.constant 0 : index
    %get3A_520 = arith.constant 0 : index
    %get3A_521 = vector.load %arg6[%get3A_518, %get3A_519, %get3A_520] : memref<50x128x128xf32, #tpu.memory_space<vmem>>, vector<1x128x128xf32>
    %get3A_522 = vector.shape_cast %get3A_521 : vector<1x128x128xf32> to vector<128x128xf32>
    %dot_general3A_523 = arith.constant dense<0.000000e+00> : vector<256x128xf32>
    %dot_general3A_524 = tpu.matmul %max3A_517, %get3A_522, %dot_general3A_523 {dimension_numbers = #tpu.dot_dimension_numbers<[1], [0], [0], [1], [0, 0, 1, 1], [], []>, transpose_lhs_hint = false} : vector<256x128xf32>, vector<128x128xf32>, vector<256x128xf32> -> vector<256x128xf32>
    %add3A_525 = arith.addf %add3A_475, %dot_general3A_524 : vector<256x128xf32>
    %get3A_526 = arith.constant 0 : index
    %get3A_527 = arith.constant 10 : index
    %get3A_528 = memref.load %arg2[%get3A_526, %get3A_527] : memref<6x50xf32, #tpu.memory_space<smem>>
    %mul3A_529 = vector.broadcast %get3A_528 : f32 to vector<256x128xf32>
    %mul3A_530 = arith.mulf %concatenate3A, %mul3A_529 : vector<256x128xf32>
    %get3A_531 = arith.constant 1 : index
    %get3A_532 = arith.constant 10 : index
    %get3A_533 = memref.load %arg2[%get3A_531, %get3A_532] : memref<6x50xf32, #tpu.memory_space<smem>>
    %mul3A_534 = vector.broadcast %get3A_533 : f32 to vector<256x128xf32>
    %mul3A_535 = arith.mulf %add3A_7, %mul3A_534 : vector<256x128xf32>
    %add3A_536 = arith.addf %mul3A_530, %mul3A_535 : vector<256x128xf32>
    %get3A_537 = arith.constant 2 : index
    %get3A_538 = arith.constant 10 : index
    %get3A_539 = memref.load %arg2[%get3A_537, %get3A_538] : memref<6x50xf32, #tpu.memory_space<smem>>
    %mul3A_540 = vector.broadcast %get3A_539 : f32 to vector<256x128xf32>
    %mul3A_541 = arith.mulf %concatenate3A_21, %mul3A_540 : vector<256x128xf32>
    %add3A_542 = arith.addf %add3A_536, %mul3A_541 : vector<256x128xf32>
    %get3A_543 = arith.constant 3 : index
    %get3A_544 = arith.constant 10 : index
    %get3A_545 = memref.load %arg2[%get3A_543, %get3A_544] : memref<6x50xf32, #tpu.memory_space<smem>>
    %mul3A_546 = vector.broadcast %get3A_545 : f32 to vector<256x128xf32>
    %mul3A_547 = arith.mulf %concatenate3A_23, %mul3A_546 : vector<256x128xf32>
    %add3A_548 = arith.addf %add3A_542, %mul3A_547 : vector<256x128xf32>
    %get3A_549 = arith.constant 4 : index
    %get3A_550 = arith.constant 10 : index
    %get3A_551 = memref.load %arg2[%get3A_549, %get3A_550] : memref<6x50xf32, #tpu.memory_space<smem>>
    %mul3A_552 = vector.broadcast %get3A_551 : f32 to vector<256x128xf32>
    %mul3A_553 = arith.mulf %add3A_18, %mul3A_552 : vector<256x128xf32>
    %add3A_554 = arith.addf %add3A_548, %mul3A_553 : vector<256x128xf32>
    %get3A_555 = arith.constant 5 : index
    %get3A_556 = arith.constant 10 : index
    %get3A_557 = memref.load %arg2[%get3A_555, %get3A_556] : memref<6x50xf32, #tpu.memory_space<smem>>
    %mul3A_558 = vector.broadcast %get3A_557 : f32 to vector<256x128xf32>
    %mul3A_559 = arith.mulf %concatenate3A_25, %mul3A_558 : vector<256x128xf32>
    %add3A_560 = arith.addf %add3A_554, %mul3A_559 : vector<256x128xf32>
    %get3A_561 = arith.constant 10 : index
    %get3A_562 = memref.load %arg3[%get3A_561] : memref<50xf32, #tpu.memory_space<smem>>
    %add3A_563 = vector.broadcast %get3A_562 : f32 to vector<256x128xf32>
    %add3A_564 = arith.addf %add3A_560, %add3A_563 : vector<256x128xf32>
    %max3A_565 = arith.constant 0.000000e+00 : f32
    %max3A_566 = vector.broadcast %max3A_565 : f32 to vector<256x128xf32>
    %max3A_567 = arith.maximumf %add3A_564, %max3A_566 : vector<256x128xf32>
    %get3A_568 = arith.constant 10 : index
    %get3A_569 = arith.constant 0 : index
    %get3A_570 = arith.constant 0 : index
    %get3A_571 = vector.load %arg6[%get3A_568, %get3A_569, %get3A_570] : memref<50x128x128xf32, #tpu.memory_space<vmem>>, vector<1x128x128xf32>
    %get3A_572 = vector.shape_cast %get3A_571 : vector<1x128x128xf32> to vector<128x128xf32>
    %dot_general3A_573 = arith.constant dense<0.000000e+00> : vector<256x128xf32>
    %dot_general3A_574 = tpu.matmul %max3A_567, %get3A_572, %dot_general3A_573 {dimension_numbers = #tpu.dot_dimension_numbers<[1], [0], [0], [1], [0, 0, 1, 1], [], []>, transpose_lhs_hint = false} : vector<256x128xf32>, vector<128x128xf32>, vector<256x128xf32> -> vector<256x128xf32>
    %add3A_575 = arith.addf %add3A_525, %dot_general3A_574 : vector<256x128xf32>
    %get3A_576 = arith.constant 0 : index
    %get3A_577 = arith.constant 11 : index
    %get3A_578 = memref.load %arg2[%get3A_576, %get3A_577] : memref<6x50xf32, #tpu.memory_space<smem>>
    %mul3A_579 = vector.broadcast %get3A_578 : f32 to vector<256x128xf32>
    %mul3A_580 = arith.mulf %concatenate3A, %mul3A_579 : vector<256x128xf32>
    %get3A_581 = arith.constant 1 : index
    %get3A_582 = arith.constant 11 : index
    %get3A_583 = memref.load %arg2[%get3A_581, %get3A_582] : memref<6x50xf32, #tpu.memory_space<smem>>
    %mul3A_584 = vector.broadcast %get3A_583 : f32 to vector<256x128xf32>
    %mul3A_585 = arith.mulf %add3A_7, %mul3A_584 : vector<256x128xf32>
    %add3A_586 = arith.addf %mul3A_580, %mul3A_585 : vector<256x128xf32>
    %get3A_587 = arith.constant 2 : index
    %get3A_588 = arith.constant 11 : index
    %get3A_589 = memref.load %arg2[%get3A_587, %get3A_588] : memref<6x50xf32, #tpu.memory_space<smem>>
    %mul3A_590 = vector.broadcast %get3A_589 : f32 to vector<256x128xf32>
    %mul3A_591 = arith.mulf %concatenate3A_21, %mul3A_590 : vector<256x128xf32>
    %add3A_592 = arith.addf %add3A_586, %mul3A_591 : vector<256x128xf32>
    %get3A_593 = arith.constant 3 : index
    %get3A_594 = arith.constant 11 : index
    %get3A_595 = memref.load %arg2[%get3A_593, %get3A_594] : memref<6x50xf32, #tpu.memory_space<smem>>
    %mul3A_596 = vector.broadcast %get3A_595 : f32 to vector<256x128xf32>
    %mul3A_597 = arith.mulf %concatenate3A_23, %mul3A_596 : vector<256x128xf32>
    %add3A_598 = arith.addf %add3A_592, %mul3A_597 : vector<256x128xf32>
    %get3A_599 = arith.constant 4 : index
    %get3A_600 = arith.constant 11 : index
    %get3A_601 = memref.load %arg2[%get3A_599, %get3A_600] : memref<6x50xf32, #tpu.memory_space<smem>>
    %mul3A_602 = vector.broadcast %get3A_601 : f32 to vector<256x128xf32>
    %mul3A_603 = arith.mulf %add3A_18, %mul3A_602 : vector<256x128xf32>
    %add3A_604 = arith.addf %add3A_598, %mul3A_603 : vector<256x128xf32>
    %get3A_605 = arith.constant 5 : index
    %get3A_606 = arith.constant 11 : index
    %get3A_607 = memref.load %arg2[%get3A_605, %get3A_606] : memref<6x50xf32, #tpu.memory_space<smem>>
    %mul3A_608 = vector.broadcast %get3A_607 : f32 to vector<256x128xf32>
    %mul3A_609 = arith.mulf %concatenate3A_25, %mul3A_608 : vector<256x128xf32>
    %add3A_610 = arith.addf %add3A_604, %mul3A_609 : vector<256x128xf32>
    %get3A_611 = arith.constant 11 : index
    %get3A_612 = memref.load %arg3[%get3A_611] : memref<50xf32, #tpu.memory_space<smem>>
    %add3A_613 = vector.broadcast %get3A_612 : f32 to vector<256x128xf32>
    %add3A_614 = arith.addf %add3A_610, %add3A_613 : vector<256x128xf32>
    %max3A_615 = arith.constant 0.000000e+00 : f32
    %max3A_616 = vector.broadcast %max3A_615 : f32 to vector<256x128xf32>
    %max3A_617 = arith.maximumf %add3A_614, %max3A_616 : vector<256x128xf32>
    %get3A_618 = arith.constant 11 : index
    %get3A_619 = arith.constant 0 : index
    %get3A_620 = arith.constant 0 : index
    %get3A_621 = vector.load %arg6[%get3A_618, %get3A_619, %get3A_620] : memref<50x128x128xf32, #tpu.memory_space<vmem>>, vector<1x128x128xf32>
    %get3A_622 = vector.shape_cast %get3A_621 : vector<1x128x128xf32> to vector<128x128xf32>
    %dot_general3A_623 = arith.constant dense<0.000000e+00> : vector<256x128xf32>
    %dot_general3A_624 = tpu.matmul %max3A_617, %get3A_622, %dot_general3A_623 {dimension_numbers = #tpu.dot_dimension_numbers<[1], [0], [0], [1], [0, 0, 1, 1], [], []>, transpose_lhs_hint = false} : vector<256x128xf32>, vector<128x128xf32>, vector<256x128xf32> -> vector<256x128xf32>
    %add3A_625 = arith.addf %add3A_575, %dot_general3A_624 : vector<256x128xf32>
    %get3A_626 = arith.constant 0 : index
    %get3A_627 = arith.constant 12 : index
    %get3A_628 = memref.load %arg2[%get3A_626, %get3A_627] : memref<6x50xf32, #tpu.memory_space<smem>>
    %mul3A_629 = vector.broadcast %get3A_628 : f32 to vector<256x128xf32>
    %mul3A_630 = arith.mulf %concatenate3A, %mul3A_629 : vector<256x128xf32>
    %get3A_631 = arith.constant 1 : index
    %get3A_632 = arith.constant 12 : index
    %get3A_633 = memref.load %arg2[%get3A_631, %get3A_632] : memref<6x50xf32, #tpu.memory_space<smem>>
    %mul3A_634 = vector.broadcast %get3A_633 : f32 to vector<256x128xf32>
    %mul3A_635 = arith.mulf %add3A_7, %mul3A_634 : vector<256x128xf32>
    %add3A_636 = arith.addf %mul3A_630, %mul3A_635 : vector<256x128xf32>
    %get3A_637 = arith.constant 2 : index
    %get3A_638 = arith.constant 12 : index
    %get3A_639 = memref.load %arg2[%get3A_637, %get3A_638] : memref<6x50xf32, #tpu.memory_space<smem>>
    %mul3A_640 = vector.broadcast %get3A_639 : f32 to vector<256x128xf32>
    %mul3A_641 = arith.mulf %concatenate3A_21, %mul3A_640 : vector<256x128xf32>
    %add3A_642 = arith.addf %add3A_636, %mul3A_641 : vector<256x128xf32>
    %get3A_643 = arith.constant 3 : index
    %get3A_644 = arith.constant 12 : index
    %get3A_645 = memref.load %arg2[%get3A_643, %get3A_644] : memref<6x50xf32, #tpu.memory_space<smem>>
    %mul3A_646 = vector.broadcast %get3A_645 : f32 to vector<256x128xf32>
    %mul3A_647 = arith.mulf %concatenate3A_23, %mul3A_646 : vector<256x128xf32>
    %add3A_648 = arith.addf %add3A_642, %mul3A_647 : vector<256x128xf32>
    %get3A_649 = arith.constant 4 : index
    %get3A_650 = arith.constant 12 : index
    %get3A_651 = memref.load %arg2[%get3A_649, %get3A_650] : memref<6x50xf32, #tpu.memory_space<smem>>
    %mul3A_652 = vector.broadcast %get3A_651 : f32 to vector<256x128xf32>
    %mul3A_653 = arith.mulf %add3A_18, %mul3A_652 : vector<256x128xf32>
    %add3A_654 = arith.addf %add3A_648, %mul3A_653 : vector<256x128xf32>
    %get3A_655 = arith.constant 5 : index
    %get3A_656 = arith.constant 12 : index
    %get3A_657 = memref.load %arg2[%get3A_655, %get3A_656] : memref<6x50xf32, #tpu.memory_space<smem>>
    %mul3A_658 = vector.broadcast %get3A_657 : f32 to vector<256x128xf32>
    %mul3A_659 = arith.mulf %concatenate3A_25, %mul3A_658 : vector<256x128xf32>
    %add3A_660 = arith.addf %add3A_654, %mul3A_659 : vector<256x128xf32>
    %get3A_661 = arith.constant 12 : index
    %get3A_662 = memref.load %arg3[%get3A_661] : memref<50xf32, #tpu.memory_space<smem>>
    %add3A_663 = vector.broadcast %get3A_662 : f32 to vector<256x128xf32>
    %add3A_664 = arith.addf %add3A_660, %add3A_663 : vector<256x128xf32>
    %max3A_665 = arith.constant 0.000000e+00 : f32
    %max3A_666 = vector.broadcast %max3A_665 : f32 to vector<256x128xf32>
    %max3A_667 = arith.maximumf %add3A_664, %max3A_666 : vector<256x128xf32>
    %get3A_668 = arith.constant 12 : index
    %get3A_669 = arith.constant 0 : index
    %get3A_670 = arith.constant 0 : index
    %get3A_671 = vector.load %arg6[%get3A_668, %get3A_669, %get3A_670] : memref<50x128x128xf32, #tpu.memory_space<vmem>>, vector<1x128x128xf32>
    %get3A_672 = vector.shape_cast %get3A_671 : vector<1x128x128xf32> to vector<128x128xf32>
    %dot_general3A_673 = arith.constant dense<0.000000e+00> : vector<256x128xf32>
    %dot_general3A_674 = tpu.matmul %max3A_667, %get3A_672, %dot_general3A_673 {dimension_numbers = #tpu.dot_dimension_numbers<[1], [0], [0], [1], [0, 0, 1, 1], [], []>, transpose_lhs_hint = false} : vector<256x128xf32>, vector<128x128xf32>, vector<256x128xf32> -> vector<256x128xf32>
    %add3A_675 = arith.addf %add3A_625, %dot_general3A_674 : vector<256x128xf32>
    %get3A_676 = arith.constant 0 : index
    %get3A_677 = arith.constant 13 : index
    %get3A_678 = memref.load %arg2[%get3A_676, %get3A_677] : memref<6x50xf32, #tpu.memory_space<smem>>
    %mul3A_679 = vector.broadcast %get3A_678 : f32 to vector<256x128xf32>
    %mul3A_680 = arith.mulf %concatenate3A, %mul3A_679 : vector<256x128xf32>
    %get3A_681 = arith.constant 1 : index
    %get3A_682 = arith.constant 13 : index
    %get3A_683 = memref.load %arg2[%get3A_681, %get3A_682] : memref<6x50xf32, #tpu.memory_space<smem>>
    %mul3A_684 = vector.broadcast %get3A_683 : f32 to vector<256x128xf32>
    %mul3A_685 = arith.mulf %add3A_7, %mul3A_684 : vector<256x128xf32>
    %add3A_686 = arith.addf %mul3A_680, %mul3A_685 : vector<256x128xf32>
    %get3A_687 = arith.constant 2 : index
    %get3A_688 = arith.constant 13 : index
    %get3A_689 = memref.load %arg2[%get3A_687, %get3A_688] : memref<6x50xf32, #tpu.memory_space<smem>>
    %mul3A_690 = vector.broadcast %get3A_689 : f32 to vector<256x128xf32>
    %mul3A_691 = arith.mulf %concatenate3A_21, %mul3A_690 : vector<256x128xf32>
    %add3A_692 = arith.addf %add3A_686, %mul3A_691 : vector<256x128xf32>
    %get3A_693 = arith.constant 3 : index
    %get3A_694 = arith.constant 13 : index
    %get3A_695 = memref.load %arg2[%get3A_693, %get3A_694] : memref<6x50xf32, #tpu.memory_space<smem>>
    %mul3A_696 = vector.broadcast %get3A_695 : f32 to vector<256x128xf32>
    %mul3A_697 = arith.mulf %concatenate3A_23, %mul3A_696 : vector<256x128xf32>
    %add3A_698 = arith.addf %add3A_692, %mul3A_697 : vector<256x128xf32>
    %get3A_699 = arith.constant 4 : index
    %get3A_700 = arith.constant 13 : index
    %get3A_701 = memref.load %arg2[%get3A_699, %get3A_700] : memref<6x50xf32, #tpu.memory_space<smem>>
    %mul3A_702 = vector.broadcast %get3A_701 : f32 to vector<256x128xf32>
    %mul3A_703 = arith.mulf %add3A_18, %mul3A_702 : vector<256x128xf32>
    %add3A_704 = arith.addf %add3A_698, %mul3A_703 : vector<256x128xf32>
    %get3A_705 = arith.constant 5 : index
    %get3A_706 = arith.constant 13 : index
    %get3A_707 = memref.load %arg2[%get3A_705, %get3A_706] : memref<6x50xf32, #tpu.memory_space<smem>>
    %mul3A_708 = vector.broadcast %get3A_707 : f32 to vector<256x128xf32>
    %mul3A_709 = arith.mulf %concatenate3A_25, %mul3A_708 : vector<256x128xf32>
    %add3A_710 = arith.addf %add3A_704, %mul3A_709 : vector<256x128xf32>
    %get3A_711 = arith.constant 13 : index
    %get3A_712 = memref.load %arg3[%get3A_711] : memref<50xf32, #tpu.memory_space<smem>>
    %add3A_713 = vector.broadcast %get3A_712 : f32 to vector<256x128xf32>
    %add3A_714 = arith.addf %add3A_710, %add3A_713 : vector<256x128xf32>
    %max3A_715 = arith.constant 0.000000e+00 : f32
    %max3A_716 = vector.broadcast %max3A_715 : f32 to vector<256x128xf32>
    %max3A_717 = arith.maximumf %add3A_714, %max3A_716 : vector<256x128xf32>
    %get3A_718 = arith.constant 13 : index
    %get3A_719 = arith.constant 0 : index
    %get3A_720 = arith.constant 0 : index
    %get3A_721 = vector.load %arg6[%get3A_718, %get3A_719, %get3A_720] : memref<50x128x128xf32, #tpu.memory_space<vmem>>, vector<1x128x128xf32>
    %get3A_722 = vector.shape_cast %get3A_721 : vector<1x128x128xf32> to vector<128x128xf32>
    %dot_general3A_723 = arith.constant dense<0.000000e+00> : vector<256x128xf32>
    %dot_general3A_724 = tpu.matmul %max3A_717, %get3A_722, %dot_general3A_723 {dimension_numbers = #tpu.dot_dimension_numbers<[1], [0], [0], [1], [0, 0, 1, 1], [], []>, transpose_lhs_hint = false} : vector<256x128xf32>, vector<128x128xf32>, vector<256x128xf32> -> vector<256x128xf32>
    %add3A_725 = arith.addf %add3A_675, %dot_general3A_724 : vector<256x128xf32>
    %get3A_726 = arith.constant 0 : index
    %get3A_727 = arith.constant 14 : index
    %get3A_728 = memref.load %arg2[%get3A_726, %get3A_727] : memref<6x50xf32, #tpu.memory_space<smem>>
    %mul3A_729 = vector.broadcast %get3A_728 : f32 to vector<256x128xf32>
    %mul3A_730 = arith.mulf %concatenate3A, %mul3A_729 : vector<256x128xf32>
    %get3A_731 = arith.constant 1 : index
    %get3A_732 = arith.constant 14 : index
    %get3A_733 = memref.load %arg2[%get3A_731, %get3A_732] : memref<6x50xf32, #tpu.memory_space<smem>>
    %mul3A_734 = vector.broadcast %get3A_733 : f32 to vector<256x128xf32>
    %mul3A_735 = arith.mulf %add3A_7, %mul3A_734 : vector<256x128xf32>
    %add3A_736 = arith.addf %mul3A_730, %mul3A_735 : vector<256x128xf32>
    %get3A_737 = arith.constant 2 : index
    %get3A_738 = arith.constant 14 : index
    %get3A_739 = memref.load %arg2[%get3A_737, %get3A_738] : memref<6x50xf32, #tpu.memory_space<smem>>
    %mul3A_740 = vector.broadcast %get3A_739 : f32 to vector<256x128xf32>
    %mul3A_741 = arith.mulf %concatenate3A_21, %mul3A_740 : vector<256x128xf32>
    %add3A_742 = arith.addf %add3A_736, %mul3A_741 : vector<256x128xf32>
    %get3A_743 = arith.constant 3 : index
    %get3A_744 = arith.constant 14 : index
    %get3A_745 = memref.load %arg2[%get3A_743, %get3A_744] : memref<6x50xf32, #tpu.memory_space<smem>>
    %mul3A_746 = vector.broadcast %get3A_745 : f32 to vector<256x128xf32>
    %mul3A_747 = arith.mulf %concatenate3A_23, %mul3A_746 : vector<256x128xf32>
    %add3A_748 = arith.addf %add3A_742, %mul3A_747 : vector<256x128xf32>
    %get3A_749 = arith.constant 4 : index
    %get3A_750 = arith.constant 14 : index
    %get3A_751 = memref.load %arg2[%get3A_749, %get3A_750] : memref<6x50xf32, #tpu.memory_space<smem>>
    %mul3A_752 = vector.broadcast %get3A_751 : f32 to vector<256x128xf32>
    %mul3A_753 = arith.mulf %add3A_18, %mul3A_752 : vector<256x128xf32>
    %add3A_754 = arith.addf %add3A_748, %mul3A_753 : vector<256x128xf32>
    %get3A_755 = arith.constant 5 : index
    %get3A_756 = arith.constant 14 : index
    %get3A_757 = memref.load %arg2[%get3A_755, %get3A_756] : memref<6x50xf32, #tpu.memory_space<smem>>
    %mul3A_758 = vector.broadcast %get3A_757 : f32 to vector<256x128xf32>
    %mul3A_759 = arith.mulf %concatenate3A_25, %mul3A_758 : vector<256x128xf32>
    %add3A_760 = arith.addf %add3A_754, %mul3A_759 : vector<256x128xf32>
    %get3A_761 = arith.constant 14 : index
    %get3A_762 = memref.load %arg3[%get3A_761] : memref<50xf32, #tpu.memory_space<smem>>
    %add3A_763 = vector.broadcast %get3A_762 : f32 to vector<256x128xf32>
    %add3A_764 = arith.addf %add3A_760, %add3A_763 : vector<256x128xf32>
    %max3A_765 = arith.constant 0.000000e+00 : f32
    %max3A_766 = vector.broadcast %max3A_765 : f32 to vector<256x128xf32>
    %max3A_767 = arith.maximumf %add3A_764, %max3A_766 : vector<256x128xf32>
    %get3A_768 = arith.constant 14 : index
    %get3A_769 = arith.constant 0 : index
    %get3A_770 = arith.constant 0 : index
    %get3A_771 = vector.load %arg6[%get3A_768, %get3A_769, %get3A_770] : memref<50x128x128xf32, #tpu.memory_space<vmem>>, vector<1x128x128xf32>
    %get3A_772 = vector.shape_cast %get3A_771 : vector<1x128x128xf32> to vector<128x128xf32>
    %dot_general3A_773 = arith.constant dense<0.000000e+00> : vector<256x128xf32>
    %dot_general3A_774 = tpu.matmul %max3A_767, %get3A_772, %dot_general3A_773 {dimension_numbers = #tpu.dot_dimension_numbers<[1], [0], [0], [1], [0, 0, 1, 1], [], []>, transpose_lhs_hint = false} : vector<256x128xf32>, vector<128x128xf32>, vector<256x128xf32> -> vector<256x128xf32>
    %add3A_775 = arith.addf %add3A_725, %dot_general3A_774 : vector<256x128xf32>
    %get3A_776 = arith.constant 0 : index
    %get3A_777 = arith.constant 15 : index
    %get3A_778 = memref.load %arg2[%get3A_776, %get3A_777] : memref<6x50xf32, #tpu.memory_space<smem>>
    %mul3A_779 = vector.broadcast %get3A_778 : f32 to vector<256x128xf32>
    %mul3A_780 = arith.mulf %concatenate3A, %mul3A_779 : vector<256x128xf32>
    %get3A_781 = arith.constant 1 : index
    %get3A_782 = arith.constant 15 : index
    %get3A_783 = memref.load %arg2[%get3A_781, %get3A_782] : memref<6x50xf32, #tpu.memory_space<smem>>
    %mul3A_784 = vector.broadcast %get3A_783 : f32 to vector<256x128xf32>
    %mul3A_785 = arith.mulf %add3A_7, %mul3A_784 : vector<256x128xf32>
    %add3A_786 = arith.addf %mul3A_780, %mul3A_785 : vector<256x128xf32>
    %get3A_787 = arith.constant 2 : index
    %get3A_788 = arith.constant 15 : index
    %get3A_789 = memref.load %arg2[%get3A_787, %get3A_788] : memref<6x50xf32, #tpu.memory_space<smem>>
    %mul3A_790 = vector.broadcast %get3A_789 : f32 to vector<256x128xf32>
    %mul3A_791 = arith.mulf %concatenate3A_21, %mul3A_790 : vector<256x128xf32>
    %add3A_792 = arith.addf %add3A_786, %mul3A_791 : vector<256x128xf32>
    %get3A_793 = arith.constant 3 : index
    %get3A_794 = arith.constant 15 : index
    %get3A_795 = memref.load %arg2[%get3A_793, %get3A_794] : memref<6x50xf32, #tpu.memory_space<smem>>
    %mul3A_796 = vector.broadcast %get3A_795 : f32 to vector<256x128xf32>
    %mul3A_797 = arith.mulf %concatenate3A_23, %mul3A_796 : vector<256x128xf32>
    %add3A_798 = arith.addf %add3A_792, %mul3A_797 : vector<256x128xf32>
    %get3A_799 = arith.constant 4 : index
    %get3A_800 = arith.constant 15 : index
    %get3A_801 = memref.load %arg2[%get3A_799, %get3A_800] : memref<6x50xf32, #tpu.memory_space<smem>>
    %mul3A_802 = vector.broadcast %get3A_801 : f32 to vector<256x128xf32>
    %mul3A_803 = arith.mulf %add3A_18, %mul3A_802 : vector<256x128xf32>
    %add3A_804 = arith.addf %add3A_798, %mul3A_803 : vector<256x128xf32>
    %get3A_805 = arith.constant 5 : index
    %get3A_806 = arith.constant 15 : index
    %get3A_807 = memref.load %arg2[%get3A_805, %get3A_806] : memref<6x50xf32, #tpu.memory_space<smem>>
    %mul3A_808 = vector.broadcast %get3A_807 : f32 to vector<256x128xf32>
    %mul3A_809 = arith.mulf %concatenate3A_25, %mul3A_808 : vector<256x128xf32>
    %add3A_810 = arith.addf %add3A_804, %mul3A_809 : vector<256x128xf32>
    %get3A_811 = arith.constant 15 : index
    %get3A_812 = memref.load %arg3[%get3A_811] : memref<50xf32, #tpu.memory_space<smem>>
    %add3A_813 = vector.broadcast %get3A_812 : f32 to vector<256x128xf32>
    %add3A_814 = arith.addf %add3A_810, %add3A_813 : vector<256x128xf32>
    %max3A_815 = arith.constant 0.000000e+00 : f32
    %max3A_816 = vector.broadcast %max3A_815 : f32 to vector<256x128xf32>
    %max3A_817 = arith.maximumf %add3A_814, %max3A_816 : vector<256x128xf32>
    %get3A_818 = arith.constant 15 : index
    %get3A_819 = arith.constant 0 : index
    %get3A_820 = arith.constant 0 : index
    %get3A_821 = vector.load %arg6[%get3A_818, %get3A_819, %get3A_820] : memref<50x128x128xf32, #tpu.memory_space<vmem>>, vector<1x128x128xf32>
    %get3A_822 = vector.shape_cast %get3A_821 : vector<1x128x128xf32> to vector<128x128xf32>
    %dot_general3A_823 = arith.constant dense<0.000000e+00> : vector<256x128xf32>
    %dot_general3A_824 = tpu.matmul %max3A_817, %get3A_822, %dot_general3A_823 {dimension_numbers = #tpu.dot_dimension_numbers<[1], [0], [0], [1], [0, 0, 1, 1], [], []>, transpose_lhs_hint = false} : vector<256x128xf32>, vector<128x128xf32>, vector<256x128xf32> -> vector<256x128xf32>
    %add3A_825 = arith.addf %add3A_775, %dot_general3A_824 : vector<256x128xf32>
    %get3A_826 = arith.constant 0 : index
    %get3A_827 = arith.constant 16 : index
    %get3A_828 = memref.load %arg2[%get3A_826, %get3A_827] : memref<6x50xf32, #tpu.memory_space<smem>>
    %mul3A_829 = vector.broadcast %get3A_828 : f32 to vector<256x128xf32>
    %mul3A_830 = arith.mulf %concatenate3A, %mul3A_829 : vector<256x128xf32>
    %get3A_831 = arith.constant 1 : index
    %get3A_832 = arith.constant 16 : index
    %get3A_833 = memref.load %arg2[%get3A_831, %get3A_832] : memref<6x50xf32, #tpu.memory_space<smem>>
    %mul3A_834 = vector.broadcast %get3A_833 : f32 to vector<256x128xf32>
    %mul3A_835 = arith.mulf %add3A_7, %mul3A_834 : vector<256x128xf32>
    %add3A_836 = arith.addf %mul3A_830, %mul3A_835 : vector<256x128xf32>
    %get3A_837 = arith.constant 2 : index
    %get3A_838 = arith.constant 16 : index
    %get3A_839 = memref.load %arg2[%get3A_837, %get3A_838] : memref<6x50xf32, #tpu.memory_space<smem>>
    %mul3A_840 = vector.broadcast %get3A_839 : f32 to vector<256x128xf32>
    %mul3A_841 = arith.mulf %concatenate3A_21, %mul3A_840 : vector<256x128xf32>
    %add3A_842 = arith.addf %add3A_836, %mul3A_841 : vector<256x128xf32>
    %get3A_843 = arith.constant 3 : index
    %get3A_844 = arith.constant 16 : index
    %get3A_845 = memref.load %arg2[%get3A_843, %get3A_844] : memref<6x50xf32, #tpu.memory_space<smem>>
    %mul3A_846 = vector.broadcast %get3A_845 : f32 to vector<256x128xf32>
    %mul3A_847 = arith.mulf %concatenate3A_23, %mul3A_846 : vector<256x128xf32>
    %add3A_848 = arith.addf %add3A_842, %mul3A_847 : vector<256x128xf32>
    %get3A_849 = arith.constant 4 : index
    %get3A_850 = arith.constant 16 : index
    %get3A_851 = memref.load %arg2[%get3A_849, %get3A_850] : memref<6x50xf32, #tpu.memory_space<smem>>
    %mul3A_852 = vector.broadcast %get3A_851 : f32 to vector<256x128xf32>
    %mul3A_853 = arith.mulf %add3A_18, %mul3A_852 : vector<256x128xf32>
    %add3A_854 = arith.addf %add3A_848, %mul3A_853 : vector<256x128xf32>
    %get3A_855 = arith.constant 5 : index
    %get3A_856 = arith.constant 16 : index
    %get3A_857 = memref.load %arg2[%get3A_855, %get3A_856] : memref<6x50xf32, #tpu.memory_space<smem>>
    %mul3A_858 = vector.broadcast %get3A_857 : f32 to vector<256x128xf32>
    %mul3A_859 = arith.mulf %concatenate3A_25, %mul3A_858 : vector<256x128xf32>
    %add3A_860 = arith.addf %add3A_854, %mul3A_859 : vector<256x128xf32>
    %get3A_861 = arith.constant 16 : index
    %get3A_862 = memref.load %arg3[%get3A_861] : memref<50xf32, #tpu.memory_space<smem>>
    %add3A_863 = vector.broadcast %get3A_862 : f32 to vector<256x128xf32>
    %add3A_864 = arith.addf %add3A_860, %add3A_863 : vector<256x128xf32>
    %max3A_865 = arith.constant 0.000000e+00 : f32
    %max3A_866 = vector.broadcast %max3A_865 : f32 to vector<256x128xf32>
    %max3A_867 = arith.maximumf %add3A_864, %max3A_866 : vector<256x128xf32>
    %get3A_868 = arith.constant 16 : index
    %get3A_869 = arith.constant 0 : index
    %get3A_870 = arith.constant 0 : index
    %get3A_871 = vector.load %arg6[%get3A_868, %get3A_869, %get3A_870] : memref<50x128x128xf32, #tpu.memory_space<vmem>>, vector<1x128x128xf32>
    %get3A_872 = vector.shape_cast %get3A_871 : vector<1x128x128xf32> to vector<128x128xf32>
    %dot_general3A_873 = arith.constant dense<0.000000e+00> : vector<256x128xf32>
    %dot_general3A_874 = tpu.matmul %max3A_867, %get3A_872, %dot_general3A_873 {dimension_numbers = #tpu.dot_dimension_numbers<[1], [0], [0], [1], [0, 0, 1, 1], [], []>, transpose_lhs_hint = false} : vector<256x128xf32>, vector<128x128xf32>, vector<256x128xf32> -> vector<256x128xf32>
    %add3A_875 = arith.addf %add3A_825, %dot_general3A_874 : vector<256x128xf32>
    %get3A_876 = arith.constant 0 : index
    %get3A_877 = arith.constant 17 : index
    %get3A_878 = memref.load %arg2[%get3A_876, %get3A_877] : memref<6x50xf32, #tpu.memory_space<smem>>
    %mul3A_879 = vector.broadcast %get3A_878 : f32 to vector<256x128xf32>
    %mul3A_880 = arith.mulf %concatenate3A, %mul3A_879 : vector<256x128xf32>
    %get3A_881 = arith.constant 1 : index
    %get3A_882 = arith.constant 17 : index
    %get3A_883 = memref.load %arg2[%get3A_881, %get3A_882] : memref<6x50xf32, #tpu.memory_space<smem>>
    %mul3A_884 = vector.broadcast %get3A_883 : f32 to vector<256x128xf32>
    %mul3A_885 = arith.mulf %add3A_7, %mul3A_884 : vector<256x128xf32>
    %add3A_886 = arith.addf %mul3A_880, %mul3A_885 : vector<256x128xf32>
    %get3A_887 = arith.constant 2 : index
    %get3A_888 = arith.constant 17 : index
    %get3A_889 = memref.load %arg2[%get3A_887, %get3A_888] : memref<6x50xf32, #tpu.memory_space<smem>>
    %mul3A_890 = vector.broadcast %get3A_889 : f32 to vector<256x128xf32>
    %mul3A_891 = arith.mulf %concatenate3A_21, %mul3A_890 : vector<256x128xf32>
    %add3A_892 = arith.addf %add3A_886, %mul3A_891 : vector<256x128xf32>
    %get3A_893 = arith.constant 3 : index
    %get3A_894 = arith.constant 17 : index
    %get3A_895 = memref.load %arg2[%get3A_893, %get3A_894] : memref<6x50xf32, #tpu.memory_space<smem>>
    %mul3A_896 = vector.broadcast %get3A_895 : f32 to vector<256x128xf32>
    %mul3A_897 = arith.mulf %concatenate3A_23, %mul3A_896 : vector<256x128xf32>
    %add3A_898 = arith.addf %add3A_892, %mul3A_897 : vector<256x128xf32>
    %get3A_899 = arith.constant 4 : index
    %get3A_900 = arith.constant 17 : index
    %get3A_901 = memref.load %arg2[%get3A_899, %get3A_900] : memref<6x50xf32, #tpu.memory_space<smem>>
    %mul3A_902 = vector.broadcast %get3A_901 : f32 to vector<256x128xf32>
    %mul3A_903 = arith.mulf %add3A_18, %mul3A_902 : vector<256x128xf32>
    %add3A_904 = arith.addf %add3A_898, %mul3A_903 : vector<256x128xf32>
    %get3A_905 = arith.constant 5 : index
    %get3A_906 = arith.constant 17 : index
    %get3A_907 = memref.load %arg2[%get3A_905, %get3A_906] : memref<6x50xf32, #tpu.memory_space<smem>>
    %mul3A_908 = vector.broadcast %get3A_907 : f32 to vector<256x128xf32>
    %mul3A_909 = arith.mulf %concatenate3A_25, %mul3A_908 : vector<256x128xf32>
    %add3A_910 = arith.addf %add3A_904, %mul3A_909 : vector<256x128xf32>
    %get3A_911 = arith.constant 17 : index
    %get3A_912 = memref.load %arg3[%get3A_911] : memref<50xf32, #tpu.memory_space<smem>>
    %add3A_913 = vector.broadcast %get3A_912 : f32 to vector<256x128xf32>
    %add3A_914 = arith.addf %add3A_910, %add3A_913 : vector<256x128xf32>
    %max3A_915 = arith.constant 0.000000e+00 : f32
    %max3A_916 = vector.broadcast %max3A_915 : f32 to vector<256x128xf32>
    %max3A_917 = arith.maximumf %add3A_914, %max3A_916 : vector<256x128xf32>
    %get3A_918 = arith.constant 17 : index
    %get3A_919 = arith.constant 0 : index
    %get3A_920 = arith.constant 0 : index
    %get3A_921 = vector.load %arg6[%get3A_918, %get3A_919, %get3A_920] : memref<50x128x128xf32, #tpu.memory_space<vmem>>, vector<1x128x128xf32>
    %get3A_922 = vector.shape_cast %get3A_921 : vector<1x128x128xf32> to vector<128x128xf32>
    %dot_general3A_923 = arith.constant dense<0.000000e+00> : vector<256x128xf32>
    %dot_general3A_924 = tpu.matmul %max3A_917, %get3A_922, %dot_general3A_923 {dimension_numbers = #tpu.dot_dimension_numbers<[1], [0], [0], [1], [0, 0, 1, 1], [], []>, transpose_lhs_hint = false} : vector<256x128xf32>, vector<128x128xf32>, vector<256x128xf32> -> vector<256x128xf32>
    %add3A_925 = arith.addf %add3A_875, %dot_general3A_924 : vector<256x128xf32>
    %get3A_926 = arith.constant 0 : index
    %get3A_927 = arith.constant 18 : index
    %get3A_928 = memref.load %arg2[%get3A_926, %get3A_927] : memref<6x50xf32, #tpu.memory_space<smem>>
    %mul3A_929 = vector.broadcast %get3A_928 : f32 to vector<256x128xf32>
    %mul3A_930 = arith.mulf %concatenate3A, %mul3A_929 : vector<256x128xf32>
    %get3A_931 = arith.constant 1 : index
    %get3A_932 = arith.constant 18 : index
    %get3A_933 = memref.load %arg2[%get3A_931, %get3A_932] : memref<6x50xf32, #tpu.memory_space<smem>>
    %mul3A_934 = vector.broadcast %get3A_933 : f32 to vector<256x128xf32>
    %mul3A_935 = arith.mulf %add3A_7, %mul3A_934 : vector<256x128xf32>
    %add3A_936 = arith.addf %mul3A_930, %mul3A_935 : vector<256x128xf32>
    %get3A_937 = arith.constant 2 : index
    %get3A_938 = arith.constant 18 : index
    %get3A_939 = memref.load %arg2[%get3A_937, %get3A_938] : memref<6x50xf32, #tpu.memory_space<smem>>
    %mul3A_940 = vector.broadcast %get3A_939 : f32 to vector<256x128xf32>
    %mul3A_941 = arith.mulf %concatenate3A_21, %mul3A_940 : vector<256x128xf32>
    %add3A_942 = arith.addf %add3A_936, %mul3A_941 : vector<256x128xf32>
    %get3A_943 = arith.constant 3 : index
    %get3A_944 = arith.constant 18 : index
    %get3A_945 = memref.load %arg2[%get3A_943, %get3A_944] : memref<6x50xf32, #tpu.memory_space<smem>>
    %mul3A_946 = vector.broadcast %get3A_945 : f32 to vector<256x128xf32>
    %mul3A_947 = arith.mulf %concatenate3A_23, %mul3A_946 : vector<256x128xf32>
    %add3A_948 = arith.addf %add3A_942, %mul3A_947 : vector<256x128xf32>
    %get3A_949 = arith.constant 4 : index
    %get3A_950 = arith.constant 18 : index
    %get3A_951 = memref.load %arg2[%get3A_949, %get3A_950] : memref<6x50xf32, #tpu.memory_space<smem>>
    %mul3A_952 = vector.broadcast %get3A_951 : f32 to vector<256x128xf32>
    %mul3A_953 = arith.mulf %add3A_18, %mul3A_952 : vector<256x128xf32>
    %add3A_954 = arith.addf %add3A_948, %mul3A_953 : vector<256x128xf32>
    %get3A_955 = arith.constant 5 : index
    %get3A_956 = arith.constant 18 : index
    %get3A_957 = memref.load %arg2[%get3A_955, %get3A_956] : memref<6x50xf32, #tpu.memory_space<smem>>
    %mul3A_958 = vector.broadcast %get3A_957 : f32 to vector<256x128xf32>
    %mul3A_959 = arith.mulf %concatenate3A_25, %mul3A_958 : vector<256x128xf32>
    %add3A_960 = arith.addf %add3A_954, %mul3A_959 : vector<256x128xf32>
    %get3A_961 = arith.constant 18 : index
    %get3A_962 = memref.load %arg3[%get3A_961] : memref<50xf32, #tpu.memory_space<smem>>
    %add3A_963 = vector.broadcast %get3A_962 : f32 to vector<256x128xf32>
    %add3A_964 = arith.addf %add3A_960, %add3A_963 : vector<256x128xf32>
    %max3A_965 = arith.constant 0.000000e+00 : f32
    %max3A_966 = vector.broadcast %max3A_965 : f32 to vector<256x128xf32>
    %max3A_967 = arith.maximumf %add3A_964, %max3A_966 : vector<256x128xf32>
    %get3A_968 = arith.constant 18 : index
    %get3A_969 = arith.constant 0 : index
    %get3A_970 = arith.constant 0 : index
    %get3A_971 = vector.load %arg6[%get3A_968, %get3A_969, %get3A_970] : memref<50x128x128xf32, #tpu.memory_space<vmem>>, vector<1x128x128xf32>
    %get3A_972 = vector.shape_cast %get3A_971 : vector<1x128x128xf32> to vector<128x128xf32>
    %dot_general3A_973 = arith.constant dense<0.000000e+00> : vector<256x128xf32>
    %dot_general3A_974 = tpu.matmul %max3A_967, %get3A_972, %dot_general3A_973 {dimension_numbers = #tpu.dot_dimension_numbers<[1], [0], [0], [1], [0, 0, 1, 1], [], []>, transpose_lhs_hint = false} : vector<256x128xf32>, vector<128x128xf32>, vector<256x128xf32> -> vector<256x128xf32>
    %add3A_975 = arith.addf %add3A_925, %dot_general3A_974 : vector<256x128xf32>
    %get3A_976 = arith.constant 0 : index
    %get3A_977 = arith.constant 19 : index
    %get3A_978 = memref.load %arg2[%get3A_976, %get3A_977] : memref<6x50xf32, #tpu.memory_space<smem>>
    %mul3A_979 = vector.broadcast %get3A_978 : f32 to vector<256x128xf32>
    %mul3A_980 = arith.mulf %concatenate3A, %mul3A_979 : vector<256x128xf32>
    %get3A_981 = arith.constant 1 : index
    %get3A_982 = arith.constant 19 : index
    %get3A_983 = memref.load %arg2[%get3A_981, %get3A_982] : memref<6x50xf32, #tpu.memory_space<smem>>
    %mul3A_984 = vector.broadcast %get3A_983 : f32 to vector<256x128xf32>
    %mul3A_985 = arith.mulf %add3A_7, %mul3A_984 : vector<256x128xf32>
    %add3A_986 = arith.addf %mul3A_980, %mul3A_985 : vector<256x128xf32>
    %get3A_987 = arith.constant 2 : index
    %get3A_988 = arith.constant 19 : index
    %get3A_989 = memref.load %arg2[%get3A_987, %get3A_988] : memref<6x50xf32, #tpu.memory_space<smem>>
    %mul3A_990 = vector.broadcast %get3A_989 : f32 to vector<256x128xf32>
    %mul3A_991 = arith.mulf %concatenate3A_21, %mul3A_990 : vector<256x128xf32>
    %add3A_992 = arith.addf %add3A_986, %mul3A_991 : vector<256x128xf32>
    %get3A_993 = arith.constant 3 : index
    %get3A_994 = arith.constant 19 : index
    %get3A_995 = memref.load %arg2[%get3A_993, %get3A_994] : memref<6x50xf32, #tpu.memory_space<smem>>
    %mul3A_996 = vector.broadcast %get3A_995 : f32 to vector<256x128xf32>
    %mul3A_997 = arith.mulf %concatenate3A_23, %mul3A_996 : vector<256x128xf32>
    %add3A_998 = arith.addf %add3A_992, %mul3A_997 : vector<256x128xf32>
    %get3A_999 = arith.constant 4 : index
    %get3A_1000 = arith.constant 19 : index
    %get3A_1001 = memref.load %arg2[%get3A_999, %get3A_1000] : memref<6x50xf32, #tpu.memory_space<smem>>
    %mul3A_1002 = vector.broadcast %get3A_1001 : f32 to vector<256x128xf32>
    %mul3A_1003 = arith.mulf %add3A_18, %mul3A_1002 : vector<256x128xf32>
    %add3A_1004 = arith.addf %add3A_998, %mul3A_1003 : vector<256x128xf32>
    %get3A_1005 = arith.constant 5 : index
    %get3A_1006 = arith.constant 19 : index
    %get3A_1007 = memref.load %arg2[%get3A_1005, %get3A_1006] : memref<6x50xf32, #tpu.memory_space<smem>>
    %mul3A_1008 = vector.broadcast %get3A_1007 : f32 to vector<256x128xf32>
    %mul3A_1009 = arith.mulf %concatenate3A_25, %mul3A_1008 : vector<256x128xf32>
    %add3A_1010 = arith.addf %add3A_1004, %mul3A_1009 : vector<256x128xf32>
    %get3A_1011 = arith.constant 19 : index
    %get3A_1012 = memref.load %arg3[%get3A_1011] : memref<50xf32, #tpu.memory_space<smem>>
    %add3A_1013 = vector.broadcast %get3A_1012 : f32 to vector<256x128xf32>
    %add3A_1014 = arith.addf %add3A_1010, %add3A_1013 : vector<256x128xf32>
    %max3A_1015 = arith.constant 0.000000e+00 : f32
    %max3A_1016 = vector.broadcast %max3A_1015 : f32 to vector<256x128xf32>
    %max3A_1017 = arith.maximumf %add3A_1014, %max3A_1016 : vector<256x128xf32>
    %get3A_1018 = arith.constant 19 : index
    %get3A_1019 = arith.constant 0 : index
    %get3A_1020 = arith.constant 0 : index
    %get3A_1021 = vector.load %arg6[%get3A_1018, %get3A_1019, %get3A_1020] : memref<50x128x128xf32, #tpu.memory_space<vmem>>, vector<1x128x128xf32>
    %get3A_1022 = vector.shape_cast %get3A_1021 : vector<1x128x128xf32> to vector<128x128xf32>
    %dot_general3A_1023 = arith.constant dense<0.000000e+00> : vector<256x128xf32>
    %dot_general3A_1024 = tpu.matmul %max3A_1017, %get3A_1022, %dot_general3A_1023 {dimension_numbers = #tpu.dot_dimension_numbers<[1], [0], [0], [1], [0, 0, 1, 1], [], []>, transpose_lhs_hint = false} : vector<256x128xf32>, vector<128x128xf32>, vector<256x128xf32> -> vector<256x128xf32>
    %add3A_1025 = arith.addf %add3A_975, %dot_general3A_1024 : vector<256x128xf32>
    %get3A_1026 = arith.constant 0 : index
    %get3A_1027 = arith.constant 20 : index
    %get3A_1028 = memref.load %arg2[%get3A_1026, %get3A_1027] : memref<6x50xf32, #tpu.memory_space<smem>>
    %mul3A_1029 = vector.broadcast %get3A_1028 : f32 to vector<256x128xf32>
    %mul3A_1030 = arith.mulf %concatenate3A, %mul3A_1029 : vector<256x128xf32>
    %get3A_1031 = arith.constant 1 : index
    %get3A_1032 = arith.constant 20 : index
    %get3A_1033 = memref.load %arg2[%get3A_1031, %get3A_1032] : memref<6x50xf32, #tpu.memory_space<smem>>
    %mul3A_1034 = vector.broadcast %get3A_1033 : f32 to vector<256x128xf32>
    %mul3A_1035 = arith.mulf %add3A_7, %mul3A_1034 : vector<256x128xf32>
    %add3A_1036 = arith.addf %mul3A_1030, %mul3A_1035 : vector<256x128xf32>
    %get3A_1037 = arith.constant 2 : index
    %get3A_1038 = arith.constant 20 : index
    %get3A_1039 = memref.load %arg2[%get3A_1037, %get3A_1038] : memref<6x50xf32, #tpu.memory_space<smem>>
    %mul3A_1040 = vector.broadcast %get3A_1039 : f32 to vector<256x128xf32>
    %mul3A_1041 = arith.mulf %concatenate3A_21, %mul3A_1040 : vector<256x128xf32>
    %add3A_1042 = arith.addf %add3A_1036, %mul3A_1041 : vector<256x128xf32>
    %get3A_1043 = arith.constant 3 : index
    %get3A_1044 = arith.constant 20 : index
    %get3A_1045 = memref.load %arg2[%get3A_1043, %get3A_1044] : memref<6x50xf32, #tpu.memory_space<smem>>
    %mul3A_1046 = vector.broadcast %get3A_1045 : f32 to vector<256x128xf32>
    %mul3A_1047 = arith.mulf %concatenate3A_23, %mul3A_1046 : vector<256x128xf32>
    %add3A_1048 = arith.addf %add3A_1042, %mul3A_1047 : vector<256x128xf32>
    %get3A_1049 = arith.constant 4 : index
    %get3A_1050 = arith.constant 20 : index
    %get3A_1051 = memref.load %arg2[%get3A_1049, %get3A_1050] : memref<6x50xf32, #tpu.memory_space<smem>>
    %mul3A_1052 = vector.broadcast %get3A_1051 : f32 to vector<256x128xf32>
    %mul3A_1053 = arith.mulf %add3A_18, %mul3A_1052 : vector<256x128xf32>
    %add3A_1054 = arith.addf %add3A_1048, %mul3A_1053 : vector<256x128xf32>
    %get3A_1055 = arith.constant 5 : index
    %get3A_1056 = arith.constant 20 : index
    %get3A_1057 = memref.load %arg2[%get3A_1055, %get3A_1056] : memref<6x50xf32, #tpu.memory_space<smem>>
    %mul3A_1058 = vector.broadcast %get3A_1057 : f32 to vector<256x128xf32>
    %mul3A_1059 = arith.mulf %concatenate3A_25, %mul3A_1058 : vector<256x128xf32>
    %add3A_1060 = arith.addf %add3A_1054, %mul3A_1059 : vector<256x128xf32>
    %get3A_1061 = arith.constant 20 : index
    %get3A_1062 = memref.load %arg3[%get3A_1061] : memref<50xf32, #tpu.memory_space<smem>>
    %add3A_1063 = vector.broadcast %get3A_1062 : f32 to vector<256x128xf32>
    %add3A_1064 = arith.addf %add3A_1060, %add3A_1063 : vector<256x128xf32>
    %max3A_1065 = arith.constant 0.000000e+00 : f32
    %max3A_1066 = vector.broadcast %max3A_1065 : f32 to vector<256x128xf32>
    %max3A_1067 = arith.maximumf %add3A_1064, %max3A_1066 : vector<256x128xf32>
    %get3A_1068 = arith.constant 20 : index
    %get3A_1069 = arith.constant 0 : index
    %get3A_1070 = arith.constant 0 : index
    %get3A_1071 = vector.load %arg6[%get3A_1068, %get3A_1069, %get3A_1070] : memref<50x128x128xf32, #tpu.memory_space<vmem>>, vector<1x128x128xf32>
    %get3A_1072 = vector.shape_cast %get3A_1071 : vector<1x128x128xf32> to vector<128x128xf32>
    %dot_general3A_1073 = arith.constant dense<0.000000e+00> : vector<256x128xf32>
    %dot_general3A_1074 = tpu.matmul %max3A_1067, %get3A_1072, %dot_general3A_1073 {dimension_numbers = #tpu.dot_dimension_numbers<[1], [0], [0], [1], [0, 0, 1, 1], [], []>, transpose_lhs_hint = false} : vector<256x128xf32>, vector<128x128xf32>, vector<256x128xf32> -> vector<256x128xf32>
    %add3A_1075 = arith.addf %add3A_1025, %dot_general3A_1074 : vector<256x128xf32>
    %get3A_1076 = arith.constant 0 : index
    %get3A_1077 = arith.constant 21 : index
    %get3A_1078 = memref.load %arg2[%get3A_1076, %get3A_1077] : memref<6x50xf32, #tpu.memory_space<smem>>
    %mul3A_1079 = vector.broadcast %get3A_1078 : f32 to vector<256x128xf32>
    %mul3A_1080 = arith.mulf %concatenate3A, %mul3A_1079 : vector<256x128xf32>
    %get3A_1081 = arith.constant 1 : index
    %get3A_1082 = arith.constant 21 : index
    %get3A_1083 = memref.load %arg2[%get3A_1081, %get3A_1082] : memref<6x50xf32, #tpu.memory_space<smem>>
    %mul3A_1084 = vector.broadcast %get3A_1083 : f32 to vector<256x128xf32>
    %mul3A_1085 = arith.mulf %add3A_7, %mul3A_1084 : vector<256x128xf32>
    %add3A_1086 = arith.addf %mul3A_1080, %mul3A_1085 : vector<256x128xf32>
    %get3A_1087 = arith.constant 2 : index
    %get3A_1088 = arith.constant 21 : index
    %get3A_1089 = memref.load %arg2[%get3A_1087, %get3A_1088] : memref<6x50xf32, #tpu.memory_space<smem>>
    %mul3A_1090 = vector.broadcast %get3A_1089 : f32 to vector<256x128xf32>
    %mul3A_1091 = arith.mulf %concatenate3A_21, %mul3A_1090 : vector<256x128xf32>
    %add3A_1092 = arith.addf %add3A_1086, %mul3A_1091 : vector<256x128xf32>
    %get3A_1093 = arith.constant 3 : index
    %get3A_1094 = arith.constant 21 : index
    %get3A_1095 = memref.load %arg2[%get3A_1093, %get3A_1094] : memref<6x50xf32, #tpu.memory_space<smem>>
    %mul3A_1096 = vector.broadcast %get3A_1095 : f32 to vector<256x128xf32>
    %mul3A_1097 = arith.mulf %concatenate3A_23, %mul3A_1096 : vector<256x128xf32>
    %add3A_1098 = arith.addf %add3A_1092, %mul3A_1097 : vector<256x128xf32>
    %get3A_1099 = arith.constant 4 : index
    %get3A_1100 = arith.constant 21 : index
    %get3A_1101 = memref.load %arg2[%get3A_1099, %get3A_1100] : memref<6x50xf32, #tpu.memory_space<smem>>
    %mul3A_1102 = vector.broadcast %get3A_1101 : f32 to vector<256x128xf32>
    %mul3A_1103 = arith.mulf %add3A_18, %mul3A_1102 : vector<256x128xf32>
    %add3A_1104 = arith.addf %add3A_1098, %mul3A_1103 : vector<256x128xf32>
    %get3A_1105 = arith.constant 5 : index
    %get3A_1106 = arith.constant 21 : index
    %get3A_1107 = memref.load %arg2[%get3A_1105, %get3A_1106] : memref<6x50xf32, #tpu.memory_space<smem>>
    %mul3A_1108 = vector.broadcast %get3A_1107 : f32 to vector<256x128xf32>
    %mul3A_1109 = arith.mulf %concatenate3A_25, %mul3A_1108 : vector<256x128xf32>
    %add3A_1110 = arith.addf %add3A_1104, %mul3A_1109 : vector<256x128xf32>
    %get3A_1111 = arith.constant 21 : index
    %get3A_1112 = memref.load %arg3[%get3A_1111] : memref<50xf32, #tpu.memory_space<smem>>
    %add3A_1113 = vector.broadcast %get3A_1112 : f32 to vector<256x128xf32>
    %add3A_1114 = arith.addf %add3A_1110, %add3A_1113 : vector<256x128xf32>
    %max3A_1115 = arith.constant 0.000000e+00 : f32
    %max3A_1116 = vector.broadcast %max3A_1115 : f32 to vector<256x128xf32>
    %max3A_1117 = arith.maximumf %add3A_1114, %max3A_1116 : vector<256x128xf32>
    %get3A_1118 = arith.constant 21 : index
    %get3A_1119 = arith.constant 0 : index
    %get3A_1120 = arith.constant 0 : index
    %get3A_1121 = vector.load %arg6[%get3A_1118, %get3A_1119, %get3A_1120] : memref<50x128x128xf32, #tpu.memory_space<vmem>>, vector<1x128x128xf32>
    %get3A_1122 = vector.shape_cast %get3A_1121 : vector<1x128x128xf32> to vector<128x128xf32>
    %dot_general3A_1123 = arith.constant dense<0.000000e+00> : vector<256x128xf32>
    %dot_general3A_1124 = tpu.matmul %max3A_1117, %get3A_1122, %dot_general3A_1123 {dimension_numbers = #tpu.dot_dimension_numbers<[1], [0], [0], [1], [0, 0, 1, 1], [], []>, transpose_lhs_hint = false} : vector<256x128xf32>, vector<128x128xf32>, vector<256x128xf32> -> vector<256x128xf32>
    %add3A_1125 = arith.addf %add3A_1075, %dot_general3A_1124 : vector<256x128xf32>
    %get3A_1126 = arith.constant 0 : index
    %get3A_1127 = arith.constant 22 : index
    %get3A_1128 = memref.load %arg2[%get3A_1126, %get3A_1127] : memref<6x50xf32, #tpu.memory_space<smem>>
    %mul3A_1129 = vector.broadcast %get3A_1128 : f32 to vector<256x128xf32>
    %mul3A_1130 = arith.mulf %concatenate3A, %mul3A_1129 : vector<256x128xf32>
    %get3A_1131 = arith.constant 1 : index
    %get3A_1132 = arith.constant 22 : index
    %get3A_1133 = memref.load %arg2[%get3A_1131, %get3A_1132] : memref<6x50xf32, #tpu.memory_space<smem>>
    %mul3A_1134 = vector.broadcast %get3A_1133 : f32 to vector<256x128xf32>
    %mul3A_1135 = arith.mulf %add3A_7, %mul3A_1134 : vector<256x128xf32>
    %add3A_1136 = arith.addf %mul3A_1130, %mul3A_1135 : vector<256x128xf32>
    %get3A_1137 = arith.constant 2 : index
    %get3A_1138 = arith.constant 22 : index
    %get3A_1139 = memref.load %arg2[%get3A_1137, %get3A_1138] : memref<6x50xf32, #tpu.memory_space<smem>>
    %mul3A_1140 = vector.broadcast %get3A_1139 : f32 to vector<256x128xf32>
    %mul3A_1141 = arith.mulf %concatenate3A_21, %mul3A_1140 : vector<256x128xf32>
    %add3A_1142 = arith.addf %add3A_1136, %mul3A_1141 : vector<256x128xf32>
    %get3A_1143 = arith.constant 3 : index
    %get3A_1144 = arith.constant 22 : index
    %get3A_1145 = memref.load %arg2[%get3A_1143, %get3A_1144] : memref<6x50xf32, #tpu.memory_space<smem>>
    %mul3A_1146 = vector.broadcast %get3A_1145 : f32 to vector<256x128xf32>
    %mul3A_1147 = arith.mulf %concatenate3A_23, %mul3A_1146 : vector<256x128xf32>
    %add3A_1148 = arith.addf %add3A_1142, %mul3A_1147 : vector<256x128xf32>
    %get3A_1149 = arith.constant 4 : index
    %get3A_1150 = arith.constant 22 : index
    %get3A_1151 = memref.load %arg2[%get3A_1149, %get3A_1150] : memref<6x50xf32, #tpu.memory_space<smem>>
    %mul3A_1152 = vector.broadcast %get3A_1151 : f32 to vector<256x128xf32>
    %mul3A_1153 = arith.mulf %add3A_18, %mul3A_1152 : vector<256x128xf32>
    %add3A_1154 = arith.addf %add3A_1148, %mul3A_1153 : vector<256x128xf32>
    %get3A_1155 = arith.constant 5 : index
    %get3A_1156 = arith.constant 22 : index
    %get3A_1157 = memref.load %arg2[%get3A_1155, %get3A_1156] : memref<6x50xf32, #tpu.memory_space<smem>>
    %mul3A_1158 = vector.broadcast %get3A_1157 : f32 to vector<256x128xf32>
    %mul3A_1159 = arith.mulf %concatenate3A_25, %mul3A_1158 : vector<256x128xf32>
    %add3A_1160 = arith.addf %add3A_1154, %mul3A_1159 : vector<256x128xf32>
    %get3A_1161 = arith.constant 22 : index
    %get3A_1162 = memref.load %arg3[%get3A_1161] : memref<50xf32, #tpu.memory_space<smem>>
    %add3A_1163 = vector.broadcast %get3A_1162 : f32 to vector<256x128xf32>
    %add3A_1164 = arith.addf %add3A_1160, %add3A_1163 : vector<256x128xf32>
    %max3A_1165 = arith.constant 0.000000e+00 : f32
    %max3A_1166 = vector.broadcast %max3A_1165 : f32 to vector<256x128xf32>
    %max3A_1167 = arith.maximumf %add3A_1164, %max3A_1166 : vector<256x128xf32>
    %get3A_1168 = arith.constant 22 : index
    %get3A_1169 = arith.constant 0 : index
    %get3A_1170 = arith.constant 0 : index
    %get3A_1171 = vector.load %arg6[%get3A_1168, %get3A_1169, %get3A_1170] : memref<50x128x128xf32, #tpu.memory_space<vmem>>, vector<1x128x128xf32>
    %get3A_1172 = vector.shape_cast %get3A_1171 : vector<1x128x128xf32> to vector<128x128xf32>
    %dot_general3A_1173 = arith.constant dense<0.000000e+00> : vector<256x128xf32>
    %dot_general3A_1174 = tpu.matmul %max3A_1167, %get3A_1172, %dot_general3A_1173 {dimension_numbers = #tpu.dot_dimension_numbers<[1], [0], [0], [1], [0, 0, 1, 1], [], []>, transpose_lhs_hint = false} : vector<256x128xf32>, vector<128x128xf32>, vector<256x128xf32> -> vector<256x128xf32>
    %add3A_1175 = arith.addf %add3A_1125, %dot_general3A_1174 : vector<256x128xf32>
    %get3A_1176 = arith.constant 0 : index
    %get3A_1177 = arith.constant 23 : index
    %get3A_1178 = memref.load %arg2[%get3A_1176, %get3A_1177] : memref<6x50xf32, #tpu.memory_space<smem>>
    %mul3A_1179 = vector.broadcast %get3A_1178 : f32 to vector<256x128xf32>
    %mul3A_1180 = arith.mulf %concatenate3A, %mul3A_1179 : vector<256x128xf32>
    %get3A_1181 = arith.constant 1 : index
    %get3A_1182 = arith.constant 23 : index
    %get3A_1183 = memref.load %arg2[%get3A_1181, %get3A_1182] : memref<6x50xf32, #tpu.memory_space<smem>>
    %mul3A_1184 = vector.broadcast %get3A_1183 : f32 to vector<256x128xf32>
    %mul3A_1185 = arith.mulf %add3A_7, %mul3A_1184 : vector<256x128xf32>
    %add3A_1186 = arith.addf %mul3A_1180, %mul3A_1185 : vector<256x128xf32>
    %get3A_1187 = arith.constant 2 : index
    %get3A_1188 = arith.constant 23 : index
    %get3A_1189 = memref.load %arg2[%get3A_1187, %get3A_1188] : memref<6x50xf32, #tpu.memory_space<smem>>
    %mul3A_1190 = vector.broadcast %get3A_1189 : f32 to vector<256x128xf32>
    %mul3A_1191 = arith.mulf %concatenate3A_21, %mul3A_1190 : vector<256x128xf32>
    %add3A_1192 = arith.addf %add3A_1186, %mul3A_1191 : vector<256x128xf32>
    %get3A_1193 = arith.constant 3 : index
    %get3A_1194 = arith.constant 23 : index
    %get3A_1195 = memref.load %arg2[%get3A_1193, %get3A_1194] : memref<6x50xf32, #tpu.memory_space<smem>>
    %mul3A_1196 = vector.broadcast %get3A_1195 : f32 to vector<256x128xf32>
    %mul3A_1197 = arith.mulf %concatenate3A_23, %mul3A_1196 : vector<256x128xf32>
    %add3A_1198 = arith.addf %add3A_1192, %mul3A_1197 : vector<256x128xf32>
    %get3A_1199 = arith.constant 4 : index
    %get3A_1200 = arith.constant 23 : index
    %get3A_1201 = memref.load %arg2[%get3A_1199, %get3A_1200] : memref<6x50xf32, #tpu.memory_space<smem>>
    %mul3A_1202 = vector.broadcast %get3A_1201 : f32 to vector<256x128xf32>
    %mul3A_1203 = arith.mulf %add3A_18, %mul3A_1202 : vector<256x128xf32>
    %add3A_1204 = arith.addf %add3A_1198, %mul3A_1203 : vector<256x128xf32>
    %get3A_1205 = arith.constant 5 : index
    %get3A_1206 = arith.constant 23 : index
    %get3A_1207 = memref.load %arg2[%get3A_1205, %get3A_1206] : memref<6x50xf32, #tpu.memory_space<smem>>
    %mul3A_1208 = vector.broadcast %get3A_1207 : f32 to vector<256x128xf32>
    %mul3A_1209 = arith.mulf %concatenate3A_25, %mul3A_1208 : vector<256x128xf32>
    %add3A_1210 = arith.addf %add3A_1204, %mul3A_1209 : vector<256x128xf32>
    %get3A_1211 = arith.constant 23 : index
    %get3A_1212 = memref.load %arg3[%get3A_1211] : memref<50xf32, #tpu.memory_space<smem>>
    %add3A_1213 = vector.broadcast %get3A_1212 : f32 to vector<256x128xf32>
    %add3A_1214 = arith.addf %add3A_1210, %add3A_1213 : vector<256x128xf32>
    %max3A_1215 = arith.constant 0.000000e+00 : f32
    %max3A_1216 = vector.broadcast %max3A_1215 : f32 to vector<256x128xf32>
    %max3A_1217 = arith.maximumf %add3A_1214, %max3A_1216 : vector<256x128xf32>
    %get3A_1218 = arith.constant 23 : index
    %get3A_1219 = arith.constant 0 : index
    %get3A_1220 = arith.constant 0 : index
    %get3A_1221 = vector.load %arg6[%get3A_1218, %get3A_1219, %get3A_1220] : memref<50x128x128xf32, #tpu.memory_space<vmem>>, vector<1x128x128xf32>
    %get3A_1222 = vector.shape_cast %get3A_1221 : vector<1x128x128xf32> to vector<128x128xf32>
    %dot_general3A_1223 = arith.constant dense<0.000000e+00> : vector<256x128xf32>
    %dot_general3A_1224 = tpu.matmul %max3A_1217, %get3A_1222, %dot_general3A_1223 {dimension_numbers = #tpu.dot_dimension_numbers<[1], [0], [0], [1], [0, 0, 1, 1], [], []>, transpose_lhs_hint = false} : vector<256x128xf32>, vector<128x128xf32>, vector<256x128xf32> -> vector<256x128xf32>
    %add3A_1225 = arith.addf %add3A_1175, %dot_general3A_1224 : vector<256x128xf32>
    %get3A_1226 = arith.constant 0 : index
    %get3A_1227 = arith.constant 24 : index
    %get3A_1228 = memref.load %arg2[%get3A_1226, %get3A_1227] : memref<6x50xf32, #tpu.memory_space<smem>>
    %mul3A_1229 = vector.broadcast %get3A_1228 : f32 to vector<256x128xf32>
    %mul3A_1230 = arith.mulf %concatenate3A, %mul3A_1229 : vector<256x128xf32>
    %get3A_1231 = arith.constant 1 : index
    %get3A_1232 = arith.constant 24 : index
    %get3A_1233 = memref.load %arg2[%get3A_1231, %get3A_1232] : memref<6x50xf32, #tpu.memory_space<smem>>
    %mul3A_1234 = vector.broadcast %get3A_1233 : f32 to vector<256x128xf32>
    %mul3A_1235 = arith.mulf %add3A_7, %mul3A_1234 : vector<256x128xf32>
    %add3A_1236 = arith.addf %mul3A_1230, %mul3A_1235 : vector<256x128xf32>
    %get3A_1237 = arith.constant 2 : index
    %get3A_1238 = arith.constant 24 : index
    %get3A_1239 = memref.load %arg2[%get3A_1237, %get3A_1238] : memref<6x50xf32, #tpu.memory_space<smem>>
    %mul3A_1240 = vector.broadcast %get3A_1239 : f32 to vector<256x128xf32>
    %mul3A_1241 = arith.mulf %concatenate3A_21, %mul3A_1240 : vector<256x128xf32>
    %add3A_1242 = arith.addf %add3A_1236, %mul3A_1241 : vector<256x128xf32>
    %get3A_1243 = arith.constant 3 : index
    %get3A_1244 = arith.constant 24 : index
    %get3A_1245 = memref.load %arg2[%get3A_1243, %get3A_1244] : memref<6x50xf32, #tpu.memory_space<smem>>
    %mul3A_1246 = vector.broadcast %get3A_1245 : f32 to vector<256x128xf32>
    %mul3A_1247 = arith.mulf %concatenate3A_23, %mul3A_1246 : vector<256x128xf32>
    %add3A_1248 = arith.addf %add3A_1242, %mul3A_1247 : vector<256x128xf32>
    %get3A_1249 = arith.constant 4 : index
    %get3A_1250 = arith.constant 24 : index
    %get3A_1251 = memref.load %arg2[%get3A_1249, %get3A_1250] : memref<6x50xf32, #tpu.memory_space<smem>>
    %mul3A_1252 = vector.broadcast %get3A_1251 : f32 to vector<256x128xf32>
    %mul3A_1253 = arith.mulf %add3A_18, %mul3A_1252 : vector<256x128xf32>
    %add3A_1254 = arith.addf %add3A_1248, %mul3A_1253 : vector<256x128xf32>
    %get3A_1255 = arith.constant 5 : index
    %get3A_1256 = arith.constant 24 : index
    %get3A_1257 = memref.load %arg2[%get3A_1255, %get3A_1256] : memref<6x50xf32, #tpu.memory_space<smem>>
    %mul3A_1258 = vector.broadcast %get3A_1257 : f32 to vector<256x128xf32>
    %mul3A_1259 = arith.mulf %concatenate3A_25, %mul3A_1258 : vector<256x128xf32>
    %add3A_1260 = arith.addf %add3A_1254, %mul3A_1259 : vector<256x128xf32>
    %get3A_1261 = arith.constant 24 : index
    %get3A_1262 = memref.load %arg3[%get3A_1261] : memref<50xf32, #tpu.memory_space<smem>>
    %add3A_1263 = vector.broadcast %get3A_1262 : f32 to vector<256x128xf32>
    %add3A_1264 = arith.addf %add3A_1260, %add3A_1263 : vector<256x128xf32>
    %max3A_1265 = arith.constant 0.000000e+00 : f32
    %max3A_1266 = vector.broadcast %max3A_1265 : f32 to vector<256x128xf32>
    %max3A_1267 = arith.maximumf %add3A_1264, %max3A_1266 : vector<256x128xf32>
    %get3A_1268 = arith.constant 24 : index
    %get3A_1269 = arith.constant 0 : index
    %get3A_1270 = arith.constant 0 : index
    %get3A_1271 = vector.load %arg6[%get3A_1268, %get3A_1269, %get3A_1270] : memref<50x128x128xf32, #tpu.memory_space<vmem>>, vector<1x128x128xf32>
    %get3A_1272 = vector.shape_cast %get3A_1271 : vector<1x128x128xf32> to vector<128x128xf32>
    %dot_general3A_1273 = arith.constant dense<0.000000e+00> : vector<256x128xf32>
    %dot_general3A_1274 = tpu.matmul %max3A_1267, %get3A_1272, %dot_general3A_1273 {dimension_numbers = #tpu.dot_dimension_numbers<[1], [0], [0], [1], [0, 0, 1, 1], [], []>, transpose_lhs_hint = false} : vector<256x128xf32>, vector<128x128xf32>, vector<256x128xf32> -> vector<256x128xf32>
    %add3A_1275 = arith.addf %add3A_1225, %dot_general3A_1274 : vector<256x128xf32>
    %get3A_1276 = arith.constant 0 : index
    %get3A_1277 = arith.constant 25 : index
    %get3A_1278 = memref.load %arg2[%get3A_1276, %get3A_1277] : memref<6x50xf32, #tpu.memory_space<smem>>
    %mul3A_1279 = vector.broadcast %get3A_1278 : f32 to vector<256x128xf32>
    %mul3A_1280 = arith.mulf %concatenate3A, %mul3A_1279 : vector<256x128xf32>
    %get3A_1281 = arith.constant 1 : index
    %get3A_1282 = arith.constant 25 : index
    %get3A_1283 = memref.load %arg2[%get3A_1281, %get3A_1282] : memref<6x50xf32, #tpu.memory_space<smem>>
    %mul3A_1284 = vector.broadcast %get3A_1283 : f32 to vector<256x128xf32>
    %mul3A_1285 = arith.mulf %add3A_7, %mul3A_1284 : vector<256x128xf32>
    %add3A_1286 = arith.addf %mul3A_1280, %mul3A_1285 : vector<256x128xf32>
    %get3A_1287 = arith.constant 2 : index
    %get3A_1288 = arith.constant 25 : index
    %get3A_1289 = memref.load %arg2[%get3A_1287, %get3A_1288] : memref<6x50xf32, #tpu.memory_space<smem>>
    %mul3A_1290 = vector.broadcast %get3A_1289 : f32 to vector<256x128xf32>
    %mul3A_1291 = arith.mulf %concatenate3A_21, %mul3A_1290 : vector<256x128xf32>
    %add3A_1292 = arith.addf %add3A_1286, %mul3A_1291 : vector<256x128xf32>
    %get3A_1293 = arith.constant 3 : index
    %get3A_1294 = arith.constant 25 : index
    %get3A_1295 = memref.load %arg2[%get3A_1293, %get3A_1294] : memref<6x50xf32, #tpu.memory_space<smem>>
    %mul3A_1296 = vector.broadcast %get3A_1295 : f32 to vector<256x128xf32>
    %mul3A_1297 = arith.mulf %concatenate3A_23, %mul3A_1296 : vector<256x128xf32>
    %add3A_1298 = arith.addf %add3A_1292, %mul3A_1297 : vector<256x128xf32>
    %get3A_1299 = arith.constant 4 : index
    %get3A_1300 = arith.constant 25 : index
    %get3A_1301 = memref.load %arg2[%get3A_1299, %get3A_1300] : memref<6x50xf32, #tpu.memory_space<smem>>
    %mul3A_1302 = vector.broadcast %get3A_1301 : f32 to vector<256x128xf32>
    %mul3A_1303 = arith.mulf %add3A_18, %mul3A_1302 : vector<256x128xf32>
    %add3A_1304 = arith.addf %add3A_1298, %mul3A_1303 : vector<256x128xf32>
    %get3A_1305 = arith.constant 5 : index
    %get3A_1306 = arith.constant 25 : index
    %get3A_1307 = memref.load %arg2[%get3A_1305, %get3A_1306] : memref<6x50xf32, #tpu.memory_space<smem>>
    %mul3A_1308 = vector.broadcast %get3A_1307 : f32 to vector<256x128xf32>
    %mul3A_1309 = arith.mulf %concatenate3A_25, %mul3A_1308 : vector<256x128xf32>
    %add3A_1310 = arith.addf %add3A_1304, %mul3A_1309 : vector<256x128xf32>
    %get3A_1311 = arith.constant 25 : index
    %get3A_1312 = memref.load %arg3[%get3A_1311] : memref<50xf32, #tpu.memory_space<smem>>
    %add3A_1313 = vector.broadcast %get3A_1312 : f32 to vector<256x128xf32>
    %add3A_1314 = arith.addf %add3A_1310, %add3A_1313 : vector<256x128xf32>
    %max3A_1315 = arith.constant 0.000000e+00 : f32
    %max3A_1316 = vector.broadcast %max3A_1315 : f32 to vector<256x128xf32>
    %max3A_1317 = arith.maximumf %add3A_1314, %max3A_1316 : vector<256x128xf32>
    %get3A_1318 = arith.constant 25 : index
    %get3A_1319 = arith.constant 0 : index
    %get3A_1320 = arith.constant 0 : index
    %get3A_1321 = vector.load %arg6[%get3A_1318, %get3A_1319, %get3A_1320] : memref<50x128x128xf32, #tpu.memory_space<vmem>>, vector<1x128x128xf32>
    %get3A_1322 = vector.shape_cast %get3A_1321 : vector<1x128x128xf32> to vector<128x128xf32>
    %dot_general3A_1323 = arith.constant dense<0.000000e+00> : vector<256x128xf32>
    %dot_general3A_1324 = tpu.matmul %max3A_1317, %get3A_1322, %dot_general3A_1323 {dimension_numbers = #tpu.dot_dimension_numbers<[1], [0], [0], [1], [0, 0, 1, 1], [], []>, transpose_lhs_hint = false} : vector<256x128xf32>, vector<128x128xf32>, vector<256x128xf32> -> vector<256x128xf32>
    %add3A_1325 = arith.addf %add3A_1275, %dot_general3A_1324 : vector<256x128xf32>
    %get3A_1326 = arith.constant 0 : index
    %get3A_1327 = arith.constant 26 : index
    %get3A_1328 = memref.load %arg2[%get3A_1326, %get3A_1327] : memref<6x50xf32, #tpu.memory_space<smem>>
    %mul3A_1329 = vector.broadcast %get3A_1328 : f32 to vector<256x128xf32>
    %mul3A_1330 = arith.mulf %concatenate3A, %mul3A_1329 : vector<256x128xf32>
    %get3A_1331 = arith.constant 1 : index
    %get3A_1332 = arith.constant 26 : index
    %get3A_1333 = memref.load %arg2[%get3A_1331, %get3A_1332] : memref<6x50xf32, #tpu.memory_space<smem>>
    %mul3A_1334 = vector.broadcast %get3A_1333 : f32 to vector<256x128xf32>
    %mul3A_1335 = arith.mulf %add3A_7, %mul3A_1334 : vector<256x128xf32>
    %add3A_1336 = arith.addf %mul3A_1330, %mul3A_1335 : vector<256x128xf32>
    %get3A_1337 = arith.constant 2 : index
    %get3A_1338 = arith.constant 26 : index
    %get3A_1339 = memref.load %arg2[%get3A_1337, %get3A_1338] : memref<6x50xf32, #tpu.memory_space<smem>>
    %mul3A_1340 = vector.broadcast %get3A_1339 : f32 to vector<256x128xf32>
    %mul3A_1341 = arith.mulf %concatenate3A_21, %mul3A_1340 : vector<256x128xf32>
    %add3A_1342 = arith.addf %add3A_1336, %mul3A_1341 : vector<256x128xf32>
    %get3A_1343 = arith.constant 3 : index
    %get3A_1344 = arith.constant 26 : index
    %get3A_1345 = memref.load %arg2[%get3A_1343, %get3A_1344] : memref<6x50xf32, #tpu.memory_space<smem>>
    %mul3A_1346 = vector.broadcast %get3A_1345 : f32 to vector<256x128xf32>
    %mul3A_1347 = arith.mulf %concatenate3A_23, %mul3A_1346 : vector<256x128xf32>
    %add3A_1348 = arith.addf %add3A_1342, %mul3A_1347 : vector<256x128xf32>
    %get3A_1349 = arith.constant 4 : index
    %get3A_1350 = arith.constant 26 : index
    %get3A_1351 = memref.load %arg2[%get3A_1349, %get3A_1350] : memref<6x50xf32, #tpu.memory_space<smem>>
    %mul3A_1352 = vector.broadcast %get3A_1351 : f32 to vector<256x128xf32>
    %mul3A_1353 = arith.mulf %add3A_18, %mul3A_1352 : vector<256x128xf32>
    %add3A_1354 = arith.addf %add3A_1348, %mul3A_1353 : vector<256x128xf32>
    %get3A_1355 = arith.constant 5 : index
    %get3A_1356 = arith.constant 26 : index
    %get3A_1357 = memref.load %arg2[%get3A_1355, %get3A_1356] : memref<6x50xf32, #tpu.memory_space<smem>>
    %mul3A_1358 = vector.broadcast %get3A_1357 : f32 to vector<256x128xf32>
    %mul3A_1359 = arith.mulf %concatenate3A_25, %mul3A_1358 : vector<256x128xf32>
    %add3A_1360 = arith.addf %add3A_1354, %mul3A_1359 : vector<256x128xf32>
    %get3A_1361 = arith.constant 26 : index
    %get3A_1362 = memref.load %arg3[%get3A_1361] : memref<50xf32, #tpu.memory_space<smem>>
    %add3A_1363 = vector.broadcast %get3A_1362 : f32 to vector<256x128xf32>
    %add3A_1364 = arith.addf %add3A_1360, %add3A_1363 : vector<256x128xf32>
    %max3A_1365 = arith.constant 0.000000e+00 : f32
    %max3A_1366 = vector.broadcast %max3A_1365 : f32 to vector<256x128xf32>
    %max3A_1367 = arith.maximumf %add3A_1364, %max3A_1366 : vector<256x128xf32>
    %get3A_1368 = arith.constant 26 : index
    %get3A_1369 = arith.constant 0 : index
    %get3A_1370 = arith.constant 0 : index
    %get3A_1371 = vector.load %arg6[%get3A_1368, %get3A_1369, %get3A_1370] : memref<50x128x128xf32, #tpu.memory_space<vmem>>, vector<1x128x128xf32>
    %get3A_1372 = vector.shape_cast %get3A_1371 : vector<1x128x128xf32> to vector<128x128xf32>
    %dot_general3A_1373 = arith.constant dense<0.000000e+00> : vector<256x128xf32>
    %dot_general3A_1374 = tpu.matmul %max3A_1367, %get3A_1372, %dot_general3A_1373 {dimension_numbers = #tpu.dot_dimension_numbers<[1], [0], [0], [1], [0, 0, 1, 1], [], []>, transpose_lhs_hint = false} : vector<256x128xf32>, vector<128x128xf32>, vector<256x128xf32> -> vector<256x128xf32>
    %add3A_1375 = arith.addf %add3A_1325, %dot_general3A_1374 : vector<256x128xf32>
    %get3A_1376 = arith.constant 0 : index
    %get3A_1377 = arith.constant 27 : index
    %get3A_1378 = memref.load %arg2[%get3A_1376, %get3A_1377] : memref<6x50xf32, #tpu.memory_space<smem>>
    %mul3A_1379 = vector.broadcast %get3A_1378 : f32 to vector<256x128xf32>
    %mul3A_1380 = arith.mulf %concatenate3A, %mul3A_1379 : vector<256x128xf32>
    %get3A_1381 = arith.constant 1 : index
    %get3A_1382 = arith.constant 27 : index
    %get3A_1383 = memref.load %arg2[%get3A_1381, %get3A_1382] : memref<6x50xf32, #tpu.memory_space<smem>>
    %mul3A_1384 = vector.broadcast %get3A_1383 : f32 to vector<256x128xf32>
    %mul3A_1385 = arith.mulf %add3A_7, %mul3A_1384 : vector<256x128xf32>
    %add3A_1386 = arith.addf %mul3A_1380, %mul3A_1385 : vector<256x128xf32>
    %get3A_1387 = arith.constant 2 : index
    %get3A_1388 = arith.constant 27 : index
    %get3A_1389 = memref.load %arg2[%get3A_1387, %get3A_1388] : memref<6x50xf32, #tpu.memory_space<smem>>
    %mul3A_1390 = vector.broadcast %get3A_1389 : f32 to vector<256x128xf32>
    %mul3A_1391 = arith.mulf %concatenate3A_21, %mul3A_1390 : vector<256x128xf32>
    %add3A_1392 = arith.addf %add3A_1386, %mul3A_1391 : vector<256x128xf32>
    %get3A_1393 = arith.constant 3 : index
    %get3A_1394 = arith.constant 27 : index
    %get3A_1395 = memref.load %arg2[%get3A_1393, %get3A_1394] : memref<6x50xf32, #tpu.memory_space<smem>>
    %mul3A_1396 = vector.broadcast %get3A_1395 : f32 to vector<256x128xf32>
    %mul3A_1397 = arith.mulf %concatenate3A_23, %mul3A_1396 : vector<256x128xf32>
    %add3A_1398 = arith.addf %add3A_1392, %mul3A_1397 : vector<256x128xf32>
    %get3A_1399 = arith.constant 4 : index
    %get3A_1400 = arith.constant 27 : index
    %get3A_1401 = memref.load %arg2[%get3A_1399, %get3A_1400] : memref<6x50xf32, #tpu.memory_space<smem>>
    %mul3A_1402 = vector.broadcast %get3A_1401 : f32 to vector<256x128xf32>
    %mul3A_1403 = arith.mulf %add3A_18, %mul3A_1402 : vector<256x128xf32>
    %add3A_1404 = arith.addf %add3A_1398, %mul3A_1403 : vector<256x128xf32>
    %get3A_1405 = arith.constant 5 : index
    %get3A_1406 = arith.constant 27 : index
    %get3A_1407 = memref.load %arg2[%get3A_1405, %get3A_1406] : memref<6x50xf32, #tpu.memory_space<smem>>
    %mul3A_1408 = vector.broadcast %get3A_1407 : f32 to vector<256x128xf32>
    %mul3A_1409 = arith.mulf %concatenate3A_25, %mul3A_1408 : vector<256x128xf32>
    %add3A_1410 = arith.addf %add3A_1404, %mul3A_1409 : vector<256x128xf32>
    %get3A_1411 = arith.constant 27 : index
    %get3A_1412 = memref.load %arg3[%get3A_1411] : memref<50xf32, #tpu.memory_space<smem>>
    %add3A_1413 = vector.broadcast %get3A_1412 : f32 to vector<256x128xf32>
    %add3A_1414 = arith.addf %add3A_1410, %add3A_1413 : vector<256x128xf32>
    %max3A_1415 = arith.constant 0.000000e+00 : f32
    %max3A_1416 = vector.broadcast %max3A_1415 : f32 to vector<256x128xf32>
    %max3A_1417 = arith.maximumf %add3A_1414, %max3A_1416 : vector<256x128xf32>
    %get3A_1418 = arith.constant 27 : index
    %get3A_1419 = arith.constant 0 : index
    %get3A_1420 = arith.constant 0 : index
    %get3A_1421 = vector.load %arg6[%get3A_1418, %get3A_1419, %get3A_1420] : memref<50x128x128xf32, #tpu.memory_space<vmem>>, vector<1x128x128xf32>
    %get3A_1422 = vector.shape_cast %get3A_1421 : vector<1x128x128xf32> to vector<128x128xf32>
    %dot_general3A_1423 = arith.constant dense<0.000000e+00> : vector<256x128xf32>
    %dot_general3A_1424 = tpu.matmul %max3A_1417, %get3A_1422, %dot_general3A_1423 {dimension_numbers = #tpu.dot_dimension_numbers<[1], [0], [0], [1], [0, 0, 1, 1], [], []>, transpose_lhs_hint = false} : vector<256x128xf32>, vector<128x128xf32>, vector<256x128xf32> -> vector<256x128xf32>
    %add3A_1425 = arith.addf %add3A_1375, %dot_general3A_1424 : vector<256x128xf32>
    %get3A_1426 = arith.constant 0 : index
    %get3A_1427 = arith.constant 28 : index
    %get3A_1428 = memref.load %arg2[%get3A_1426, %get3A_1427] : memref<6x50xf32, #tpu.memory_space<smem>>
    %mul3A_1429 = vector.broadcast %get3A_1428 : f32 to vector<256x128xf32>
    %mul3A_1430 = arith.mulf %concatenate3A, %mul3A_1429 : vector<256x128xf32>
    %get3A_1431 = arith.constant 1 : index
    %get3A_1432 = arith.constant 28 : index
    %get3A_1433 = memref.load %arg2[%get3A_1431, %get3A_1432] : memref<6x50xf32, #tpu.memory_space<smem>>
    %mul3A_1434 = vector.broadcast %get3A_1433 : f32 to vector<256x128xf32>
    %mul3A_1435 = arith.mulf %add3A_7, %mul3A_1434 : vector<256x128xf32>
    %add3A_1436 = arith.addf %mul3A_1430, %mul3A_1435 : vector<256x128xf32>
    %get3A_1437 = arith.constant 2 : index
    %get3A_1438 = arith.constant 28 : index
    %get3A_1439 = memref.load %arg2[%get3A_1437, %get3A_1438] : memref<6x50xf32, #tpu.memory_space<smem>>
    %mul3A_1440 = vector.broadcast %get3A_1439 : f32 to vector<256x128xf32>
    %mul3A_1441 = arith.mulf %concatenate3A_21, %mul3A_1440 : vector<256x128xf32>
    %add3A_1442 = arith.addf %add3A_1436, %mul3A_1441 : vector<256x128xf32>
    %get3A_1443 = arith.constant 3 : index
    %get3A_1444 = arith.constant 28 : index
    %get3A_1445 = memref.load %arg2[%get3A_1443, %get3A_1444] : memref<6x50xf32, #tpu.memory_space<smem>>
    %mul3A_1446 = vector.broadcast %get3A_1445 : f32 to vector<256x128xf32>
    %mul3A_1447 = arith.mulf %concatenate3A_23, %mul3A_1446 : vector<256x128xf32>
    %add3A_1448 = arith.addf %add3A_1442, %mul3A_1447 : vector<256x128xf32>
    %get3A_1449 = arith.constant 4 : index
    %get3A_1450 = arith.constant 28 : index
    %get3A_1451 = memref.load %arg2[%get3A_1449, %get3A_1450] : memref<6x50xf32, #tpu.memory_space<smem>>
    %mul3A_1452 = vector.broadcast %get3A_1451 : f32 to vector<256x128xf32>
    %mul3A_1453 = arith.mulf %add3A_18, %mul3A_1452 : vector<256x128xf32>
    %add3A_1454 = arith.addf %add3A_1448, %mul3A_1453 : vector<256x128xf32>
    %get3A_1455 = arith.constant 5 : index
    %get3A_1456 = arith.constant 28 : index
    %get3A_1457 = memref.load %arg2[%get3A_1455, %get3A_1456] : memref<6x50xf32, #tpu.memory_space<smem>>
    %mul3A_1458 = vector.broadcast %get3A_1457 : f32 to vector<256x128xf32>
    %mul3A_1459 = arith.mulf %concatenate3A_25, %mul3A_1458 : vector<256x128xf32>
    %add3A_1460 = arith.addf %add3A_1454, %mul3A_1459 : vector<256x128xf32>
    %get3A_1461 = arith.constant 28 : index
    %get3A_1462 = memref.load %arg3[%get3A_1461] : memref<50xf32, #tpu.memory_space<smem>>
    %add3A_1463 = vector.broadcast %get3A_1462 : f32 to vector<256x128xf32>
    %add3A_1464 = arith.addf %add3A_1460, %add3A_1463 : vector<256x128xf32>
    %max3A_1465 = arith.constant 0.000000e+00 : f32
    %max3A_1466 = vector.broadcast %max3A_1465 : f32 to vector<256x128xf32>
    %max3A_1467 = arith.maximumf %add3A_1464, %max3A_1466 : vector<256x128xf32>
    %get3A_1468 = arith.constant 28 : index
    %get3A_1469 = arith.constant 0 : index
    %get3A_1470 = arith.constant 0 : index
    %get3A_1471 = vector.load %arg6[%get3A_1468, %get3A_1469, %get3A_1470] : memref<50x128x128xf32, #tpu.memory_space<vmem>>, vector<1x128x128xf32>
    %get3A_1472 = vector.shape_cast %get3A_1471 : vector<1x128x128xf32> to vector<128x128xf32>
    %dot_general3A_1473 = arith.constant dense<0.000000e+00> : vector<256x128xf32>
    %dot_general3A_1474 = tpu.matmul %max3A_1467, %get3A_1472, %dot_general3A_1473 {dimension_numbers = #tpu.dot_dimension_numbers<[1], [0], [0], [1], [0, 0, 1, 1], [], []>, transpose_lhs_hint = false} : vector<256x128xf32>, vector<128x128xf32>, vector<256x128xf32> -> vector<256x128xf32>
    %add3A_1475 = arith.addf %add3A_1425, %dot_general3A_1474 : vector<256x128xf32>
    %get3A_1476 = arith.constant 0 : index
    %get3A_1477 = arith.constant 29 : index
    %get3A_1478 = memref.load %arg2[%get3A_1476, %get3A_1477] : memref<6x50xf32, #tpu.memory_space<smem>>
    %mul3A_1479 = vector.broadcast %get3A_1478 : f32 to vector<256x128xf32>
    %mul3A_1480 = arith.mulf %concatenate3A, %mul3A_1479 : vector<256x128xf32>
    %get3A_1481 = arith.constant 1 : index
    %get3A_1482 = arith.constant 29 : index
    %get3A_1483 = memref.load %arg2[%get3A_1481, %get3A_1482] : memref<6x50xf32, #tpu.memory_space<smem>>
    %mul3A_1484 = vector.broadcast %get3A_1483 : f32 to vector<256x128xf32>
    %mul3A_1485 = arith.mulf %add3A_7, %mul3A_1484 : vector<256x128xf32>
    %add3A_1486 = arith.addf %mul3A_1480, %mul3A_1485 : vector<256x128xf32>
    %get3A_1487 = arith.constant 2 : index
    %get3A_1488 = arith.constant 29 : index
    %get3A_1489 = memref.load %arg2[%get3A_1487, %get3A_1488] : memref<6x50xf32, #tpu.memory_space<smem>>
    %mul3A_1490 = vector.broadcast %get3A_1489 : f32 to vector<256x128xf32>
    %mul3A_1491 = arith.mulf %concatenate3A_21, %mul3A_1490 : vector<256x128xf32>
    %add3A_1492 = arith.addf %add3A_1486, %mul3A_1491 : vector<256x128xf32>
    %get3A_1493 = arith.constant 3 : index
    %get3A_1494 = arith.constant 29 : index
    %get3A_1495 = memref.load %arg2[%get3A_1493, %get3A_1494] : memref<6x50xf32, #tpu.memory_space<smem>>
    %mul3A_1496 = vector.broadcast %get3A_1495 : f32 to vector<256x128xf32>
    %mul3A_1497 = arith.mulf %concatenate3A_23, %mul3A_1496 : vector<256x128xf32>
    %add3A_1498 = arith.addf %add3A_1492, %mul3A_1497 : vector<256x128xf32>
    %get3A_1499 = arith.constant 4 : index
    %get3A_1500 = arith.constant 29 : index
    %get3A_1501 = memref.load %arg2[%get3A_1499, %get3A_1500] : memref<6x50xf32, #tpu.memory_space<smem>>
    %mul3A_1502 = vector.broadcast %get3A_1501 : f32 to vector<256x128xf32>
    %mul3A_1503 = arith.mulf %add3A_18, %mul3A_1502 : vector<256x128xf32>
    %add3A_1504 = arith.addf %add3A_1498, %mul3A_1503 : vector<256x128xf32>
    %get3A_1505 = arith.constant 5 : index
    %get3A_1506 = arith.constant 29 : index
    %get3A_1507 = memref.load %arg2[%get3A_1505, %get3A_1506] : memref<6x50xf32, #tpu.memory_space<smem>>
    %mul3A_1508 = vector.broadcast %get3A_1507 : f32 to vector<256x128xf32>
    %mul3A_1509 = arith.mulf %concatenate3A_25, %mul3A_1508 : vector<256x128xf32>
    %add3A_1510 = arith.addf %add3A_1504, %mul3A_1509 : vector<256x128xf32>
    %get3A_1511 = arith.constant 29 : index
    %get3A_1512 = memref.load %arg3[%get3A_1511] : memref<50xf32, #tpu.memory_space<smem>>
    %add3A_1513 = vector.broadcast %get3A_1512 : f32 to vector<256x128xf32>
    %add3A_1514 = arith.addf %add3A_1510, %add3A_1513 : vector<256x128xf32>
    %max3A_1515 = arith.constant 0.000000e+00 : f32
    %max3A_1516 = vector.broadcast %max3A_1515 : f32 to vector<256x128xf32>
    %max3A_1517 = arith.maximumf %add3A_1514, %max3A_1516 : vector<256x128xf32>
    %get3A_1518 = arith.constant 29 : index
    %get3A_1519 = arith.constant 0 : index
    %get3A_1520 = arith.constant 0 : index
    %get3A_1521 = vector.load %arg6[%get3A_1518, %get3A_1519, %get3A_1520] : memref<50x128x128xf32, #tpu.memory_space<vmem>>, vector<1x128x128xf32>
    %get3A_1522 = vector.shape_cast %get3A_1521 : vector<1x128x128xf32> to vector<128x128xf32>
    %dot_general3A_1523 = arith.constant dense<0.000000e+00> : vector<256x128xf32>
    %dot_general3A_1524 = tpu.matmul %max3A_1517, %get3A_1522, %dot_general3A_1523 {dimension_numbers = #tpu.dot_dimension_numbers<[1], [0], [0], [1], [0, 0, 1, 1], [], []>, transpose_lhs_hint = false} : vector<256x128xf32>, vector<128x128xf32>, vector<256x128xf32> -> vector<256x128xf32>
    %add3A_1525 = arith.addf %add3A_1475, %dot_general3A_1524 : vector<256x128xf32>
    %get3A_1526 = arith.constant 0 : index
    %get3A_1527 = arith.constant 30 : index
    %get3A_1528 = memref.load %arg2[%get3A_1526, %get3A_1527] : memref<6x50xf32, #tpu.memory_space<smem>>
    %mul3A_1529 = vector.broadcast %get3A_1528 : f32 to vector<256x128xf32>
    %mul3A_1530 = arith.mulf %concatenate3A, %mul3A_1529 : vector<256x128xf32>
    %get3A_1531 = arith.constant 1 : index
    %get3A_1532 = arith.constant 30 : index
    %get3A_1533 = memref.load %arg2[%get3A_1531, %get3A_1532] : memref<6x50xf32, #tpu.memory_space<smem>>
    %mul3A_1534 = vector.broadcast %get3A_1533 : f32 to vector<256x128xf32>
    %mul3A_1535 = arith.mulf %add3A_7, %mul3A_1534 : vector<256x128xf32>
    %add3A_1536 = arith.addf %mul3A_1530, %mul3A_1535 : vector<256x128xf32>
    %get3A_1537 = arith.constant 2 : index
    %get3A_1538 = arith.constant 30 : index
    %get3A_1539 = memref.load %arg2[%get3A_1537, %get3A_1538] : memref<6x50xf32, #tpu.memory_space<smem>>
    %mul3A_1540 = vector.broadcast %get3A_1539 : f32 to vector<256x128xf32>
    %mul3A_1541 = arith.mulf %concatenate3A_21, %mul3A_1540 : vector<256x128xf32>
    %add3A_1542 = arith.addf %add3A_1536, %mul3A_1541 : vector<256x128xf32>
    %get3A_1543 = arith.constant 3 : index
    %get3A_1544 = arith.constant 30 : index
    %get3A_1545 = memref.load %arg2[%get3A_1543, %get3A_1544] : memref<6x50xf32, #tpu.memory_space<smem>>
    %mul3A_1546 = vector.broadcast %get3A_1545 : f32 to vector<256x128xf32>
    %mul3A_1547 = arith.mulf %concatenate3A_23, %mul3A_1546 : vector<256x128xf32>
    %add3A_1548 = arith.addf %add3A_1542, %mul3A_1547 : vector<256x128xf32>
    %get3A_1549 = arith.constant 4 : index
    %get3A_1550 = arith.constant 30 : index
    %get3A_1551 = memref.load %arg2[%get3A_1549, %get3A_1550] : memref<6x50xf32, #tpu.memory_space<smem>>
    %mul3A_1552 = vector.broadcast %get3A_1551 : f32 to vector<256x128xf32>
    %mul3A_1553 = arith.mulf %add3A_18, %mul3A_1552 : vector<256x128xf32>
    %add3A_1554 = arith.addf %add3A_1548, %mul3A_1553 : vector<256x128xf32>
    %get3A_1555 = arith.constant 5 : index
    %get3A_1556 = arith.constant 30 : index
    %get3A_1557 = memref.load %arg2[%get3A_1555, %get3A_1556] : memref<6x50xf32, #tpu.memory_space<smem>>
    %mul3A_1558 = vector.broadcast %get3A_1557 : f32 to vector<256x128xf32>
    %mul3A_1559 = arith.mulf %concatenate3A_25, %mul3A_1558 : vector<256x128xf32>
    %add3A_1560 = arith.addf %add3A_1554, %mul3A_1559 : vector<256x128xf32>
    %get3A_1561 = arith.constant 30 : index
    %get3A_1562 = memref.load %arg3[%get3A_1561] : memref<50xf32, #tpu.memory_space<smem>>
    %add3A_1563 = vector.broadcast %get3A_1562 : f32 to vector<256x128xf32>
    %add3A_1564 = arith.addf %add3A_1560, %add3A_1563 : vector<256x128xf32>
    %max3A_1565 = arith.constant 0.000000e+00 : f32
    %max3A_1566 = vector.broadcast %max3A_1565 : f32 to vector<256x128xf32>
    %max3A_1567 = arith.maximumf %add3A_1564, %max3A_1566 : vector<256x128xf32>
    %get3A_1568 = arith.constant 30 : index
    %get3A_1569 = arith.constant 0 : index
    %get3A_1570 = arith.constant 0 : index
    %get3A_1571 = vector.load %arg6[%get3A_1568, %get3A_1569, %get3A_1570] : memref<50x128x128xf32, #tpu.memory_space<vmem>>, vector<1x128x128xf32>
    %get3A_1572 = vector.shape_cast %get3A_1571 : vector<1x128x128xf32> to vector<128x128xf32>
    %dot_general3A_1573 = arith.constant dense<0.000000e+00> : vector<256x128xf32>
    %dot_general3A_1574 = tpu.matmul %max3A_1567, %get3A_1572, %dot_general3A_1573 {dimension_numbers = #tpu.dot_dimension_numbers<[1], [0], [0], [1], [0, 0, 1, 1], [], []>, transpose_lhs_hint = false} : vector<256x128xf32>, vector<128x128xf32>, vector<256x128xf32> -> vector<256x128xf32>
    %add3A_1575 = arith.addf %add3A_1525, %dot_general3A_1574 : vector<256x128xf32>
    %get3A_1576 = arith.constant 0 : index
    %get3A_1577 = arith.constant 31 : index
    %get3A_1578 = memref.load %arg2[%get3A_1576, %get3A_1577] : memref<6x50xf32, #tpu.memory_space<smem>>
    %mul3A_1579 = vector.broadcast %get3A_1578 : f32 to vector<256x128xf32>
    %mul3A_1580 = arith.mulf %concatenate3A, %mul3A_1579 : vector<256x128xf32>
    %get3A_1581 = arith.constant 1 : index
    %get3A_1582 = arith.constant 31 : index
    %get3A_1583 = memref.load %arg2[%get3A_1581, %get3A_1582] : memref<6x50xf32, #tpu.memory_space<smem>>
    %mul3A_1584 = vector.broadcast %get3A_1583 : f32 to vector<256x128xf32>
    %mul3A_1585 = arith.mulf %add3A_7, %mul3A_1584 : vector<256x128xf32>
    %add3A_1586 = arith.addf %mul3A_1580, %mul3A_1585 : vector<256x128xf32>
    %get3A_1587 = arith.constant 2 : index
    %get3A_1588 = arith.constant 31 : index
    %get3A_1589 = memref.load %arg2[%get3A_1587, %get3A_1588] : memref<6x50xf32, #tpu.memory_space<smem>>
    %mul3A_1590 = vector.broadcast %get3A_1589 : f32 to vector<256x128xf32>
    %mul3A_1591 = arith.mulf %concatenate3A_21, %mul3A_1590 : vector<256x128xf32>
    %add3A_1592 = arith.addf %add3A_1586, %mul3A_1591 : vector<256x128xf32>
    %get3A_1593 = arith.constant 3 : index
    %get3A_1594 = arith.constant 31 : index
    %get3A_1595 = memref.load %arg2[%get3A_1593, %get3A_1594] : memref<6x50xf32, #tpu.memory_space<smem>>
    %mul3A_1596 = vector.broadcast %get3A_1595 : f32 to vector<256x128xf32>
    %mul3A_1597 = arith.mulf %concatenate3A_23, %mul3A_1596 : vector<256x128xf32>
    %add3A_1598 = arith.addf %add3A_1592, %mul3A_1597 : vector<256x128xf32>
    %get3A_1599 = arith.constant 4 : index
    %get3A_1600 = arith.constant 31 : index
    %get3A_1601 = memref.load %arg2[%get3A_1599, %get3A_1600] : memref<6x50xf32, #tpu.memory_space<smem>>
    %mul3A_1602 = vector.broadcast %get3A_1601 : f32 to vector<256x128xf32>
    %mul3A_1603 = arith.mulf %add3A_18, %mul3A_1602 : vector<256x128xf32>
    %add3A_1604 = arith.addf %add3A_1598, %mul3A_1603 : vector<256x128xf32>
    %get3A_1605 = arith.constant 5 : index
    %get3A_1606 = arith.constant 31 : index
    %get3A_1607 = memref.load %arg2[%get3A_1605, %get3A_1606] : memref<6x50xf32, #tpu.memory_space<smem>>
    %mul3A_1608 = vector.broadcast %get3A_1607 : f32 to vector<256x128xf32>
    %mul3A_1609 = arith.mulf %concatenate3A_25, %mul3A_1608 : vector<256x128xf32>
    %add3A_1610 = arith.addf %add3A_1604, %mul3A_1609 : vector<256x128xf32>
    %get3A_1611 = arith.constant 31 : index
    %get3A_1612 = memref.load %arg3[%get3A_1611] : memref<50xf32, #tpu.memory_space<smem>>
    %add3A_1613 = vector.broadcast %get3A_1612 : f32 to vector<256x128xf32>
    %add3A_1614 = arith.addf %add3A_1610, %add3A_1613 : vector<256x128xf32>
    %max3A_1615 = arith.constant 0.000000e+00 : f32
    %max3A_1616 = vector.broadcast %max3A_1615 : f32 to vector<256x128xf32>
    %max3A_1617 = arith.maximumf %add3A_1614, %max3A_1616 : vector<256x128xf32>
    %get3A_1618 = arith.constant 31 : index
    %get3A_1619 = arith.constant 0 : index
    %get3A_1620 = arith.constant 0 : index
    %get3A_1621 = vector.load %arg6[%get3A_1618, %get3A_1619, %get3A_1620] : memref<50x128x128xf32, #tpu.memory_space<vmem>>, vector<1x128x128xf32>
    %get3A_1622 = vector.shape_cast %get3A_1621 : vector<1x128x128xf32> to vector<128x128xf32>
    %dot_general3A_1623 = arith.constant dense<0.000000e+00> : vector<256x128xf32>
    %dot_general3A_1624 = tpu.matmul %max3A_1617, %get3A_1622, %dot_general3A_1623 {dimension_numbers = #tpu.dot_dimension_numbers<[1], [0], [0], [1], [0, 0, 1, 1], [], []>, transpose_lhs_hint = false} : vector<256x128xf32>, vector<128x128xf32>, vector<256x128xf32> -> vector<256x128xf32>
    %add3A_1625 = arith.addf %add3A_1575, %dot_general3A_1624 : vector<256x128xf32>
    %get3A_1626 = arith.constant 0 : index
    %get3A_1627 = arith.constant 32 : index
    %get3A_1628 = memref.load %arg2[%get3A_1626, %get3A_1627] : memref<6x50xf32, #tpu.memory_space<smem>>
    %mul3A_1629 = vector.broadcast %get3A_1628 : f32 to vector<256x128xf32>
    %mul3A_1630 = arith.mulf %concatenate3A, %mul3A_1629 : vector<256x128xf32>
    %get3A_1631 = arith.constant 1 : index
    %get3A_1632 = arith.constant 32 : index
    %get3A_1633 = memref.load %arg2[%get3A_1631, %get3A_1632] : memref<6x50xf32, #tpu.memory_space<smem>>
    %mul3A_1634 = vector.broadcast %get3A_1633 : f32 to vector<256x128xf32>
    %mul3A_1635 = arith.mulf %add3A_7, %mul3A_1634 : vector<256x128xf32>
    %add3A_1636 = arith.addf %mul3A_1630, %mul3A_1635 : vector<256x128xf32>
    %get3A_1637 = arith.constant 2 : index
    %get3A_1638 = arith.constant 32 : index
    %get3A_1639 = memref.load %arg2[%get3A_1637, %get3A_1638] : memref<6x50xf32, #tpu.memory_space<smem>>
    %mul3A_1640 = vector.broadcast %get3A_1639 : f32 to vector<256x128xf32>
    %mul3A_1641 = arith.mulf %concatenate3A_21, %mul3A_1640 : vector<256x128xf32>
    %add3A_1642 = arith.addf %add3A_1636, %mul3A_1641 : vector<256x128xf32>
    %get3A_1643 = arith.constant 3 : index
    %get3A_1644 = arith.constant 32 : index
    %get3A_1645 = memref.load %arg2[%get3A_1643, %get3A_1644] : memref<6x50xf32, #tpu.memory_space<smem>>
    %mul3A_1646 = vector.broadcast %get3A_1645 : f32 to vector<256x128xf32>
    %mul3A_1647 = arith.mulf %concatenate3A_23, %mul3A_1646 : vector<256x128xf32>
    %add3A_1648 = arith.addf %add3A_1642, %mul3A_1647 : vector<256x128xf32>
    %get3A_1649 = arith.constant 4 : index
    %get3A_1650 = arith.constant 32 : index
    %get3A_1651 = memref.load %arg2[%get3A_1649, %get3A_1650] : memref<6x50xf32, #tpu.memory_space<smem>>
    %mul3A_1652 = vector.broadcast %get3A_1651 : f32 to vector<256x128xf32>
    %mul3A_1653 = arith.mulf %add3A_18, %mul3A_1652 : vector<256x128xf32>
    %add3A_1654 = arith.addf %add3A_1648, %mul3A_1653 : vector<256x128xf32>
    %get3A_1655 = arith.constant 5 : index
    %get3A_1656 = arith.constant 32 : index
    %get3A_1657 = memref.load %arg2[%get3A_1655, %get3A_1656] : memref<6x50xf32, #tpu.memory_space<smem>>
    %mul3A_1658 = vector.broadcast %get3A_1657 : f32 to vector<256x128xf32>
    %mul3A_1659 = arith.mulf %concatenate3A_25, %mul3A_1658 : vector<256x128xf32>
    %add3A_1660 = arith.addf %add3A_1654, %mul3A_1659 : vector<256x128xf32>
    %get3A_1661 = arith.constant 32 : index
    %get3A_1662 = memref.load %arg3[%get3A_1661] : memref<50xf32, #tpu.memory_space<smem>>
    %add3A_1663 = vector.broadcast %get3A_1662 : f32 to vector<256x128xf32>
    %add3A_1664 = arith.addf %add3A_1660, %add3A_1663 : vector<256x128xf32>
    %max3A_1665 = arith.constant 0.000000e+00 : f32
    %max3A_1666 = vector.broadcast %max3A_1665 : f32 to vector<256x128xf32>
    %max3A_1667 = arith.maximumf %add3A_1664, %max3A_1666 : vector<256x128xf32>
    %get3A_1668 = arith.constant 32 : index
    %get3A_1669 = arith.constant 0 : index
    %get3A_1670 = arith.constant 0 : index
    %get3A_1671 = vector.load %arg6[%get3A_1668, %get3A_1669, %get3A_1670] : memref<50x128x128xf32, #tpu.memory_space<vmem>>, vector<1x128x128xf32>
    %get3A_1672 = vector.shape_cast %get3A_1671 : vector<1x128x128xf32> to vector<128x128xf32>
    %dot_general3A_1673 = arith.constant dense<0.000000e+00> : vector<256x128xf32>
    %dot_general3A_1674 = tpu.matmul %max3A_1667, %get3A_1672, %dot_general3A_1673 {dimension_numbers = #tpu.dot_dimension_numbers<[1], [0], [0], [1], [0, 0, 1, 1], [], []>, transpose_lhs_hint = false} : vector<256x128xf32>, vector<128x128xf32>, vector<256x128xf32> -> vector<256x128xf32>
    %add3A_1675 = arith.addf %add3A_1625, %dot_general3A_1674 : vector<256x128xf32>
    %get3A_1676 = arith.constant 0 : index
    %get3A_1677 = arith.constant 33 : index
    %get3A_1678 = memref.load %arg2[%get3A_1676, %get3A_1677] : memref<6x50xf32, #tpu.memory_space<smem>>
    %mul3A_1679 = vector.broadcast %get3A_1678 : f32 to vector<256x128xf32>
    %mul3A_1680 = arith.mulf %concatenate3A, %mul3A_1679 : vector<256x128xf32>
    %get3A_1681 = arith.constant 1 : index
    %get3A_1682 = arith.constant 33 : index
    %get3A_1683 = memref.load %arg2[%get3A_1681, %get3A_1682] : memref<6x50xf32, #tpu.memory_space<smem>>
    %mul3A_1684 = vector.broadcast %get3A_1683 : f32 to vector<256x128xf32>
    %mul3A_1685 = arith.mulf %add3A_7, %mul3A_1684 : vector<256x128xf32>
    %add3A_1686 = arith.addf %mul3A_1680, %mul3A_1685 : vector<256x128xf32>
    %get3A_1687 = arith.constant 2 : index
    %get3A_1688 = arith.constant 33 : index
    %get3A_1689 = memref.load %arg2[%get3A_1687, %get3A_1688] : memref<6x50xf32, #tpu.memory_space<smem>>
    %mul3A_1690 = vector.broadcast %get3A_1689 : f32 to vector<256x128xf32>
    %mul3A_1691 = arith.mulf %concatenate3A_21, %mul3A_1690 : vector<256x128xf32>
    %add3A_1692 = arith.addf %add3A_1686, %mul3A_1691 : vector<256x128xf32>
    %get3A_1693 = arith.constant 3 : index
    %get3A_1694 = arith.constant 33 : index
    %get3A_1695 = memref.load %arg2[%get3A_1693, %get3A_1694] : memref<6x50xf32, #tpu.memory_space<smem>>
    %mul3A_1696 = vector.broadcast %get3A_1695 : f32 to vector<256x128xf32>
    %mul3A_1697 = arith.mulf %concatenate3A_23, %mul3A_1696 : vector<256x128xf32>
    %add3A_1698 = arith.addf %add3A_1692, %mul3A_1697 : vector<256x128xf32>
    %get3A_1699 = arith.constant 4 : index
    %get3A_1700 = arith.constant 33 : index
    %get3A_1701 = memref.load %arg2[%get3A_1699, %get3A_1700] : memref<6x50xf32, #tpu.memory_space<smem>>
    %mul3A_1702 = vector.broadcast %get3A_1701 : f32 to vector<256x128xf32>
    %mul3A_1703 = arith.mulf %add3A_18, %mul3A_1702 : vector<256x128xf32>
    %add3A_1704 = arith.addf %add3A_1698, %mul3A_1703 : vector<256x128xf32>
    %get3A_1705 = arith.constant 5 : index
    %get3A_1706 = arith.constant 33 : index
    %get3A_1707 = memref.load %arg2[%get3A_1705, %get3A_1706] : memref<6x50xf32, #tpu.memory_space<smem>>
    %mul3A_1708 = vector.broadcast %get3A_1707 : f32 to vector<256x128xf32>
    %mul3A_1709 = arith.mulf %concatenate3A_25, %mul3A_1708 : vector<256x128xf32>
    %add3A_1710 = arith.addf %add3A_1704, %mul3A_1709 : vector<256x128xf32>
    %get3A_1711 = arith.constant 33 : index
    %get3A_1712 = memref.load %arg3[%get3A_1711] : memref<50xf32, #tpu.memory_space<smem>>
    %add3A_1713 = vector.broadcast %get3A_1712 : f32 to vector<256x128xf32>
    %add3A_1714 = arith.addf %add3A_1710, %add3A_1713 : vector<256x128xf32>
    %max3A_1715 = arith.constant 0.000000e+00 : f32
    %max3A_1716 = vector.broadcast %max3A_1715 : f32 to vector<256x128xf32>
    %max3A_1717 = arith.maximumf %add3A_1714, %max3A_1716 : vector<256x128xf32>
    %get3A_1718 = arith.constant 33 : index
    %get3A_1719 = arith.constant 0 : index
    %get3A_1720 = arith.constant 0 : index
    %get3A_1721 = vector.load %arg6[%get3A_1718, %get3A_1719, %get3A_1720] : memref<50x128x128xf32, #tpu.memory_space<vmem>>, vector<1x128x128xf32>
    %get3A_1722 = vector.shape_cast %get3A_1721 : vector<1x128x128xf32> to vector<128x128xf32>
    %dot_general3A_1723 = arith.constant dense<0.000000e+00> : vector<256x128xf32>
    %dot_general3A_1724 = tpu.matmul %max3A_1717, %get3A_1722, %dot_general3A_1723 {dimension_numbers = #tpu.dot_dimension_numbers<[1], [0], [0], [1], [0, 0, 1, 1], [], []>, transpose_lhs_hint = false} : vector<256x128xf32>, vector<128x128xf32>, vector<256x128xf32> -> vector<256x128xf32>
    %add3A_1725 = arith.addf %add3A_1675, %dot_general3A_1724 : vector<256x128xf32>
    %get3A_1726 = arith.constant 0 : index
    %get3A_1727 = arith.constant 34 : index
    %get3A_1728 = memref.load %arg2[%get3A_1726, %get3A_1727] : memref<6x50xf32, #tpu.memory_space<smem>>
    %mul3A_1729 = vector.broadcast %get3A_1728 : f32 to vector<256x128xf32>
    %mul3A_1730 = arith.mulf %concatenate3A, %mul3A_1729 : vector<256x128xf32>
    %get3A_1731 = arith.constant 1 : index
    %get3A_1732 = arith.constant 34 : index
    %get3A_1733 = memref.load %arg2[%get3A_1731, %get3A_1732] : memref<6x50xf32, #tpu.memory_space<smem>>
    %mul3A_1734 = vector.broadcast %get3A_1733 : f32 to vector<256x128xf32>
    %mul3A_1735 = arith.mulf %add3A_7, %mul3A_1734 : vector<256x128xf32>
    %add3A_1736 = arith.addf %mul3A_1730, %mul3A_1735 : vector<256x128xf32>
    %get3A_1737 = arith.constant 2 : index
    %get3A_1738 = arith.constant 34 : index
    %get3A_1739 = memref.load %arg2[%get3A_1737, %get3A_1738] : memref<6x50xf32, #tpu.memory_space<smem>>
    %mul3A_1740 = vector.broadcast %get3A_1739 : f32 to vector<256x128xf32>
    %mul3A_1741 = arith.mulf %concatenate3A_21, %mul3A_1740 : vector<256x128xf32>
    %add3A_1742 = arith.addf %add3A_1736, %mul3A_1741 : vector<256x128xf32>
    %get3A_1743 = arith.constant 3 : index
    %get3A_1744 = arith.constant 34 : index
    %get3A_1745 = memref.load %arg2[%get3A_1743, %get3A_1744] : memref<6x50xf32, #tpu.memory_space<smem>>
    %mul3A_1746 = vector.broadcast %get3A_1745 : f32 to vector<256x128xf32>
    %mul3A_1747 = arith.mulf %concatenate3A_23, %mul3A_1746 : vector<256x128xf32>
    %add3A_1748 = arith.addf %add3A_1742, %mul3A_1747 : vector<256x128xf32>
    %get3A_1749 = arith.constant 4 : index
    %get3A_1750 = arith.constant 34 : index
    %get3A_1751 = memref.load %arg2[%get3A_1749, %get3A_1750] : memref<6x50xf32, #tpu.memory_space<smem>>
    %mul3A_1752 = vector.broadcast %get3A_1751 : f32 to vector<256x128xf32>
    %mul3A_1753 = arith.mulf %add3A_18, %mul3A_1752 : vector<256x128xf32>
    %add3A_1754 = arith.addf %add3A_1748, %mul3A_1753 : vector<256x128xf32>
    %get3A_1755 = arith.constant 5 : index
    %get3A_1756 = arith.constant 34 : index
    %get3A_1757 = memref.load %arg2[%get3A_1755, %get3A_1756] : memref<6x50xf32, #tpu.memory_space<smem>>
    %mul3A_1758 = vector.broadcast %get3A_1757 : f32 to vector<256x128xf32>
    %mul3A_1759 = arith.mulf %concatenate3A_25, %mul3A_1758 : vector<256x128xf32>
    %add3A_1760 = arith.addf %add3A_1754, %mul3A_1759 : vector<256x128xf32>
    %get3A_1761 = arith.constant 34 : index
    %get3A_1762 = memref.load %arg3[%get3A_1761] : memref<50xf32, #tpu.memory_space<smem>>
    %add3A_1763 = vector.broadcast %get3A_1762 : f32 to vector<256x128xf32>
    %add3A_1764 = arith.addf %add3A_1760, %add3A_1763 : vector<256x128xf32>
    %max3A_1765 = arith.constant 0.000000e+00 : f32
    %max3A_1766 = vector.broadcast %max3A_1765 : f32 to vector<256x128xf32>
    %max3A_1767 = arith.maximumf %add3A_1764, %max3A_1766 : vector<256x128xf32>
    %get3A_1768 = arith.constant 34 : index
    %get3A_1769 = arith.constant 0 : index
    %get3A_1770 = arith.constant 0 : index
    %get3A_1771 = vector.load %arg6[%get3A_1768, %get3A_1769, %get3A_1770] : memref<50x128x128xf32, #tpu.memory_space<vmem>>, vector<1x128x128xf32>
    %get3A_1772 = vector.shape_cast %get3A_1771 : vector<1x128x128xf32> to vector<128x128xf32>
    %dot_general3A_1773 = arith.constant dense<0.000000e+00> : vector<256x128xf32>
    %dot_general3A_1774 = tpu.matmul %max3A_1767, %get3A_1772, %dot_general3A_1773 {dimension_numbers = #tpu.dot_dimension_numbers<[1], [0], [0], [1], [0, 0, 1, 1], [], []>, transpose_lhs_hint = false} : vector<256x128xf32>, vector<128x128xf32>, vector<256x128xf32> -> vector<256x128xf32>
    %add3A_1775 = arith.addf %add3A_1725, %dot_general3A_1774 : vector<256x128xf32>
    %get3A_1776 = arith.constant 0 : index
    %get3A_1777 = arith.constant 35 : index
    %get3A_1778 = memref.load %arg2[%get3A_1776, %get3A_1777] : memref<6x50xf32, #tpu.memory_space<smem>>
    %mul3A_1779 = vector.broadcast %get3A_1778 : f32 to vector<256x128xf32>
    %mul3A_1780 = arith.mulf %concatenate3A, %mul3A_1779 : vector<256x128xf32>
    %get3A_1781 = arith.constant 1 : index
    %get3A_1782 = arith.constant 35 : index
    %get3A_1783 = memref.load %arg2[%get3A_1781, %get3A_1782] : memref<6x50xf32, #tpu.memory_space<smem>>
    %mul3A_1784 = vector.broadcast %get3A_1783 : f32 to vector<256x128xf32>
    %mul3A_1785 = arith.mulf %add3A_7, %mul3A_1784 : vector<256x128xf32>
    %add3A_1786 = arith.addf %mul3A_1780, %mul3A_1785 : vector<256x128xf32>
    %get3A_1787 = arith.constant 2 : index
    %get3A_1788 = arith.constant 35 : index
    %get3A_1789 = memref.load %arg2[%get3A_1787, %get3A_1788] : memref<6x50xf32, #tpu.memory_space<smem>>
    %mul3A_1790 = vector.broadcast %get3A_1789 : f32 to vector<256x128xf32>
    %mul3A_1791 = arith.mulf %concatenate3A_21, %mul3A_1790 : vector<256x128xf32>
    %add3A_1792 = arith.addf %add3A_1786, %mul3A_1791 : vector<256x128xf32>
    %get3A_1793 = arith.constant 3 : index
    %get3A_1794 = arith.constant 35 : index
    %get3A_1795 = memref.load %arg2[%get3A_1793, %get3A_1794] : memref<6x50xf32, #tpu.memory_space<smem>>
    %mul3A_1796 = vector.broadcast %get3A_1795 : f32 to vector<256x128xf32>
    %mul3A_1797 = arith.mulf %concatenate3A_23, %mul3A_1796 : vector<256x128xf32>
    %add3A_1798 = arith.addf %add3A_1792, %mul3A_1797 : vector<256x128xf32>
    %get3A_1799 = arith.constant 4 : index
    %get3A_1800 = arith.constant 35 : index
    %get3A_1801 = memref.load %arg2[%get3A_1799, %get3A_1800] : memref<6x50xf32, #tpu.memory_space<smem>>
    %mul3A_1802 = vector.broadcast %get3A_1801 : f32 to vector<256x128xf32>
    %mul3A_1803 = arith.mulf %add3A_18, %mul3A_1802 : vector<256x128xf32>
    %add3A_1804 = arith.addf %add3A_1798, %mul3A_1803 : vector<256x128xf32>
    %get3A_1805 = arith.constant 5 : index
    %get3A_1806 = arith.constant 35 : index
    %get3A_1807 = memref.load %arg2[%get3A_1805, %get3A_1806] : memref<6x50xf32, #tpu.memory_space<smem>>
    %mul3A_1808 = vector.broadcast %get3A_1807 : f32 to vector<256x128xf32>
    %mul3A_1809 = arith.mulf %concatenate3A_25, %mul3A_1808 : vector<256x128xf32>
    %add3A_1810 = arith.addf %add3A_1804, %mul3A_1809 : vector<256x128xf32>
    %get3A_1811 = arith.constant 35 : index
    %get3A_1812 = memref.load %arg3[%get3A_1811] : memref<50xf32, #tpu.memory_space<smem>>
    %add3A_1813 = vector.broadcast %get3A_1812 : f32 to vector<256x128xf32>
    %add3A_1814 = arith.addf %add3A_1810, %add3A_1813 : vector<256x128xf32>
    %max3A_1815 = arith.constant 0.000000e+00 : f32
    %max3A_1816 = vector.broadcast %max3A_1815 : f32 to vector<256x128xf32>
    %max3A_1817 = arith.maximumf %add3A_1814, %max3A_1816 : vector<256x128xf32>
    %get3A_1818 = arith.constant 35 : index
    %get3A_1819 = arith.constant 0 : index
    %get3A_1820 = arith.constant 0 : index
    %get3A_1821 = vector.load %arg6[%get3A_1818, %get3A_1819, %get3A_1820] : memref<50x128x128xf32, #tpu.memory_space<vmem>>, vector<1x128x128xf32>
    %get3A_1822 = vector.shape_cast %get3A_1821 : vector<1x128x128xf32> to vector<128x128xf32>
    %dot_general3A_1823 = arith.constant dense<0.000000e+00> : vector<256x128xf32>
    %dot_general3A_1824 = tpu.matmul %max3A_1817, %get3A_1822, %dot_general3A_1823 {dimension_numbers = #tpu.dot_dimension_numbers<[1], [0], [0], [1], [0, 0, 1, 1], [], []>, transpose_lhs_hint = false} : vector<256x128xf32>, vector<128x128xf32>, vector<256x128xf32> -> vector<256x128xf32>
    %add3A_1825 = arith.addf %add3A_1775, %dot_general3A_1824 : vector<256x128xf32>
    %get3A_1826 = arith.constant 0 : index
    %get3A_1827 = arith.constant 36 : index
    %get3A_1828 = memref.load %arg2[%get3A_1826, %get3A_1827] : memref<6x50xf32, #tpu.memory_space<smem>>
    %mul3A_1829 = vector.broadcast %get3A_1828 : f32 to vector<256x128xf32>
    %mul3A_1830 = arith.mulf %concatenate3A, %mul3A_1829 : vector<256x128xf32>
    %get3A_1831 = arith.constant 1 : index
    %get3A_1832 = arith.constant 36 : index
    %get3A_1833 = memref.load %arg2[%get3A_1831, %get3A_1832] : memref<6x50xf32, #tpu.memory_space<smem>>
    %mul3A_1834 = vector.broadcast %get3A_1833 : f32 to vector<256x128xf32>
    %mul3A_1835 = arith.mulf %add3A_7, %mul3A_1834 : vector<256x128xf32>
    %add3A_1836 = arith.addf %mul3A_1830, %mul3A_1835 : vector<256x128xf32>
    %get3A_1837 = arith.constant 2 : index
    %get3A_1838 = arith.constant 36 : index
    %get3A_1839 = memref.load %arg2[%get3A_1837, %get3A_1838] : memref<6x50xf32, #tpu.memory_space<smem>>
    %mul3A_1840 = vector.broadcast %get3A_1839 : f32 to vector<256x128xf32>
    %mul3A_1841 = arith.mulf %concatenate3A_21, %mul3A_1840 : vector<256x128xf32>
    %add3A_1842 = arith.addf %add3A_1836, %mul3A_1841 : vector<256x128xf32>
    %get3A_1843 = arith.constant 3 : index
    %get3A_1844 = arith.constant 36 : index
    %get3A_1845 = memref.load %arg2[%get3A_1843, %get3A_1844] : memref<6x50xf32, #tpu.memory_space<smem>>
    %mul3A_1846 = vector.broadcast %get3A_1845 : f32 to vector<256x128xf32>
    %mul3A_1847 = arith.mulf %concatenate3A_23, %mul3A_1846 : vector<256x128xf32>
    %add3A_1848 = arith.addf %add3A_1842, %mul3A_1847 : vector<256x128xf32>
    %get3A_1849 = arith.constant 4 : index
    %get3A_1850 = arith.constant 36 : index
    %get3A_1851 = memref.load %arg2[%get3A_1849, %get3A_1850] : memref<6x50xf32, #tpu.memory_space<smem>>
    %mul3A_1852 = vector.broadcast %get3A_1851 : f32 to vector<256x128xf32>
    %mul3A_1853 = arith.mulf %add3A_18, %mul3A_1852 : vector<256x128xf32>
    %add3A_1854 = arith.addf %add3A_1848, %mul3A_1853 : vector<256x128xf32>
    %get3A_1855 = arith.constant 5 : index
    %get3A_1856 = arith.constant 36 : index
    %get3A_1857 = memref.load %arg2[%get3A_1855, %get3A_1856] : memref<6x50xf32, #tpu.memory_space<smem>>
    %mul3A_1858 = vector.broadcast %get3A_1857 : f32 to vector<256x128xf32>
    %mul3A_1859 = arith.mulf %concatenate3A_25, %mul3A_1858 : vector<256x128xf32>
    %add3A_1860 = arith.addf %add3A_1854, %mul3A_1859 : vector<256x128xf32>
    %get3A_1861 = arith.constant 36 : index
    %get3A_1862 = memref.load %arg3[%get3A_1861] : memref<50xf32, #tpu.memory_space<smem>>
    %add3A_1863 = vector.broadcast %get3A_1862 : f32 to vector<256x128xf32>
    %add3A_1864 = arith.addf %add3A_1860, %add3A_1863 : vector<256x128xf32>
    %max3A_1865 = arith.constant 0.000000e+00 : f32
    %max3A_1866 = vector.broadcast %max3A_1865 : f32 to vector<256x128xf32>
    %max3A_1867 = arith.maximumf %add3A_1864, %max3A_1866 : vector<256x128xf32>
    %get3A_1868 = arith.constant 36 : index
    %get3A_1869 = arith.constant 0 : index
    %get3A_1870 = arith.constant 0 : index
    %get3A_1871 = vector.load %arg6[%get3A_1868, %get3A_1869, %get3A_1870] : memref<50x128x128xf32, #tpu.memory_space<vmem>>, vector<1x128x128xf32>
    %get3A_1872 = vector.shape_cast %get3A_1871 : vector<1x128x128xf32> to vector<128x128xf32>
    %dot_general3A_1873 = arith.constant dense<0.000000e+00> : vector<256x128xf32>
    %dot_general3A_1874 = tpu.matmul %max3A_1867, %get3A_1872, %dot_general3A_1873 {dimension_numbers = #tpu.dot_dimension_numbers<[1], [0], [0], [1], [0, 0, 1, 1], [], []>, transpose_lhs_hint = false} : vector<256x128xf32>, vector<128x128xf32>, vector<256x128xf32> -> vector<256x128xf32>
    %add3A_1875 = arith.addf %add3A_1825, %dot_general3A_1874 : vector<256x128xf32>
    %get3A_1876 = arith.constant 0 : index
    %get3A_1877 = arith.constant 37 : index
    %get3A_1878 = memref.load %arg2[%get3A_1876, %get3A_1877] : memref<6x50xf32, #tpu.memory_space<smem>>
    %mul3A_1879 = vector.broadcast %get3A_1878 : f32 to vector<256x128xf32>
    %mul3A_1880 = arith.mulf %concatenate3A, %mul3A_1879 : vector<256x128xf32>
    %get3A_1881 = arith.constant 1 : index
    %get3A_1882 = arith.constant 37 : index
    %get3A_1883 = memref.load %arg2[%get3A_1881, %get3A_1882] : memref<6x50xf32, #tpu.memory_space<smem>>
    %mul3A_1884 = vector.broadcast %get3A_1883 : f32 to vector<256x128xf32>
    %mul3A_1885 = arith.mulf %add3A_7, %mul3A_1884 : vector<256x128xf32>
    %add3A_1886 = arith.addf %mul3A_1880, %mul3A_1885 : vector<256x128xf32>
    %get3A_1887 = arith.constant 2 : index
    %get3A_1888 = arith.constant 37 : index
    %get3A_1889 = memref.load %arg2[%get3A_1887, %get3A_1888] : memref<6x50xf32, #tpu.memory_space<smem>>
    %mul3A_1890 = vector.broadcast %get3A_1889 : f32 to vector<256x128xf32>
    %mul3A_1891 = arith.mulf %concatenate3A_21, %mul3A_1890 : vector<256x128xf32>
    %add3A_1892 = arith.addf %add3A_1886, %mul3A_1891 : vector<256x128xf32>
    %get3A_1893 = arith.constant 3 : index
    %get3A_1894 = arith.constant 37 : index
    %get3A_1895 = memref.load %arg2[%get3A_1893, %get3A_1894] : memref<6x50xf32, #tpu.memory_space<smem>>
    %mul3A_1896 = vector.broadcast %get3A_1895 : f32 to vector<256x128xf32>
    %mul3A_1897 = arith.mulf %concatenate3A_23, %mul3A_1896 : vector<256x128xf32>
    %add3A_1898 = arith.addf %add3A_1892, %mul3A_1897 : vector<256x128xf32>
    %get3A_1899 = arith.constant 4 : index
    %get3A_1900 = arith.constant 37 : index
    %get3A_1901 = memref.load %arg2[%get3A_1899, %get3A_1900] : memref<6x50xf32, #tpu.memory_space<smem>>
    %mul3A_1902 = vector.broadcast %get3A_1901 : f32 to vector<256x128xf32>
    %mul3A_1903 = arith.mulf %add3A_18, %mul3A_1902 : vector<256x128xf32>
    %add3A_1904 = arith.addf %add3A_1898, %mul3A_1903 : vector<256x128xf32>
    %get3A_1905 = arith.constant 5 : index
    %get3A_1906 = arith.constant 37 : index
    %get3A_1907 = memref.load %arg2[%get3A_1905, %get3A_1906] : memref<6x50xf32, #tpu.memory_space<smem>>
    %mul3A_1908 = vector.broadcast %get3A_1907 : f32 to vector<256x128xf32>
    %mul3A_1909 = arith.mulf %concatenate3A_25, %mul3A_1908 : vector<256x128xf32>
    %add3A_1910 = arith.addf %add3A_1904, %mul3A_1909 : vector<256x128xf32>
    %get3A_1911 = arith.constant 37 : index
    %get3A_1912 = memref.load %arg3[%get3A_1911] : memref<50xf32, #tpu.memory_space<smem>>
    %add3A_1913 = vector.broadcast %get3A_1912 : f32 to vector<256x128xf32>
    %add3A_1914 = arith.addf %add3A_1910, %add3A_1913 : vector<256x128xf32>
    %max3A_1915 = arith.constant 0.000000e+00 : f32
    %max3A_1916 = vector.broadcast %max3A_1915 : f32 to vector<256x128xf32>
    %max3A_1917 = arith.maximumf %add3A_1914, %max3A_1916 : vector<256x128xf32>
    %get3A_1918 = arith.constant 37 : index
    %get3A_1919 = arith.constant 0 : index
    %get3A_1920 = arith.constant 0 : index
    %get3A_1921 = vector.load %arg6[%get3A_1918, %get3A_1919, %get3A_1920] : memref<50x128x128xf32, #tpu.memory_space<vmem>>, vector<1x128x128xf32>
    %get3A_1922 = vector.shape_cast %get3A_1921 : vector<1x128x128xf32> to vector<128x128xf32>
    %dot_general3A_1923 = arith.constant dense<0.000000e+00> : vector<256x128xf32>
    %dot_general3A_1924 = tpu.matmul %max3A_1917, %get3A_1922, %dot_general3A_1923 {dimension_numbers = #tpu.dot_dimension_numbers<[1], [0], [0], [1], [0, 0, 1, 1], [], []>, transpose_lhs_hint = false} : vector<256x128xf32>, vector<128x128xf32>, vector<256x128xf32> -> vector<256x128xf32>
    %add3A_1925 = arith.addf %add3A_1875, %dot_general3A_1924 : vector<256x128xf32>
    %get3A_1926 = arith.constant 0 : index
    %get3A_1927 = arith.constant 38 : index
    %get3A_1928 = memref.load %arg2[%get3A_1926, %get3A_1927] : memref<6x50xf32, #tpu.memory_space<smem>>
    %mul3A_1929 = vector.broadcast %get3A_1928 : f32 to vector<256x128xf32>
    %mul3A_1930 = arith.mulf %concatenate3A, %mul3A_1929 : vector<256x128xf32>
    %get3A_1931 = arith.constant 1 : index
    %get3A_1932 = arith.constant 38 : index
    %get3A_1933 = memref.load %arg2[%get3A_1931, %get3A_1932] : memref<6x50xf32, #tpu.memory_space<smem>>
    %mul3A_1934 = vector.broadcast %get3A_1933 : f32 to vector<256x128xf32>
    %mul3A_1935 = arith.mulf %add3A_7, %mul3A_1934 : vector<256x128xf32>
    %add3A_1936 = arith.addf %mul3A_1930, %mul3A_1935 : vector<256x128xf32>
    %get3A_1937 = arith.constant 2 : index
    %get3A_1938 = arith.constant 38 : index
    %get3A_1939 = memref.load %arg2[%get3A_1937, %get3A_1938] : memref<6x50xf32, #tpu.memory_space<smem>>
    %mul3A_1940 = vector.broadcast %get3A_1939 : f32 to vector<256x128xf32>
    %mul3A_1941 = arith.mulf %concatenate3A_21, %mul3A_1940 : vector<256x128xf32>
    %add3A_1942 = arith.addf %add3A_1936, %mul3A_1941 : vector<256x128xf32>
    %get3A_1943 = arith.constant 3 : index
    %get3A_1944 = arith.constant 38 : index
    %get3A_1945 = memref.load %arg2[%get3A_1943, %get3A_1944] : memref<6x50xf32, #tpu.memory_space<smem>>
    %mul3A_1946 = vector.broadcast %get3A_1945 : f32 to vector<256x128xf32>
    %mul3A_1947 = arith.mulf %concatenate3A_23, %mul3A_1946 : vector<256x128xf32>
    %add3A_1948 = arith.addf %add3A_1942, %mul3A_1947 : vector<256x128xf32>
    %get3A_1949 = arith.constant 4 : index
    %get3A_1950 = arith.constant 38 : index
    %get3A_1951 = memref.load %arg2[%get3A_1949, %get3A_1950] : memref<6x50xf32, #tpu.memory_space<smem>>
    %mul3A_1952 = vector.broadcast %get3A_1951 : f32 to vector<256x128xf32>
    %mul3A_1953 = arith.mulf %add3A_18, %mul3A_1952 : vector<256x128xf32>
    %add3A_1954 = arith.addf %add3A_1948, %mul3A_1953 : vector<256x128xf32>
    %get3A_1955 = arith.constant 5 : index
    %get3A_1956 = arith.constant 38 : index
    %get3A_1957 = memref.load %arg2[%get3A_1955, %get3A_1956] : memref<6x50xf32, #tpu.memory_space<smem>>
    %mul3A_1958 = vector.broadcast %get3A_1957 : f32 to vector<256x128xf32>
    %mul3A_1959 = arith.mulf %concatenate3A_25, %mul3A_1958 : vector<256x128xf32>
    %add3A_1960 = arith.addf %add3A_1954, %mul3A_1959 : vector<256x128xf32>
    %get3A_1961 = arith.constant 38 : index
    %get3A_1962 = memref.load %arg3[%get3A_1961] : memref<50xf32, #tpu.memory_space<smem>>
    %add3A_1963 = vector.broadcast %get3A_1962 : f32 to vector<256x128xf32>
    %add3A_1964 = arith.addf %add3A_1960, %add3A_1963 : vector<256x128xf32>
    %max3A_1965 = arith.constant 0.000000e+00 : f32
    %max3A_1966 = vector.broadcast %max3A_1965 : f32 to vector<256x128xf32>
    %max3A_1967 = arith.maximumf %add3A_1964, %max3A_1966 : vector<256x128xf32>
    %get3A_1968 = arith.constant 38 : index
    %get3A_1969 = arith.constant 0 : index
    %get3A_1970 = arith.constant 0 : index
    %get3A_1971 = vector.load %arg6[%get3A_1968, %get3A_1969, %get3A_1970] : memref<50x128x128xf32, #tpu.memory_space<vmem>>, vector<1x128x128xf32>
    %get3A_1972 = vector.shape_cast %get3A_1971 : vector<1x128x128xf32> to vector<128x128xf32>
    %dot_general3A_1973 = arith.constant dense<0.000000e+00> : vector<256x128xf32>
    %dot_general3A_1974 = tpu.matmul %max3A_1967, %get3A_1972, %dot_general3A_1973 {dimension_numbers = #tpu.dot_dimension_numbers<[1], [0], [0], [1], [0, 0, 1, 1], [], []>, transpose_lhs_hint = false} : vector<256x128xf32>, vector<128x128xf32>, vector<256x128xf32> -> vector<256x128xf32>
    %add3A_1975 = arith.addf %add3A_1925, %dot_general3A_1974 : vector<256x128xf32>
    %get3A_1976 = arith.constant 0 : index
    %get3A_1977 = arith.constant 39 : index
    %get3A_1978 = memref.load %arg2[%get3A_1976, %get3A_1977] : memref<6x50xf32, #tpu.memory_space<smem>>
    %mul3A_1979 = vector.broadcast %get3A_1978 : f32 to vector<256x128xf32>
    %mul3A_1980 = arith.mulf %concatenate3A, %mul3A_1979 : vector<256x128xf32>
    %get3A_1981 = arith.constant 1 : index
    %get3A_1982 = arith.constant 39 : index
    %get3A_1983 = memref.load %arg2[%get3A_1981, %get3A_1982] : memref<6x50xf32, #tpu.memory_space<smem>>
    %mul3A_1984 = vector.broadcast %get3A_1983 : f32 to vector<256x128xf32>
    %mul3A_1985 = arith.mulf %add3A_7, %mul3A_1984 : vector<256x128xf32>
    %add3A_1986 = arith.addf %mul3A_1980, %mul3A_1985 : vector<256x128xf32>
    %get3A_1987 = arith.constant 2 : index
    %get3A_1988 = arith.constant 39 : index
    %get3A_1989 = memref.load %arg2[%get3A_1987, %get3A_1988] : memref<6x50xf32, #tpu.memory_space<smem>>
    %mul3A_1990 = vector.broadcast %get3A_1989 : f32 to vector<256x128xf32>
    %mul3A_1991 = arith.mulf %concatenate3A_21, %mul3A_1990 : vector<256x128xf32>
    %add3A_1992 = arith.addf %add3A_1986, %mul3A_1991 : vector<256x128xf32>
    %get3A_1993 = arith.constant 3 : index
    %get3A_1994 = arith.constant 39 : index
    %get3A_1995 = memref.load %arg2[%get3A_1993, %get3A_1994] : memref<6x50xf32, #tpu.memory_space<smem>>
    %mul3A_1996 = vector.broadcast %get3A_1995 : f32 to vector<256x128xf32>
    %mul3A_1997 = arith.mulf %concatenate3A_23, %mul3A_1996 : vector<256x128xf32>
    %add3A_1998 = arith.addf %add3A_1992, %mul3A_1997 : vector<256x128xf32>
    %get3A_1999 = arith.constant 4 : index
    %get3A_2000 = arith.constant 39 : index
    %get3A_2001 = memref.load %arg2[%get3A_1999, %get3A_2000] : memref<6x50xf32, #tpu.memory_space<smem>>
    %mul3A_2002 = vector.broadcast %get3A_2001 : f32 to vector<256x128xf32>
    %mul3A_2003 = arith.mulf %add3A_18, %mul3A_2002 : vector<256x128xf32>
    %add3A_2004 = arith.addf %add3A_1998, %mul3A_2003 : vector<256x128xf32>
    %get3A_2005 = arith.constant 5 : index
    %get3A_2006 = arith.constant 39 : index
    %get3A_2007 = memref.load %arg2[%get3A_2005, %get3A_2006] : memref<6x50xf32, #tpu.memory_space<smem>>
    %mul3A_2008 = vector.broadcast %get3A_2007 : f32 to vector<256x128xf32>
    %mul3A_2009 = arith.mulf %concatenate3A_25, %mul3A_2008 : vector<256x128xf32>
    %add3A_2010 = arith.addf %add3A_2004, %mul3A_2009 : vector<256x128xf32>
    %get3A_2011 = arith.constant 39 : index
    %get3A_2012 = memref.load %arg3[%get3A_2011] : memref<50xf32, #tpu.memory_space<smem>>
    %add3A_2013 = vector.broadcast %get3A_2012 : f32 to vector<256x128xf32>
    %add3A_2014 = arith.addf %add3A_2010, %add3A_2013 : vector<256x128xf32>
    %max3A_2015 = arith.constant 0.000000e+00 : f32
    %max3A_2016 = vector.broadcast %max3A_2015 : f32 to vector<256x128xf32>
    %max3A_2017 = arith.maximumf %add3A_2014, %max3A_2016 : vector<256x128xf32>
    %get3A_2018 = arith.constant 39 : index
    %get3A_2019 = arith.constant 0 : index
    %get3A_2020 = arith.constant 0 : index
    %get3A_2021 = vector.load %arg6[%get3A_2018, %get3A_2019, %get3A_2020] : memref<50x128x128xf32, #tpu.memory_space<vmem>>, vector<1x128x128xf32>
    %get3A_2022 = vector.shape_cast %get3A_2021 : vector<1x128x128xf32> to vector<128x128xf32>
    %dot_general3A_2023 = arith.constant dense<0.000000e+00> : vector<256x128xf32>
    %dot_general3A_2024 = tpu.matmul %max3A_2017, %get3A_2022, %dot_general3A_2023 {dimension_numbers = #tpu.dot_dimension_numbers<[1], [0], [0], [1], [0, 0, 1, 1], [], []>, transpose_lhs_hint = false} : vector<256x128xf32>, vector<128x128xf32>, vector<256x128xf32> -> vector<256x128xf32>
    %add3A_2025 = arith.addf %add3A_1975, %dot_general3A_2024 : vector<256x128xf32>
    %get3A_2026 = arith.constant 0 : index
    %get3A_2027 = arith.constant 40 : index
    %get3A_2028 = memref.load %arg2[%get3A_2026, %get3A_2027] : memref<6x50xf32, #tpu.memory_space<smem>>
    %mul3A_2029 = vector.broadcast %get3A_2028 : f32 to vector<256x128xf32>
    %mul3A_2030 = arith.mulf %concatenate3A, %mul3A_2029 : vector<256x128xf32>
    %get3A_2031 = arith.constant 1 : index
    %get3A_2032 = arith.constant 40 : index
    %get3A_2033 = memref.load %arg2[%get3A_2031, %get3A_2032] : memref<6x50xf32, #tpu.memory_space<smem>>
    %mul3A_2034 = vector.broadcast %get3A_2033 : f32 to vector<256x128xf32>
    %mul3A_2035 = arith.mulf %add3A_7, %mul3A_2034 : vector<256x128xf32>
    %add3A_2036 = arith.addf %mul3A_2030, %mul3A_2035 : vector<256x128xf32>
    %get3A_2037 = arith.constant 2 : index
    %get3A_2038 = arith.constant 40 : index
    %get3A_2039 = memref.load %arg2[%get3A_2037, %get3A_2038] : memref<6x50xf32, #tpu.memory_space<smem>>
    %mul3A_2040 = vector.broadcast %get3A_2039 : f32 to vector<256x128xf32>
    %mul3A_2041 = arith.mulf %concatenate3A_21, %mul3A_2040 : vector<256x128xf32>
    %add3A_2042 = arith.addf %add3A_2036, %mul3A_2041 : vector<256x128xf32>
    %get3A_2043 = arith.constant 3 : index
    %get3A_2044 = arith.constant 40 : index
    %get3A_2045 = memref.load %arg2[%get3A_2043, %get3A_2044] : memref<6x50xf32, #tpu.memory_space<smem>>
    %mul3A_2046 = vector.broadcast %get3A_2045 : f32 to vector<256x128xf32>
    %mul3A_2047 = arith.mulf %concatenate3A_23, %mul3A_2046 : vector<256x128xf32>
    %add3A_2048 = arith.addf %add3A_2042, %mul3A_2047 : vector<256x128xf32>
    %get3A_2049 = arith.constant 4 : index
    %get3A_2050 = arith.constant 40 : index
    %get3A_2051 = memref.load %arg2[%get3A_2049, %get3A_2050] : memref<6x50xf32, #tpu.memory_space<smem>>
    %mul3A_2052 = vector.broadcast %get3A_2051 : f32 to vector<256x128xf32>
    %mul3A_2053 = arith.mulf %add3A_18, %mul3A_2052 : vector<256x128xf32>
    %add3A_2054 = arith.addf %add3A_2048, %mul3A_2053 : vector<256x128xf32>
    %get3A_2055 = arith.constant 5 : index
    %get3A_2056 = arith.constant 40 : index
    %get3A_2057 = memref.load %arg2[%get3A_2055, %get3A_2056] : memref<6x50xf32, #tpu.memory_space<smem>>
    %mul3A_2058 = vector.broadcast %get3A_2057 : f32 to vector<256x128xf32>
    %mul3A_2059 = arith.mulf %concatenate3A_25, %mul3A_2058 : vector<256x128xf32>
    %add3A_2060 = arith.addf %add3A_2054, %mul3A_2059 : vector<256x128xf32>
    %get3A_2061 = arith.constant 40 : index
    %get3A_2062 = memref.load %arg3[%get3A_2061] : memref<50xf32, #tpu.memory_space<smem>>
    %add3A_2063 = vector.broadcast %get3A_2062 : f32 to vector<256x128xf32>
    %add3A_2064 = arith.addf %add3A_2060, %add3A_2063 : vector<256x128xf32>
    %max3A_2065 = arith.constant 0.000000e+00 : f32
    %max3A_2066 = vector.broadcast %max3A_2065 : f32 to vector<256x128xf32>
    %max3A_2067 = arith.maximumf %add3A_2064, %max3A_2066 : vector<256x128xf32>
    %get3A_2068 = arith.constant 40 : index
    %get3A_2069 = arith.constant 0 : index
    %get3A_2070 = arith.constant 0 : index
    %get3A_2071 = vector.load %arg6[%get3A_2068, %get3A_2069, %get3A_2070] : memref<50x128x128xf32, #tpu.memory_space<vmem>>, vector<1x128x128xf32>
    %get3A_2072 = vector.shape_cast %get3A_2071 : vector<1x128x128xf32> to vector<128x128xf32>
    %dot_general3A_2073 = arith.constant dense<0.000000e+00> : vector<256x128xf32>
    %dot_general3A_2074 = tpu.matmul %max3A_2067, %get3A_2072, %dot_general3A_2073 {dimension_numbers = #tpu.dot_dimension_numbers<[1], [0], [0], [1], [0, 0, 1, 1], [], []>, transpose_lhs_hint = false} : vector<256x128xf32>, vector<128x128xf32>, vector<256x128xf32> -> vector<256x128xf32>
    %add3A_2075 = arith.addf %add3A_2025, %dot_general3A_2074 : vector<256x128xf32>
    %get3A_2076 = arith.constant 0 : index
    %get3A_2077 = arith.constant 41 : index
    %get3A_2078 = memref.load %arg2[%get3A_2076, %get3A_2077] : memref<6x50xf32, #tpu.memory_space<smem>>
    %mul3A_2079 = vector.broadcast %get3A_2078 : f32 to vector<256x128xf32>
    %mul3A_2080 = arith.mulf %concatenate3A, %mul3A_2079 : vector<256x128xf32>
    %get3A_2081 = arith.constant 1 : index
    %get3A_2082 = arith.constant 41 : index
    %get3A_2083 = memref.load %arg2[%get3A_2081, %get3A_2082] : memref<6x50xf32, #tpu.memory_space<smem>>
    %mul3A_2084 = vector.broadcast %get3A_2083 : f32 to vector<256x128xf32>
    %mul3A_2085 = arith.mulf %add3A_7, %mul3A_2084 : vector<256x128xf32>
    %add3A_2086 = arith.addf %mul3A_2080, %mul3A_2085 : vector<256x128xf32>
    %get3A_2087 = arith.constant 2 : index
    %get3A_2088 = arith.constant 41 : index
    %get3A_2089 = memref.load %arg2[%get3A_2087, %get3A_2088] : memref<6x50xf32, #tpu.memory_space<smem>>
    %mul3A_2090 = vector.broadcast %get3A_2089 : f32 to vector<256x128xf32>
    %mul3A_2091 = arith.mulf %concatenate3A_21, %mul3A_2090 : vector<256x128xf32>
    %add3A_2092 = arith.addf %add3A_2086, %mul3A_2091 : vector<256x128xf32>
    %get3A_2093 = arith.constant 3 : index
    %get3A_2094 = arith.constant 41 : index
    %get3A_2095 = memref.load %arg2[%get3A_2093, %get3A_2094] : memref<6x50xf32, #tpu.memory_space<smem>>
    %mul3A_2096 = vector.broadcast %get3A_2095 : f32 to vector<256x128xf32>
    %mul3A_2097 = arith.mulf %concatenate3A_23, %mul3A_2096 : vector<256x128xf32>
    %add3A_2098 = arith.addf %add3A_2092, %mul3A_2097 : vector<256x128xf32>
    %get3A_2099 = arith.constant 4 : index
    %get3A_2100 = arith.constant 41 : index
    %get3A_2101 = memref.load %arg2[%get3A_2099, %get3A_2100] : memref<6x50xf32, #tpu.memory_space<smem>>
    %mul3A_2102 = vector.broadcast %get3A_2101 : f32 to vector<256x128xf32>
    %mul3A_2103 = arith.mulf %add3A_18, %mul3A_2102 : vector<256x128xf32>
    %add3A_2104 = arith.addf %add3A_2098, %mul3A_2103 : vector<256x128xf32>
    %get3A_2105 = arith.constant 5 : index
    %get3A_2106 = arith.constant 41 : index
    %get3A_2107 = memref.load %arg2[%get3A_2105, %get3A_2106] : memref<6x50xf32, #tpu.memory_space<smem>>
    %mul3A_2108 = vector.broadcast %get3A_2107 : f32 to vector<256x128xf32>
    %mul3A_2109 = arith.mulf %concatenate3A_25, %mul3A_2108 : vector<256x128xf32>
    %add3A_2110 = arith.addf %add3A_2104, %mul3A_2109 : vector<256x128xf32>
    %get3A_2111 = arith.constant 41 : index
    %get3A_2112 = memref.load %arg3[%get3A_2111] : memref<50xf32, #tpu.memory_space<smem>>
    %add3A_2113 = vector.broadcast %get3A_2112 : f32 to vector<256x128xf32>
    %add3A_2114 = arith.addf %add3A_2110, %add3A_2113 : vector<256x128xf32>
    %max3A_2115 = arith.constant 0.000000e+00 : f32
    %max3A_2116 = vector.broadcast %max3A_2115 : f32 to vector<256x128xf32>
    %max3A_2117 = arith.maximumf %add3A_2114, %max3A_2116 : vector<256x128xf32>
    %get3A_2118 = arith.constant 41 : index
    %get3A_2119 = arith.constant 0 : index
    %get3A_2120 = arith.constant 0 : index
    %get3A_2121 = vector.load %arg6[%get3A_2118, %get3A_2119, %get3A_2120] : memref<50x128x128xf32, #tpu.memory_space<vmem>>, vector<1x128x128xf32>
    %get3A_2122 = vector.shape_cast %get3A_2121 : vector<1x128x128xf32> to vector<128x128xf32>
    %dot_general3A_2123 = arith.constant dense<0.000000e+00> : vector<256x128xf32>
    %dot_general3A_2124 = tpu.matmul %max3A_2117, %get3A_2122, %dot_general3A_2123 {dimension_numbers = #tpu.dot_dimension_numbers<[1], [0], [0], [1], [0, 0, 1, 1], [], []>, transpose_lhs_hint = false} : vector<256x128xf32>, vector<128x128xf32>, vector<256x128xf32> -> vector<256x128xf32>
    %add3A_2125 = arith.addf %add3A_2075, %dot_general3A_2124 : vector<256x128xf32>
    %get3A_2126 = arith.constant 0 : index
    %get3A_2127 = arith.constant 42 : index
    %get3A_2128 = memref.load %arg2[%get3A_2126, %get3A_2127] : memref<6x50xf32, #tpu.memory_space<smem>>
    %mul3A_2129 = vector.broadcast %get3A_2128 : f32 to vector<256x128xf32>
    %mul3A_2130 = arith.mulf %concatenate3A, %mul3A_2129 : vector<256x128xf32>
    %get3A_2131 = arith.constant 1 : index
    %get3A_2132 = arith.constant 42 : index
    %get3A_2133 = memref.load %arg2[%get3A_2131, %get3A_2132] : memref<6x50xf32, #tpu.memory_space<smem>>
    %mul3A_2134 = vector.broadcast %get3A_2133 : f32 to vector<256x128xf32>
    %mul3A_2135 = arith.mulf %add3A_7, %mul3A_2134 : vector<256x128xf32>
    %add3A_2136 = arith.addf %mul3A_2130, %mul3A_2135 : vector<256x128xf32>
    %get3A_2137 = arith.constant 2 : index
    %get3A_2138 = arith.constant 42 : index
    %get3A_2139 = memref.load %arg2[%get3A_2137, %get3A_2138] : memref<6x50xf32, #tpu.memory_space<smem>>
    %mul3A_2140 = vector.broadcast %get3A_2139 : f32 to vector<256x128xf32>
    %mul3A_2141 = arith.mulf %concatenate3A_21, %mul3A_2140 : vector<256x128xf32>
    %add3A_2142 = arith.addf %add3A_2136, %mul3A_2141 : vector<256x128xf32>
    %get3A_2143 = arith.constant 3 : index
    %get3A_2144 = arith.constant 42 : index
    %get3A_2145 = memref.load %arg2[%get3A_2143, %get3A_2144] : memref<6x50xf32, #tpu.memory_space<smem>>
    %mul3A_2146 = vector.broadcast %get3A_2145 : f32 to vector<256x128xf32>
    %mul3A_2147 = arith.mulf %concatenate3A_23, %mul3A_2146 : vector<256x128xf32>
    %add3A_2148 = arith.addf %add3A_2142, %mul3A_2147 : vector<256x128xf32>
    %get3A_2149 = arith.constant 4 : index
    %get3A_2150 = arith.constant 42 : index
    %get3A_2151 = memref.load %arg2[%get3A_2149, %get3A_2150] : memref<6x50xf32, #tpu.memory_space<smem>>
    %mul3A_2152 = vector.broadcast %get3A_2151 : f32 to vector<256x128xf32>
    %mul3A_2153 = arith.mulf %add3A_18, %mul3A_2152 : vector<256x128xf32>
    %add3A_2154 = arith.addf %add3A_2148, %mul3A_2153 : vector<256x128xf32>
    %get3A_2155 = arith.constant 5 : index
    %get3A_2156 = arith.constant 42 : index
    %get3A_2157 = memref.load %arg2[%get3A_2155, %get3A_2156] : memref<6x50xf32, #tpu.memory_space<smem>>
    %mul3A_2158 = vector.broadcast %get3A_2157 : f32 to vector<256x128xf32>
    %mul3A_2159 = arith.mulf %concatenate3A_25, %mul3A_2158 : vector<256x128xf32>
    %add3A_2160 = arith.addf %add3A_2154, %mul3A_2159 : vector<256x128xf32>
    %get3A_2161 = arith.constant 42 : index
    %get3A_2162 = memref.load %arg3[%get3A_2161] : memref<50xf32, #tpu.memory_space<smem>>
    %add3A_2163 = vector.broadcast %get3A_2162 : f32 to vector<256x128xf32>
    %add3A_2164 = arith.addf %add3A_2160, %add3A_2163 : vector<256x128xf32>
    %max3A_2165 = arith.constant 0.000000e+00 : f32
    %max3A_2166 = vector.broadcast %max3A_2165 : f32 to vector<256x128xf32>
    %max3A_2167 = arith.maximumf %add3A_2164, %max3A_2166 : vector<256x128xf32>
    %get3A_2168 = arith.constant 42 : index
    %get3A_2169 = arith.constant 0 : index
    %get3A_2170 = arith.constant 0 : index
    %get3A_2171 = vector.load %arg6[%get3A_2168, %get3A_2169, %get3A_2170] : memref<50x128x128xf32, #tpu.memory_space<vmem>>, vector<1x128x128xf32>
    %get3A_2172 = vector.shape_cast %get3A_2171 : vector<1x128x128xf32> to vector<128x128xf32>
    %dot_general3A_2173 = arith.constant dense<0.000000e+00> : vector<256x128xf32>
    %dot_general3A_2174 = tpu.matmul %max3A_2167, %get3A_2172, %dot_general3A_2173 {dimension_numbers = #tpu.dot_dimension_numbers<[1], [0], [0], [1], [0, 0, 1, 1], [], []>, transpose_lhs_hint = false} : vector<256x128xf32>, vector<128x128xf32>, vector<256x128xf32> -> vector<256x128xf32>
    %add3A_2175 = arith.addf %add3A_2125, %dot_general3A_2174 : vector<256x128xf32>
    %get3A_2176 = arith.constant 0 : index
    %get3A_2177 = arith.constant 43 : index
    %get3A_2178 = memref.load %arg2[%get3A_2176, %get3A_2177] : memref<6x50xf32, #tpu.memory_space<smem>>
    %mul3A_2179 = vector.broadcast %get3A_2178 : f32 to vector<256x128xf32>
    %mul3A_2180 = arith.mulf %concatenate3A, %mul3A_2179 : vector<256x128xf32>
    %get3A_2181 = arith.constant 1 : index
    %get3A_2182 = arith.constant 43 : index
    %get3A_2183 = memref.load %arg2[%get3A_2181, %get3A_2182] : memref<6x50xf32, #tpu.memory_space<smem>>
    %mul3A_2184 = vector.broadcast %get3A_2183 : f32 to vector<256x128xf32>
    %mul3A_2185 = arith.mulf %add3A_7, %mul3A_2184 : vector<256x128xf32>
    %add3A_2186 = arith.addf %mul3A_2180, %mul3A_2185 : vector<256x128xf32>
    %get3A_2187 = arith.constant 2 : index
    %get3A_2188 = arith.constant 43 : index
    %get3A_2189 = memref.load %arg2[%get3A_2187, %get3A_2188] : memref<6x50xf32, #tpu.memory_space<smem>>
    %mul3A_2190 = vector.broadcast %get3A_2189 : f32 to vector<256x128xf32>
    %mul3A_2191 = arith.mulf %concatenate3A_21, %mul3A_2190 : vector<256x128xf32>
    %add3A_2192 = arith.addf %add3A_2186, %mul3A_2191 : vector<256x128xf32>
    %get3A_2193 = arith.constant 3 : index
    %get3A_2194 = arith.constant 43 : index
    %get3A_2195 = memref.load %arg2[%get3A_2193, %get3A_2194] : memref<6x50xf32, #tpu.memory_space<smem>>
    %mul3A_2196 = vector.broadcast %get3A_2195 : f32 to vector<256x128xf32>
    %mul3A_2197 = arith.mulf %concatenate3A_23, %mul3A_2196 : vector<256x128xf32>
    %add3A_2198 = arith.addf %add3A_2192, %mul3A_2197 : vector<256x128xf32>
    %get3A_2199 = arith.constant 4 : index
    %get3A_2200 = arith.constant 43 : index
    %get3A_2201 = memref.load %arg2[%get3A_2199, %get3A_2200] : memref<6x50xf32, #tpu.memory_space<smem>>
    %mul3A_2202 = vector.broadcast %get3A_2201 : f32 to vector<256x128xf32>
    %mul3A_2203 = arith.mulf %add3A_18, %mul3A_2202 : vector<256x128xf32>
    %add3A_2204 = arith.addf %add3A_2198, %mul3A_2203 : vector<256x128xf32>
    %get3A_2205 = arith.constant 5 : index
    %get3A_2206 = arith.constant 43 : index
    %get3A_2207 = memref.load %arg2[%get3A_2205, %get3A_2206] : memref<6x50xf32, #tpu.memory_space<smem>>
    %mul3A_2208 = vector.broadcast %get3A_2207 : f32 to vector<256x128xf32>
    %mul3A_2209 = arith.mulf %concatenate3A_25, %mul3A_2208 : vector<256x128xf32>
    %add3A_2210 = arith.addf %add3A_2204, %mul3A_2209 : vector<256x128xf32>
    %get3A_2211 = arith.constant 43 : index
    %get3A_2212 = memref.load %arg3[%get3A_2211] : memref<50xf32, #tpu.memory_space<smem>>
    %add3A_2213 = vector.broadcast %get3A_2212 : f32 to vector<256x128xf32>
    %add3A_2214 = arith.addf %add3A_2210, %add3A_2213 : vector<256x128xf32>
    %max3A_2215 = arith.constant 0.000000e+00 : f32
    %max3A_2216 = vector.broadcast %max3A_2215 : f32 to vector<256x128xf32>
    %max3A_2217 = arith.maximumf %add3A_2214, %max3A_2216 : vector<256x128xf32>
    %get3A_2218 = arith.constant 43 : index
    %get3A_2219 = arith.constant 0 : index
    %get3A_2220 = arith.constant 0 : index
    %get3A_2221 = vector.load %arg6[%get3A_2218, %get3A_2219, %get3A_2220] : memref<50x128x128xf32, #tpu.memory_space<vmem>>, vector<1x128x128xf32>
    %get3A_2222 = vector.shape_cast %get3A_2221 : vector<1x128x128xf32> to vector<128x128xf32>
    %dot_general3A_2223 = arith.constant dense<0.000000e+00> : vector<256x128xf32>
    %dot_general3A_2224 = tpu.matmul %max3A_2217, %get3A_2222, %dot_general3A_2223 {dimension_numbers = #tpu.dot_dimension_numbers<[1], [0], [0], [1], [0, 0, 1, 1], [], []>, transpose_lhs_hint = false} : vector<256x128xf32>, vector<128x128xf32>, vector<256x128xf32> -> vector<256x128xf32>
    %add3A_2225 = arith.addf %add3A_2175, %dot_general3A_2224 : vector<256x128xf32>
    %get3A_2226 = arith.constant 0 : index
    %get3A_2227 = arith.constant 44 : index
    %get3A_2228 = memref.load %arg2[%get3A_2226, %get3A_2227] : memref<6x50xf32, #tpu.memory_space<smem>>
    %mul3A_2229 = vector.broadcast %get3A_2228 : f32 to vector<256x128xf32>
    %mul3A_2230 = arith.mulf %concatenate3A, %mul3A_2229 : vector<256x128xf32>
    %get3A_2231 = arith.constant 1 : index
    %get3A_2232 = arith.constant 44 : index
    %get3A_2233 = memref.load %arg2[%get3A_2231, %get3A_2232] : memref<6x50xf32, #tpu.memory_space<smem>>
    %mul3A_2234 = vector.broadcast %get3A_2233 : f32 to vector<256x128xf32>
    %mul3A_2235 = arith.mulf %add3A_7, %mul3A_2234 : vector<256x128xf32>
    %add3A_2236 = arith.addf %mul3A_2230, %mul3A_2235 : vector<256x128xf32>
    %get3A_2237 = arith.constant 2 : index
    %get3A_2238 = arith.constant 44 : index
    %get3A_2239 = memref.load %arg2[%get3A_2237, %get3A_2238] : memref<6x50xf32, #tpu.memory_space<smem>>
    %mul3A_2240 = vector.broadcast %get3A_2239 : f32 to vector<256x128xf32>
    %mul3A_2241 = arith.mulf %concatenate3A_21, %mul3A_2240 : vector<256x128xf32>
    %add3A_2242 = arith.addf %add3A_2236, %mul3A_2241 : vector<256x128xf32>
    %get3A_2243 = arith.constant 3 : index
    %get3A_2244 = arith.constant 44 : index
    %get3A_2245 = memref.load %arg2[%get3A_2243, %get3A_2244] : memref<6x50xf32, #tpu.memory_space<smem>>
    %mul3A_2246 = vector.broadcast %get3A_2245 : f32 to vector<256x128xf32>
    %mul3A_2247 = arith.mulf %concatenate3A_23, %mul3A_2246 : vector<256x128xf32>
    %add3A_2248 = arith.addf %add3A_2242, %mul3A_2247 : vector<256x128xf32>
    %get3A_2249 = arith.constant 4 : index
    %get3A_2250 = arith.constant 44 : index
    %get3A_2251 = memref.load %arg2[%get3A_2249, %get3A_2250] : memref<6x50xf32, #tpu.memory_space<smem>>
    %mul3A_2252 = vector.broadcast %get3A_2251 : f32 to vector<256x128xf32>
    %mul3A_2253 = arith.mulf %add3A_18, %mul3A_2252 : vector<256x128xf32>
    %add3A_2254 = arith.addf %add3A_2248, %mul3A_2253 : vector<256x128xf32>
    %get3A_2255 = arith.constant 5 : index
    %get3A_2256 = arith.constant 44 : index
    %get3A_2257 = memref.load %arg2[%get3A_2255, %get3A_2256] : memref<6x50xf32, #tpu.memory_space<smem>>
    %mul3A_2258 = vector.broadcast %get3A_2257 : f32 to vector<256x128xf32>
    %mul3A_2259 = arith.mulf %concatenate3A_25, %mul3A_2258 : vector<256x128xf32>
    %add3A_2260 = arith.addf %add3A_2254, %mul3A_2259 : vector<256x128xf32>
    %get3A_2261 = arith.constant 44 : index
    %get3A_2262 = memref.load %arg3[%get3A_2261] : memref<50xf32, #tpu.memory_space<smem>>
    %add3A_2263 = vector.broadcast %get3A_2262 : f32 to vector<256x128xf32>
    %add3A_2264 = arith.addf %add3A_2260, %add3A_2263 : vector<256x128xf32>
    %max3A_2265 = arith.constant 0.000000e+00 : f32
    %max3A_2266 = vector.broadcast %max3A_2265 : f32 to vector<256x128xf32>
    %max3A_2267 = arith.maximumf %add3A_2264, %max3A_2266 : vector<256x128xf32>
    %get3A_2268 = arith.constant 44 : index
    %get3A_2269 = arith.constant 0 : index
    %get3A_2270 = arith.constant 0 : index
    %get3A_2271 = vector.load %arg6[%get3A_2268, %get3A_2269, %get3A_2270] : memref<50x128x128xf32, #tpu.memory_space<vmem>>, vector<1x128x128xf32>
    %get3A_2272 = vector.shape_cast %get3A_2271 : vector<1x128x128xf32> to vector<128x128xf32>
    %dot_general3A_2273 = arith.constant dense<0.000000e+00> : vector<256x128xf32>
    %dot_general3A_2274 = tpu.matmul %max3A_2267, %get3A_2272, %dot_general3A_2273 {dimension_numbers = #tpu.dot_dimension_numbers<[1], [0], [0], [1], [0, 0, 1, 1], [], []>, transpose_lhs_hint = false} : vector<256x128xf32>, vector<128x128xf32>, vector<256x128xf32> -> vector<256x128xf32>
    %add3A_2275 = arith.addf %add3A_2225, %dot_general3A_2274 : vector<256x128xf32>
    %get3A_2276 = arith.constant 0 : index
    %get3A_2277 = arith.constant 45 : index
    %get3A_2278 = memref.load %arg2[%get3A_2276, %get3A_2277] : memref<6x50xf32, #tpu.memory_space<smem>>
    %mul3A_2279 = vector.broadcast %get3A_2278 : f32 to vector<256x128xf32>
    %mul3A_2280 = arith.mulf %concatenate3A, %mul3A_2279 : vector<256x128xf32>
    %get3A_2281 = arith.constant 1 : index
    %get3A_2282 = arith.constant 45 : index
    %get3A_2283 = memref.load %arg2[%get3A_2281, %get3A_2282] : memref<6x50xf32, #tpu.memory_space<smem>>
    %mul3A_2284 = vector.broadcast %get3A_2283 : f32 to vector<256x128xf32>
    %mul3A_2285 = arith.mulf %add3A_7, %mul3A_2284 : vector<256x128xf32>
    %add3A_2286 = arith.addf %mul3A_2280, %mul3A_2285 : vector<256x128xf32>
    %get3A_2287 = arith.constant 2 : index
    %get3A_2288 = arith.constant 45 : index
    %get3A_2289 = memref.load %arg2[%get3A_2287, %get3A_2288] : memref<6x50xf32, #tpu.memory_space<smem>>
    %mul3A_2290 = vector.broadcast %get3A_2289 : f32 to vector<256x128xf32>
    %mul3A_2291 = arith.mulf %concatenate3A_21, %mul3A_2290 : vector<256x128xf32>
    %add3A_2292 = arith.addf %add3A_2286, %mul3A_2291 : vector<256x128xf32>
    %get3A_2293 = arith.constant 3 : index
    %get3A_2294 = arith.constant 45 : index
    %get3A_2295 = memref.load %arg2[%get3A_2293, %get3A_2294] : memref<6x50xf32, #tpu.memory_space<smem>>
    %mul3A_2296 = vector.broadcast %get3A_2295 : f32 to vector<256x128xf32>
    %mul3A_2297 = arith.mulf %concatenate3A_23, %mul3A_2296 : vector<256x128xf32>
    %add3A_2298 = arith.addf %add3A_2292, %mul3A_2297 : vector<256x128xf32>
    %get3A_2299 = arith.constant 4 : index
    %get3A_2300 = arith.constant 45 : index
    %get3A_2301 = memref.load %arg2[%get3A_2299, %get3A_2300] : memref<6x50xf32, #tpu.memory_space<smem>>
    %mul3A_2302 = vector.broadcast %get3A_2301 : f32 to vector<256x128xf32>
    %mul3A_2303 = arith.mulf %add3A_18, %mul3A_2302 : vector<256x128xf32>
    %add3A_2304 = arith.addf %add3A_2298, %mul3A_2303 : vector<256x128xf32>
    %get3A_2305 = arith.constant 5 : index
    %get3A_2306 = arith.constant 45 : index
    %get3A_2307 = memref.load %arg2[%get3A_2305, %get3A_2306] : memref<6x50xf32, #tpu.memory_space<smem>>
    %mul3A_2308 = vector.broadcast %get3A_2307 : f32 to vector<256x128xf32>
    %mul3A_2309 = arith.mulf %concatenate3A_25, %mul3A_2308 : vector<256x128xf32>
    %add3A_2310 = arith.addf %add3A_2304, %mul3A_2309 : vector<256x128xf32>
    %get3A_2311 = arith.constant 45 : index
    %get3A_2312 = memref.load %arg3[%get3A_2311] : memref<50xf32, #tpu.memory_space<smem>>
    %add3A_2313 = vector.broadcast %get3A_2312 : f32 to vector<256x128xf32>
    %add3A_2314 = arith.addf %add3A_2310, %add3A_2313 : vector<256x128xf32>
    %max3A_2315 = arith.constant 0.000000e+00 : f32
    %max3A_2316 = vector.broadcast %max3A_2315 : f32 to vector<256x128xf32>
    %max3A_2317 = arith.maximumf %add3A_2314, %max3A_2316 : vector<256x128xf32>
    %get3A_2318 = arith.constant 45 : index
    %get3A_2319 = arith.constant 0 : index
    %get3A_2320 = arith.constant 0 : index
    %get3A_2321 = vector.load %arg6[%get3A_2318, %get3A_2319, %get3A_2320] : memref<50x128x128xf32, #tpu.memory_space<vmem>>, vector<1x128x128xf32>
    %get3A_2322 = vector.shape_cast %get3A_2321 : vector<1x128x128xf32> to vector<128x128xf32>
    %dot_general3A_2323 = arith.constant dense<0.000000e+00> : vector<256x128xf32>
    %dot_general3A_2324 = tpu.matmul %max3A_2317, %get3A_2322, %dot_general3A_2323 {dimension_numbers = #tpu.dot_dimension_numbers<[1], [0], [0], [1], [0, 0, 1, 1], [], []>, transpose_lhs_hint = false} : vector<256x128xf32>, vector<128x128xf32>, vector<256x128xf32> -> vector<256x128xf32>
    %add3A_2325 = arith.addf %add3A_2275, %dot_general3A_2324 : vector<256x128xf32>
    %get3A_2326 = arith.constant 0 : index
    %get3A_2327 = arith.constant 46 : index
    %get3A_2328 = memref.load %arg2[%get3A_2326, %get3A_2327] : memref<6x50xf32, #tpu.memory_space<smem>>
    %mul3A_2329 = vector.broadcast %get3A_2328 : f32 to vector<256x128xf32>
    %mul3A_2330 = arith.mulf %concatenate3A, %mul3A_2329 : vector<256x128xf32>
    %get3A_2331 = arith.constant 1 : index
    %get3A_2332 = arith.constant 46 : index
    %get3A_2333 = memref.load %arg2[%get3A_2331, %get3A_2332] : memref<6x50xf32, #tpu.memory_space<smem>>
    %mul3A_2334 = vector.broadcast %get3A_2333 : f32 to vector<256x128xf32>
    %mul3A_2335 = arith.mulf %add3A_7, %mul3A_2334 : vector<256x128xf32>
    %add3A_2336 = arith.addf %mul3A_2330, %mul3A_2335 : vector<256x128xf32>
    %get3A_2337 = arith.constant 2 : index
    %get3A_2338 = arith.constant 46 : index
    %get3A_2339 = memref.load %arg2[%get3A_2337, %get3A_2338] : memref<6x50xf32, #tpu.memory_space<smem>>
    %mul3A_2340 = vector.broadcast %get3A_2339 : f32 to vector<256x128xf32>
    %mul3A_2341 = arith.mulf %concatenate3A_21, %mul3A_2340 : vector<256x128xf32>
    %add3A_2342 = arith.addf %add3A_2336, %mul3A_2341 : vector<256x128xf32>
    %get3A_2343 = arith.constant 3 : index
    %get3A_2344 = arith.constant 46 : index
    %get3A_2345 = memref.load %arg2[%get3A_2343, %get3A_2344] : memref<6x50xf32, #tpu.memory_space<smem>>
    %mul3A_2346 = vector.broadcast %get3A_2345 : f32 to vector<256x128xf32>
    %mul3A_2347 = arith.mulf %concatenate3A_23, %mul3A_2346 : vector<256x128xf32>
    %add3A_2348 = arith.addf %add3A_2342, %mul3A_2347 : vector<256x128xf32>
    %get3A_2349 = arith.constant 4 : index
    %get3A_2350 = arith.constant 46 : index
    %get3A_2351 = memref.load %arg2[%get3A_2349, %get3A_2350] : memref<6x50xf32, #tpu.memory_space<smem>>
    %mul3A_2352 = vector.broadcast %get3A_2351 : f32 to vector<256x128xf32>
    %mul3A_2353 = arith.mulf %add3A_18, %mul3A_2352 : vector<256x128xf32>
    %add3A_2354 = arith.addf %add3A_2348, %mul3A_2353 : vector<256x128xf32>
    %get3A_2355 = arith.constant 5 : index
    %get3A_2356 = arith.constant 46 : index
    %get3A_2357 = memref.load %arg2[%get3A_2355, %get3A_2356] : memref<6x50xf32, #tpu.memory_space<smem>>
    %mul3A_2358 = vector.broadcast %get3A_2357 : f32 to vector<256x128xf32>
    %mul3A_2359 = arith.mulf %concatenate3A_25, %mul3A_2358 : vector<256x128xf32>
    %add3A_2360 = arith.addf %add3A_2354, %mul3A_2359 : vector<256x128xf32>
    %get3A_2361 = arith.constant 46 : index
    %get3A_2362 = memref.load %arg3[%get3A_2361] : memref<50xf32, #tpu.memory_space<smem>>
    %add3A_2363 = vector.broadcast %get3A_2362 : f32 to vector<256x128xf32>
    %add3A_2364 = arith.addf %add3A_2360, %add3A_2363 : vector<256x128xf32>
    %max3A_2365 = arith.constant 0.000000e+00 : f32
    %max3A_2366 = vector.broadcast %max3A_2365 : f32 to vector<256x128xf32>
    %max3A_2367 = arith.maximumf %add3A_2364, %max3A_2366 : vector<256x128xf32>
    %get3A_2368 = arith.constant 46 : index
    %get3A_2369 = arith.constant 0 : index
    %get3A_2370 = arith.constant 0 : index
    %get3A_2371 = vector.load %arg6[%get3A_2368, %get3A_2369, %get3A_2370] : memref<50x128x128xf32, #tpu.memory_space<vmem>>, vector<1x128x128xf32>
    %get3A_2372 = vector.shape_cast %get3A_2371 : vector<1x128x128xf32> to vector<128x128xf32>
    %dot_general3A_2373 = arith.constant dense<0.000000e+00> : vector<256x128xf32>
    %dot_general3A_2374 = tpu.matmul %max3A_2367, %get3A_2372, %dot_general3A_2373 {dimension_numbers = #tpu.dot_dimension_numbers<[1], [0], [0], [1], [0, 0, 1, 1], [], []>, transpose_lhs_hint = false} : vector<256x128xf32>, vector<128x128xf32>, vector<256x128xf32> -> vector<256x128xf32>
    %add3A_2375 = arith.addf %add3A_2325, %dot_general3A_2374 : vector<256x128xf32>
    %get3A_2376 = arith.constant 0 : index
    %get3A_2377 = arith.constant 47 : index
    %get3A_2378 = memref.load %arg2[%get3A_2376, %get3A_2377] : memref<6x50xf32, #tpu.memory_space<smem>>
    %mul3A_2379 = vector.broadcast %get3A_2378 : f32 to vector<256x128xf32>
    %mul3A_2380 = arith.mulf %concatenate3A, %mul3A_2379 : vector<256x128xf32>
    %get3A_2381 = arith.constant 1 : index
    %get3A_2382 = arith.constant 47 : index
    %get3A_2383 = memref.load %arg2[%get3A_2381, %get3A_2382] : memref<6x50xf32, #tpu.memory_space<smem>>
    %mul3A_2384 = vector.broadcast %get3A_2383 : f32 to vector<256x128xf32>
    %mul3A_2385 = arith.mulf %add3A_7, %mul3A_2384 : vector<256x128xf32>
    %add3A_2386 = arith.addf %mul3A_2380, %mul3A_2385 : vector<256x128xf32>
    %get3A_2387 = arith.constant 2 : index
    %get3A_2388 = arith.constant 47 : index
    %get3A_2389 = memref.load %arg2[%get3A_2387, %get3A_2388] : memref<6x50xf32, #tpu.memory_space<smem>>
    %mul3A_2390 = vector.broadcast %get3A_2389 : f32 to vector<256x128xf32>
    %mul3A_2391 = arith.mulf %concatenate3A_21, %mul3A_2390 : vector<256x128xf32>
    %add3A_2392 = arith.addf %add3A_2386, %mul3A_2391 : vector<256x128xf32>
    %get3A_2393 = arith.constant 3 : index
    %get3A_2394 = arith.constant 47 : index
    %get3A_2395 = memref.load %arg2[%get3A_2393, %get3A_2394] : memref<6x50xf32, #tpu.memory_space<smem>>
    %mul3A_2396 = vector.broadcast %get3A_2395 : f32 to vector<256x128xf32>
    %mul3A_2397 = arith.mulf %concatenate3A_23, %mul3A_2396 : vector<256x128xf32>
    %add3A_2398 = arith.addf %add3A_2392, %mul3A_2397 : vector<256x128xf32>
    %get3A_2399 = arith.constant 4 : index
    %get3A_2400 = arith.constant 47 : index
    %get3A_2401 = memref.load %arg2[%get3A_2399, %get3A_2400] : memref<6x50xf32, #tpu.memory_space<smem>>
    %mul3A_2402 = vector.broadcast %get3A_2401 : f32 to vector<256x128xf32>
    %mul3A_2403 = arith.mulf %add3A_18, %mul3A_2402 : vector<256x128xf32>
    %add3A_2404 = arith.addf %add3A_2398, %mul3A_2403 : vector<256x128xf32>
    %get3A_2405 = arith.constant 5 : index
    %get3A_2406 = arith.constant 47 : index
    %get3A_2407 = memref.load %arg2[%get3A_2405, %get3A_2406] : memref<6x50xf32, #tpu.memory_space<smem>>
    %mul3A_2408 = vector.broadcast %get3A_2407 : f32 to vector<256x128xf32>
    %mul3A_2409 = arith.mulf %concatenate3A_25, %mul3A_2408 : vector<256x128xf32>
    %add3A_2410 = arith.addf %add3A_2404, %mul3A_2409 : vector<256x128xf32>
    %get3A_2411 = arith.constant 47 : index
    %get3A_2412 = memref.load %arg3[%get3A_2411] : memref<50xf32, #tpu.memory_space<smem>>
    %add3A_2413 = vector.broadcast %get3A_2412 : f32 to vector<256x128xf32>
    %add3A_2414 = arith.addf %add3A_2410, %add3A_2413 : vector<256x128xf32>
    %max3A_2415 = arith.constant 0.000000e+00 : f32
    %max3A_2416 = vector.broadcast %max3A_2415 : f32 to vector<256x128xf32>
    %max3A_2417 = arith.maximumf %add3A_2414, %max3A_2416 : vector<256x128xf32>
    %get3A_2418 = arith.constant 47 : index
    %get3A_2419 = arith.constant 0 : index
    %get3A_2420 = arith.constant 0 : index
    %get3A_2421 = vector.load %arg6[%get3A_2418, %get3A_2419, %get3A_2420] : memref<50x128x128xf32, #tpu.memory_space<vmem>>, vector<1x128x128xf32>
    %get3A_2422 = vector.shape_cast %get3A_2421 : vector<1x128x128xf32> to vector<128x128xf32>
    %dot_general3A_2423 = arith.constant dense<0.000000e+00> : vector<256x128xf32>
    %dot_general3A_2424 = tpu.matmul %max3A_2417, %get3A_2422, %dot_general3A_2423 {dimension_numbers = #tpu.dot_dimension_numbers<[1], [0], [0], [1], [0, 0, 1, 1], [], []>, transpose_lhs_hint = false} : vector<256x128xf32>, vector<128x128xf32>, vector<256x128xf32> -> vector<256x128xf32>
    %add3A_2425 = arith.addf %add3A_2375, %dot_general3A_2424 : vector<256x128xf32>
    %get3A_2426 = arith.constant 0 : index
    %get3A_2427 = arith.constant 48 : index
    %get3A_2428 = memref.load %arg2[%get3A_2426, %get3A_2427] : memref<6x50xf32, #tpu.memory_space<smem>>
    %mul3A_2429 = vector.broadcast %get3A_2428 : f32 to vector<256x128xf32>
    %mul3A_2430 = arith.mulf %concatenate3A, %mul3A_2429 : vector<256x128xf32>
    %get3A_2431 = arith.constant 1 : index
    %get3A_2432 = arith.constant 48 : index
    %get3A_2433 = memref.load %arg2[%get3A_2431, %get3A_2432] : memref<6x50xf32, #tpu.memory_space<smem>>
    %mul3A_2434 = vector.broadcast %get3A_2433 : f32 to vector<256x128xf32>
    %mul3A_2435 = arith.mulf %add3A_7, %mul3A_2434 : vector<256x128xf32>
    %add3A_2436 = arith.addf %mul3A_2430, %mul3A_2435 : vector<256x128xf32>
    %get3A_2437 = arith.constant 2 : index
    %get3A_2438 = arith.constant 48 : index
    %get3A_2439 = memref.load %arg2[%get3A_2437, %get3A_2438] : memref<6x50xf32, #tpu.memory_space<smem>>
    %mul3A_2440 = vector.broadcast %get3A_2439 : f32 to vector<256x128xf32>
    %mul3A_2441 = arith.mulf %concatenate3A_21, %mul3A_2440 : vector<256x128xf32>
    %add3A_2442 = arith.addf %add3A_2436, %mul3A_2441 : vector<256x128xf32>
    %get3A_2443 = arith.constant 3 : index
    %get3A_2444 = arith.constant 48 : index
    %get3A_2445 = memref.load %arg2[%get3A_2443, %get3A_2444] : memref<6x50xf32, #tpu.memory_space<smem>>
    %mul3A_2446 = vector.broadcast %get3A_2445 : f32 to vector<256x128xf32>
    %mul3A_2447 = arith.mulf %concatenate3A_23, %mul3A_2446 : vector<256x128xf32>
    %add3A_2448 = arith.addf %add3A_2442, %mul3A_2447 : vector<256x128xf32>
    %get3A_2449 = arith.constant 4 : index
    %get3A_2450 = arith.constant 48 : index
    %get3A_2451 = memref.load %arg2[%get3A_2449, %get3A_2450] : memref<6x50xf32, #tpu.memory_space<smem>>
    %mul3A_2452 = vector.broadcast %get3A_2451 : f32 to vector<256x128xf32>
    %mul3A_2453 = arith.mulf %add3A_18, %mul3A_2452 : vector<256x128xf32>
    %add3A_2454 = arith.addf %add3A_2448, %mul3A_2453 : vector<256x128xf32>
    %get3A_2455 = arith.constant 5 : index
    %get3A_2456 = arith.constant 48 : index
    %get3A_2457 = memref.load %arg2[%get3A_2455, %get3A_2456] : memref<6x50xf32, #tpu.memory_space<smem>>
    %mul3A_2458 = vector.broadcast %get3A_2457 : f32 to vector<256x128xf32>
    %mul3A_2459 = arith.mulf %concatenate3A_25, %mul3A_2458 : vector<256x128xf32>
    %add3A_2460 = arith.addf %add3A_2454, %mul3A_2459 : vector<256x128xf32>
    %get3A_2461 = arith.constant 48 : index
    %get3A_2462 = memref.load %arg3[%get3A_2461] : memref<50xf32, #tpu.memory_space<smem>>
    %add3A_2463 = vector.broadcast %get3A_2462 : f32 to vector<256x128xf32>
    %add3A_2464 = arith.addf %add3A_2460, %add3A_2463 : vector<256x128xf32>
    %max3A_2465 = arith.constant 0.000000e+00 : f32
    %max3A_2466 = vector.broadcast %max3A_2465 : f32 to vector<256x128xf32>
    %max3A_2467 = arith.maximumf %add3A_2464, %max3A_2466 : vector<256x128xf32>
    %get3A_2468 = arith.constant 48 : index
    %get3A_2469 = arith.constant 0 : index
    %get3A_2470 = arith.constant 0 : index
    %get3A_2471 = vector.load %arg6[%get3A_2468, %get3A_2469, %get3A_2470] : memref<50x128x128xf32, #tpu.memory_space<vmem>>, vector<1x128x128xf32>
    %get3A_2472 = vector.shape_cast %get3A_2471 : vector<1x128x128xf32> to vector<128x128xf32>
    %dot_general3A_2473 = arith.constant dense<0.000000e+00> : vector<256x128xf32>
    %dot_general3A_2474 = tpu.matmul %max3A_2467, %get3A_2472, %dot_general3A_2473 {dimension_numbers = #tpu.dot_dimension_numbers<[1], [0], [0], [1], [0, 0, 1, 1], [], []>, transpose_lhs_hint = false} : vector<256x128xf32>, vector<128x128xf32>, vector<256x128xf32> -> vector<256x128xf32>
    %add3A_2475 = arith.addf %add3A_2425, %dot_general3A_2474 : vector<256x128xf32>
    %get3A_2476 = arith.constant 0 : index
    %get3A_2477 = arith.constant 49 : index
    %get3A_2478 = memref.load %arg2[%get3A_2476, %get3A_2477] : memref<6x50xf32, #tpu.memory_space<smem>>
    %mul3A_2479 = vector.broadcast %get3A_2478 : f32 to vector<256x128xf32>
    %mul3A_2480 = arith.mulf %concatenate3A, %mul3A_2479 : vector<256x128xf32>
    %get3A_2481 = arith.constant 1 : index
    %get3A_2482 = arith.constant 49 : index
    %get3A_2483 = memref.load %arg2[%get3A_2481, %get3A_2482] : memref<6x50xf32, #tpu.memory_space<smem>>
    %mul3A_2484 = vector.broadcast %get3A_2483 : f32 to vector<256x128xf32>
    %mul3A_2485 = arith.mulf %add3A_7, %mul3A_2484 : vector<256x128xf32>
    %add3A_2486 = arith.addf %mul3A_2480, %mul3A_2485 : vector<256x128xf32>
    %get3A_2487 = arith.constant 2 : index
    %get3A_2488 = arith.constant 49 : index
    %get3A_2489 = memref.load %arg2[%get3A_2487, %get3A_2488] : memref<6x50xf32, #tpu.memory_space<smem>>
    %mul3A_2490 = vector.broadcast %get3A_2489 : f32 to vector<256x128xf32>
    %mul3A_2491 = arith.mulf %concatenate3A_21, %mul3A_2490 : vector<256x128xf32>
    %add3A_2492 = arith.addf %add3A_2486, %mul3A_2491 : vector<256x128xf32>
    %get3A_2493 = arith.constant 3 : index
    %get3A_2494 = arith.constant 49 : index
    %get3A_2495 = memref.load %arg2[%get3A_2493, %get3A_2494] : memref<6x50xf32, #tpu.memory_space<smem>>
    %mul3A_2496 = vector.broadcast %get3A_2495 : f32 to vector<256x128xf32>
    %mul3A_2497 = arith.mulf %concatenate3A_23, %mul3A_2496 : vector<256x128xf32>
    %add3A_2498 = arith.addf %add3A_2492, %mul3A_2497 : vector<256x128xf32>
    %get3A_2499 = arith.constant 4 : index
    %get3A_2500 = arith.constant 49 : index
    %get3A_2501 = memref.load %arg2[%get3A_2499, %get3A_2500] : memref<6x50xf32, #tpu.memory_space<smem>>
    %mul3A_2502 = vector.broadcast %get3A_2501 : f32 to vector<256x128xf32>
    %mul3A_2503 = arith.mulf %add3A_18, %mul3A_2502 : vector<256x128xf32>
    %add3A_2504 = arith.addf %add3A_2498, %mul3A_2503 : vector<256x128xf32>
    %get3A_2505 = arith.constant 5 : index
    %get3A_2506 = arith.constant 49 : index
    %get3A_2507 = memref.load %arg2[%get3A_2505, %get3A_2506] : memref<6x50xf32, #tpu.memory_space<smem>>
    %mul3A_2508 = vector.broadcast %get3A_2507 : f32 to vector<256x128xf32>
    %mul3A_2509 = arith.mulf %concatenate3A_25, %mul3A_2508 : vector<256x128xf32>
    %add3A_2510 = arith.addf %add3A_2504, %mul3A_2509 : vector<256x128xf32>
    %get3A_2511 = arith.constant 49 : index
    %get3A_2512 = memref.load %arg3[%get3A_2511] : memref<50xf32, #tpu.memory_space<smem>>
    %add3A_2513 = vector.broadcast %get3A_2512 : f32 to vector<256x128xf32>
    %add3A_2514 = arith.addf %add3A_2510, %add3A_2513 : vector<256x128xf32>
    %max3A_2515 = arith.constant 0.000000e+00 : f32
    %max3A_2516 = vector.broadcast %max3A_2515 : f32 to vector<256x128xf32>
    %max3A_2517 = arith.maximumf %add3A_2514, %max3A_2516 : vector<256x128xf32>
    %get3A_2518 = arith.constant 49 : index
    %get3A_2519 = arith.constant 0 : index
    %get3A_2520 = arith.constant 0 : index
    %get3A_2521 = vector.load %arg6[%get3A_2518, %get3A_2519, %get3A_2520] : memref<50x128x128xf32, #tpu.memory_space<vmem>>, vector<1x128x128xf32>
    %get3A_2522 = vector.shape_cast %get3A_2521 : vector<1x128x128xf32> to vector<128x128xf32>
    %dot_general3A_2523 = arith.constant dense<0.000000e+00> : vector<256x128xf32>
    %dot_general3A_2524 = tpu.matmul %max3A_2517, %get3A_2522, %dot_general3A_2523 {dimension_numbers = #tpu.dot_dimension_numbers<[1], [0], [0], [1], [0, 0, 1, 1], [], []>, transpose_lhs_hint = false} : vector<256x128xf32>, vector<128x128xf32>, vector<256x128xf32> -> vector<256x128xf32>
    %add3A_2525 = arith.addf %add3A_2475, %dot_general3A_2524 : vector<256x128xf32>
    %get3A_2526 = arith.constant 0 : index
    %get3A_2527 = arith.constant 0 : index
    %get3A_2528 = vector.load %arg7[%get3A_2526, %get3A_2527] : memref<1x128xf32, #tpu.memory_space<vmem>>, vector<1x128xf32>
    %mul3A_2529 = vector.broadcast %get3A_2528 : vector<1x128xf32> to vector<256x128xf32>
    %mul3A_2530 = arith.mulf %add3A_2525, %mul3A_2529 : vector<256x128xf32>
    %get3A_2531 = arith.constant 0 : index
    %get3A_2532 = arith.constant 0 : index
    %get3A_2533 = vector.load %arg8[%get3A_2531, %get3A_2532] : memref<1x128xf32, #tpu.memory_space<vmem>>, vector<1x128xf32>
    %add3A_2534 = vector.broadcast %get3A_2533 : vector<1x128xf32> to vector<256x128xf32>
    %add3A_2535 = arith.addf %mul3A_2530, %add3A_2534 : vector<256x128xf32>
    %max3A_2536 = arith.constant 0.000000e+00 : f32
    %max3A_2537 = vector.broadcast %max3A_2536 : f32 to vector<256x128xf32>
    %max3A_2538 = arith.maximumf %add3A_2535, %max3A_2537 : vector<256x128xf32>
    %swap3A = arith.constant 0 : index
    %swap3A_2539 = arith.constant 0 : index
    %swap3A_2540 = vector.load %arg9[%swap3A, %swap3A_2539] : memref<256x128xf32, #tpu.memory_space<vmem>>, vector<256x128xf32>
    tpu.vector_store %arg9[%swap3A, %swap3A_2539], %max3A_2538 {strides = array<i32>} : memref<256x128xf32, #tpu.memory_space<vmem>>, vector<256x128xf32>,
    return
  }
  func.func @transform_0(%arg0: i32) -> i32 {
    %c0_i32 = arith.constant 0 : i32
    %c0_i32_0 = arith.constant 0 : i32
    return %c0_i32 : i32
  }
  func.func @transform_1(%arg0: i32) -> (i32, i32) {
    %c0_i32 = arith.constant 0 : i32
    %c0_i32_0 = arith.constant 0 : i32
    %c0_i32_1 = arith.constant 0 : i32
    return %c0_i32, %c0_i32_0 : i32, i32
  }
  func.func @transform_2(%arg0: i32) -> i32 {
    %c0_i32 = arith.constant 0 : i32
    %c0_i32_0 = arith.constant 0 : i32
    return %c0_i32 : i32
  }
  func.func @transform_3(%arg0: i32) -> (i32, i32) {
    %c0_i32 = arith.constant 0 : i32
    %c0_i32_0 = arith.constant 0 : i32
    return %arg0, %c0_i32 : i32, i32
  }
  func.func @transform_4(%arg0: i32) -> (i32, i32) {
    %c0_i32 = arith.constant 0 : i32
    %c0_i32_0 = arith.constant 0 : i32
    return %arg0, %c0_i32 : i32, i32
  }
  func.func @transform_5(%arg0: i32) -> (i32, i32, i32) {
    %c0_i32 = arith.constant 0 : i32
    %c0_i32_0 = arith.constant 0 : i32
    %c0_i32_1 = arith.constant 0 : i32
    %c0_i32_2 = arith.constant 0 : i32
    return %c0_i32, %c0_i32_0, %c0_i32_1 : i32, i32, i32
  }
  func.func @transform_6(%arg0: i32) -> (i32, i32) {
    %c0_i32 = arith.constant 0 : i32
    %c0_i32_0 = arith.constant 0 : i32
    %c0_i32_1 = arith.constant 0 : i32
    return %c0_i32, %c0_i32_0 : i32, i32
  }
  func.func @transform_7(%arg0: i32) -> (i32, i32) {
    %c0_i32 = arith.constant 0 : i32
    %c0_i32_0 = arith.constant 0 : i32
    %c0_i32_1 = arith.constant 0 : i32
    return %c0_i32, %c0_i32_0 : i32, i32
  }
  func.func @transform_8(%arg0: i32) -> (i32, i32) {
    %c0_i32 = arith.constant 0 : i32
    %c0_i32_0 = arith.constant 0 : i32
    return %arg0, %c0_i32 : i32, i32
  }
}

</mosaic_0001>

<sc_bundles>
// kernel: kernel.5.cloned.1.call-start
scs
__scs_entry_jumppad:
0x0: {  	(pc) =	sbr.rel $0x88, $3  }
0x1: {  	(tag) =	ssettag $0x0;
	lr =	simm.s32 $0x1  }
0x2: {  	[smem:$0x3F94] =	sst lr;
	_ =	strace $0xD0000000  }
0x3: {  	_ = 	snop  }
0x4: {  	_ = 	snop  }
0x5: {  	_ = 	snop  }
0x6: {  	_ = 	snop  }
0x7: {  	_ = 	snop  }
__scs_overlays_trampoline_lowered:
0x8: {  	[smem:$0x3FA3] =	sst s0  }
0x9: {  	[smem:$0x3FA4] =	sst s1  }
0xa: {  	[smem:$0x3FA5] =	sst s2  }
0xb: {  	[smem:$0x3FA6] =	sst s3  }
0xc: {  	[smem:$0x3FA7] =	sst s4  }
0xd: {  	[smem:$0x3FA8] =	sst s5  }
0xe: {  	[smem:$0x3FA9] =	sst s6  }
0xf: {  	[smem:$0x3FAA] =	sst s7  }
0x10: {  	[smem:$0x3FAB] =	sst s8  }
0x11: {  	[smem:$0x3FAC] =	sst s9;
	s0 =	simm.s32 @!p0 $0x0  }
0x12: {  	s1 =	sld [smem:$0x3F92];
	s0 =	simm.s32 @p0 $0x1  }
0x13: {  	[smem:$0x3FAD] =	sst s0;
	s0 =	simm.s32 @!p1 $0x0  }
0x14: {  	s2 =	sld [smem:$0x3F91];
	s0 =	simm.s32 @p1 $0x1  }
0x15: {  	[smem:$0x3FAE] =	sst s0;
	s0 =	simm.s32 @!p2 $0x0  }
0x16: {  	s3 =	sld [smem:$0x3FDB];
	s0 =	simm.s32 @p2 $0x1  }
0x17: {  	s4 =	simm.s32 $0x1BF5;
	[smem:$0x3FB0] =	sst s0  }
0x18: {  	s0 =	sld [smem:$0x3F93];
	_ =	swait.ge [sflag:s4], $0x0  }
0x19: {  	s7 =	sld [smem:$0x3F94]  }
0x1a: {  	s8 =	sadd.s32 $0xFFFFE003, lr  }
0x1b: {  	s9 =	sadd.s32 $0xFFFFFEF7, lr;
	s5 =	simm.s32 $0xFFFFFFFF;
	p2 =	slt.u32 s8, $0xFFFFF086  }
0x1c: {  	p1 =	slt.u32 s9, $0xF7A;
	s5 =	simm.s32 @!p2 $0x0  }
0x1d: {  	s5 =	simm.s32 @p1 $0x1;
	p0 =	seq.s32 s7, s2  }
0x1e: {  	s7 =	smul.u32 @!p0 $0xF7A, s2;
	p2 =	seq.s32 @!p0 s5, $0x0  }
0x1f: {  	s9 =	smul.u32 $0xF7A, s1;
	s8 =	simm.s32 @!p0 $0x1BF5;
	p2 =	por !p2, p0  }
0x20: {  	[sflag:s8] =	ssyncset.s32 @!p0 $0xFFFFF086;
	s6 =	sadd.s32 @!p0 s3, s7;
	s7 =	simm.s32 @!p0 $0x108  }
0x21: {  	s3 =	sadd.s32 s3, s9;
	s6 =	sadd.s32 @!p0 $0x88, s6;
	s7 =	simm.s32 @p2 $0x1082  }
0x22: {  	[simem:s7], [sflag:s8] =	dma.local @!p0 [hbm:s6], $0xF7A  }
0x23: {  	s9 =	sor.u32 $0xD0000000, s2;
	s6 =	simm.s32 $0x108;
	_ =	swait.ge @!p0 [sflag:s8], $0x0  }
0x24: {  	s3 =	sadd.s32 $0x88, s3;
	s6 =	simm.s32 @!p1 $0x1082;
	[sflag:s4] =	ssyncset.s32 $0xFFFFF086  }
0x25: {  	[simem:s6], [sflag:s4] =	dma.local [hbm:s3], $0xF7A  }
0x26: {  	[smem:$0x3F94] =	sst s1;
	(tag) =	ssettag s2;
	_ =	strace s9  }
0x27: {  	s1 =	sld [smem:$0x3FA4]  }
0x28: {  	s2 =	sld [smem:$0x3FA5]  }
0x29: {  	s4 =	sld [smem:$0x3FA7]  }
0x2a: {  	p0 =	seq.s32 s5, $0x0;
	s5 =	sld [smem:$0x3FA8]  }
0x2b: {  	s6 =	sld [smem:$0x3FA9]  }
0x2c: {  	s7 =	sld [smem:$0x3FAA]  }
0x2d: {  	s3 =	simm.s32 $0x108;
	s8 =	sld [smem:$0x3FAB]  }
0x2e: {  	s3 =	simm.s32 @!p0 $0x1082;
	s9 =	sld [smem:$0x3FAC]  }
0x2f: {  	lr =	sadd.s32 s0, s3;
	s0 =	sld [smem:$0x3FA3]  }
0x30: {  	s3 =	sld [smem:$0x3FA6]  }
0x31: {  	[smem:$0x3FAF] =	sst s10  }
0x32: {  	s10 =	sld [smem:$0x3FAD];
	_ =	sdelay $0x3  }
0x33: {  	p0 =	seq.s32 s10, $0x1;
	s10 =	sld [smem:$0x3FAF];
	_ =	sdelay $0x3  }
0x34: {  	[smem:$0x3FAF] =	sst s10  }
0x35: {  	s10 =	sld [smem:$0x3FAE];
	_ =	sdelay $0x3  }
0x36: {  	p1 =	seq.s32 s10, $0x1;
	s10 =	sld [smem:$0x3FAF];
	_ =	sdelay $0x3  }
0x37: {  	[smem:$0x3FAF] =	sst s10  }
0x38: {  	s10 =	sld [smem:$0x3FB0]  }
0x39: {  	_ = 	snop;
	(pc) =	sbr.ind lr, $3  }
0x3a: {  	_ = 	snop  }
0x3b: {  	_ = 	snop  }
0x3c: {  	p2 =	seq.s32 s10, $0x1;
	s10 =	sld [smem:$0x3FAF]  }
0x3d: {  	_ =	shalt  }
0x3e: {  	_ =	shalt  }
0x3f: {  	_ =	shalt  }
0x40: {  	_ =	shalt  }
0x41: {  	_ =	shalt  }
0x42: {  	_ =	shalt  }
0x43: {  	_ =	shalt  }
0x44: {  	_ =	shalt  }
0x45: {  	_ =	shalt  }
0x46: {  	_ =	shalt  }
0x47: {  	_ =	shalt  }
0x48: {  	_ =	shalt  }
0x49: {  	_ =	shalt  }
0x4a: {  	_ =	shalt  }
0x4b: {  	_ =	shalt  }
0x4c: {  	_ =	shalt  }
0x4d: {  	_ =	shalt  }
0x4e: {  	_ =	shalt  }
0x4f: {  	_ =	shalt  }
0x50: {  	_ =	shalt  }
0x51: {  	_ =	shalt  }
0x52: {  	_ =	shalt  }
0x53: {  	_ =	shalt  }
0x54: {  	_ =	shalt  }
0x55: {  	_ =	shalt  }
0x56: {  	_ =	shalt  }
0x57: {  	_ =	shalt  }
0x58: {  	_ =	shalt  }
0x59: {  	_ =	shalt  }
0x5a: {  	_ =	shalt  }
0x5b: {  	_ =	shalt  }
0x5c: {  	_ =	shalt  }
0x5d: {  	_ =	shalt  }
0x5e: {  	_ =	shalt  }
0x5f: {  	_ =	shalt  }
0x60: {  	_ =	shalt  }
0x61: {  	_ =	shalt  }
0x62: {  	_ =	shalt  }
0x63: {  	_ =	shalt  }
0x64: {  	_ =	shalt  }
0x65: {  	_ =	shalt  }
0x66: {  	_ =	shalt  }
0x67: {  	_ =	shalt  }
0x68: {  	_ =	shalt  }
0x69: {  	_ =	shalt  }
0x6a: {  	_ =	shalt  }
0x6b: {  	_ =	shalt  }
0x6c: {  	_ =	shalt  }
0x6d: {  	_ =	shalt  }
0x6e: {  	_ =	shalt  }
0x6f: {  	_ =	shalt  }
0x70: {  	_ =	shalt  }
0x71: {  	_ =	shalt  }
0x72: {  	_ =	shalt  }
0x73: {  	_ =	shalt  }
0x74: {  	_ =	shalt  }
0x75: {  	_ =	shalt  }
0x76: {  	_ =	shalt  }
0x77: {  	_ =	shalt  }
0x78: {  	_ =	shalt  }
0x79: {  	_ =	shalt  }
0x7a: {  	_ =	shalt  }
0x7b: {  	_ =	shalt  }
0x7c: {  	_ =	shalt  }
0x7d: {  	_ =	shalt  }
0x7e: {  	_ =	shalt  }
0x7f: {  	_ =	shalt  }
0x80: {  	_ =	shalt  }
0x81: {  	_ =	shalt  }
0x82: {  	_ =	shalt  }
0x83: {  	_ =	shalt  }
0x84: {  	_ =	shalt  }
0x85: {  	_ =	shalt  }
0x86: {  	_ =	shalt  }
0x87: {  	_ =	shalt  }
.Lfunc_end0:
.L_simem_size_0:
called_computation_lowered:
.L_overlay_start_0:
0x88: {  	s2 =	sld [smem:$0x3FD9]  }
0x89: {  	s3 =	sld [smem:$0x3FFE];
	_ =	sdelay $0x1  }
0x8a: {  	s1 =	srdreg.scid  }
0x8b: {  	s0 =	sand.u32 $0x1, s1  }
0x8c: {  	s17 =	sshll.u32 s0, $0xA;
	s2 =	sadd.s32 s3, s2  }
0x8d: {  	s2 =	sadd.s32 s2, s17  }
0x8e: {  	[smem:$0x3FBB] =	sst s2  }
0x8f: {  	_ = 	snop  }
0x90: {  	s2 =	sld [smem:$0x3FC9]  }
0x91: {  	s18 =	sld [smem:$0x3FC8]  }
0x92: {  	s4 =	sld [smem:$0x3FD0];
	(tm) =	ssettm $0x1  }
0x93: {  	s5 =	sld [smem:$0x3FFB];
	_ =	sdelay $0x3  }
0x94: {  	_ =	strace s5  }
0x95: {  	s5 =	sld [smem:$0x3FFC];
	_ =	sdelay $0x3  }
0x96: {  	_ =	strace s5  }
0x97: {  	s5 =	sld [smem:$0x3FFD];
	_ =	sdelay $0x3  }
0x98: {  	_ =	strace s5  }
0x99: {  	_ =	strace $0x8FFFFFFF  }
0x9a: {  	s19 =	sld [smem:$0x3FDB];
	_ =	sdelay $0x1  }
0x9b: {  	s6 =	simm.s32 $_scs_section_size  }
0x9c: {  	s7 =	simm.s32 $_size__tile_overlayer_lowered;
	s8 =	simm.s32 $_tile_overlayer_lowered  }
0x9d: {  	s22 =	simm.s32 $0x1BFF;
	s21 =	sshll.u32 s8, $0x1;
	s5 =	sadd.s32 s6, s19  }
0x9e: {  	s9 =	simm.s32 $0x0;
	s20 =	sshll.u32 s7, $0x1;
	s7 =	sadd.s32 s21, s5  }
0x9f: {  	[timem:s9], [sflag:s22] =	dma.local [hbm:s7], s20  }
0xa0: {  	_ =	swait.ge [sflag:s22], s20  }
0xa1: {  	s6 =	ssub.s32 $0x0, s20;
	[sflag:s22] =	ssyncset.done $0x0  }
0xa2: {  	[sflag:s22] =	ssyncadd.s32 s6;
	_ =	sdelay $0x1  }
0xa3: {  	s23 =	simm.s32 $0x1B8B  }
0xa4: {  	_ =	swait.ge [sflag:s23], $0x1  }
0xa5: {  	[sflag:s23] =	ssyncset.done $0x0  }
0xa6: {  	s25 =	simm.s32 $0x1B8E;
	s24 =	sld [smem:$0x3FFE];
	[sflag:s23] =	ssyncadd.s32 $0xFFFFFFFF  }
0xa7: {  	s26 =	simm.s32 $execute0_lowered;
	[smem:$0x3FD2] =	sst s25  }
0xa8: {  	s7 =	sshll.u32 s26, $0x1;
	_ =	strace $0x80000046;
	[dreg:$0x1] =	wrdreg $0xFFFFFFFF  }
0xa9: {  	s28 =	simm.s32 $_size_execute0_lowered;
	s5 =	sadd.s32 s5, s7;
	[dreg:$0x0] =	wrdreg $0x0  }
0xaa: {  	s7 =	sshll.u32 s28, $0x1;
	[dreg:$0x2] =	wrdreg s5  }
0xab: {  	[dreg:$0x3] =	wrdreg s7  }
0xac: {  	[dreg:$0x4] =	wrdreg $0xC0  }
0xad: {  	_ =	task [dreg:s9], $0x5FFFF  }
0xae: {  	[dreg:$0x1] =	wrdreg $0xFFFFFFFF  }
0xaf: {  	[dreg:$0x0] =	wrdreg $0x60  }
0xb0: {  	[dreg:$0x2] =	wrdreg s2  }
0xb1: {  	[dreg:$0x3] =	wrdreg s18  }
0xb2: {  	[dreg:$0x4] =	wrdreg s24  }
0xb3: {  	[dreg:$0x5] =	wrdreg s4  }
0xb4: {  	[dreg:$0x6] =	wrdreg $0x9  }
0xb5: {  	_ =	task.clear_ibuf [dreg:s9], $0x7FFFF;
	_ =	strace $0x90000046  }
0xb6: {  	s29 =	simm.s32 $0x9;
	_ =	strace $0x80000048  }
0xb7: {  	_ =	swait.ge [sflag:s29], $0x1  }
0xb8: {  	[sflag:s29] =	ssyncadd.s32 $0xFFFFFFFF  }
0xb9: {  	_ =	strace $0x90000048  }
0xba: {  	_ =	sfence  }
0xbb: {  	s30 =	sld [smem:$0x0];
	_ =	sdelay $0x2  }
0xbc: {  	s31 =	sshll.u32 s1, $0xD;
	s1 =	sshrl.u32 s1, $0x2  }
0xbd: {  	s3 =	sand.u32 $0x4000, s31;
	s1 =	sadd.s32 s1, s30  }
0xbe: {  	s0 =	sor.u32 s3, s0;
	s1 =	sshll.u32 s1, $0x11  }
0xbf: {  	s0 =	sor.u32 s1, s0  }
0xc0: {  	s0 =	sadd.s32 $0x8F2B, s0  }
0xc1: {  	[sflag:s0] =	ssyncadd.remote.s32 $0x1  }
0xc2: {  	_ =	sfence.sel $0xFFFF  }
0xc3: {  	[dreg:$0x0] =	wrdreg $0xFFFFFFFF;
	(pc) =	sbr.abs _section_cstart, $3  }
0xc4: {  	[dreg:$0x1] =	wrdreg $0xFFFFFFFF  }
0xc5: {  	_ =	task.clear_ibuf [dreg:s9], $0x2FFFF;
	_ =	strace $0x9FFFFFFF  }
0xc6: {  	(tm) =	ssettm $0x7FFFFFFF  }
0xc7: {  	_ =	shalt  }
tec
execute0_lowered:
.L_overlay_start_1:
0x0: {  	(tag) =	ssettag $0x1  }
0x1: {  	s1 =	rddreg [dreg:$0x0];
	s3 =	srdreg.scid  }
0x2: {  	s2 =	rddreg [dreg:$0x1];
	s0 =	stileid.u32;
	s14 =	sand.u32 $0x1, s3  }
0x3: {  	s15 =	rddreg [dreg:$0x2];
	s30 =	sshll.u32 s0, $0x6;
	s4 =	sshll.u32 s14, $0x5  }
0x4: {  	s16 =	rddreg [dreg:$0x3];
	s17 =	sor.u32 s4, s30  }
0x5: {  	s3 =	rddreg [dreg:$0x4];
	s4 =	simm.s32 $0x0;
	s5 =	sshrl.u32 s17, $0x3  }
0x6: {  	[smem:$0x7FF] =	sst s4;
	s7 =	sadd.s32 s5, s15  }
0x7: {  	_ =	strace $0x80000047;
	s5 =	simm.s32 $0x3;
	s6 =	sadd.s32 $0x2A00, s7  }
0x8: {  	[tilespmem:s4], [sflag:$0x3] =	stream.linear.gather [hbm4b:s6+s4], $0x20, $0x38;
	[tilespmem:$0x2100] =	vst v63  }
0x9: {  	_ =	swait.ge [sflag:s5], $0x20  }
0xa: {  	[sflag:s5] =	ssyncset.done $0x0  }
0xb: {  	s8 =	simm.s32 $0x80;
	s7 =	sadd.s32 $0x2800, s7;
	[sflag:s5] =	ssyncadd.s32 $0xFFFFFFE0  }
0xc: {  	[tilespmem:s8], [sflag:$0x3] =	stream.linear.gather [hbm4b:s7+s4], $0x20, $0x38;
	[tilespmem:$0x2100] =	vst v63  }
0xd: {  	_ =	swait.ge [sflag:s5], $0x20  }
0xe: {  	[sflag:s5] =	ssyncset.done $0x0  }
0xf: {  	s9 =	simm.s32 $0x20;
	s10 =	simm.s32 $0x100;
	[sflag:s5] =	ssyncadd.s32 $0xFFFFFFE0  }
0x10: {  	[tilespmem:s10], [sflag:$0x1] =	stream.indirect.gather [hbm4b:s1+s9], $0x80, s4, s9, $0xb8;
	[tilespmem:$0x2100] =	vst v63  }
0x11: {  	s11 =	simm.s32 $0x1100;
	s12 =	simm.s32 $0x1  }
0x12: {  	[tilespmem:s11], [sflag:$0x2] =	stream.indirect.gather [hbm4b:s2+s9], $0x80, s8, s9, $0xb8;
	[tilespmem:$0x2100] =	vst v63  }
0x13: {  	_ =	swait.ge [sflag:s12], $0x1000  }
0x14: {  	[sflag:s12] =	ssyncset.done $0x0  }
0x15: {  	s13 =	simm.s32 $0x2;
	s18 =	ssub.s32 $0x2, s14;
	[sflag:s12] =	ssyncadd.s32 $0xFFFFF000  }
0x16: {  	s31 =	sshrl.u32 s18, $0x1;
	s17 =	sshll.u32 s17, $0x4;
	_ =	swait.ge [sflag:s13], $0x1000  }
0x17: {  	s14 =	sadd.s32 s16, s17;
	s16 =	ssub.s32 s18, s31;
	[sflag:s13] =	ssyncset.done $0x0  }
0x18: {  	s16 =	smax.u32 s16, $0x1;
	[sflag:s13] =	ssyncadd.s32 $0xFFFFF000  }
0x19: {  	[hbm4b:s14+s4] =	stream.linear.scatter [tilespmem:s10], [sflag:$0x3], $0x1000, $0x38;
	[tilespmem:$0x2100] =	vst v63  }
0x1a: {  	p0 =	sne.s32 s16, $0x1;
	_ =	swait.ge [sflag:s5], $0x1000  }
.Ltmp0:
0x1b: {  	s15 =	sadd.s32 s17, s15;
	[sflag:s5] =	ssyncset.done $0x0;
	(pc) =	sbr.rel @!p0 .LBB2_2-.Ltmp0, $4  }
0x1c: {  	s15 =	sadd.s32 $0x2C00, s15;
	[sflag:s5] =	ssyncadd.s32 $0xFFFFF000  }
0x1d: {  	[hbm4b:s15+s4] =	stream.linear.scatter [tilespmem:s11], [sflag:$0x3], $0x1000, $0x38;
	[tilespmem:$0x2100] =	vst v63  }
0x1e: {  	_ =	swait.ge [sflag:s5], $0x1000  }
0x1f: {  	s16 =	sadd.s32 $0xFFFFFFFF, s16;
	[sflag:s5] =	ssyncset.done $0x0  }
.LBB2_1:
0x20: {  	p0 =	sne.s32 s16, $0x1;
	s16 =	sadd.s32 $0xFFFFFFFF, s16;
	[sflag:s5] =	ssyncadd.s32 $0xFFFFF000  }
0x21: {  	[tilespmem:s4], [sflag:$0x3] =	stream.linear.gather [hbm4b:s6+s4], $0x20, $0x38;
	[tilespmem:$0x2100] =	vst v63  }
0x22: {  	_ =	swait.ge [sflag:s5], $0x20  }
0x23: {  	[sflag:s5] =	ssyncset.done $0x0  }
0x24: {  	[sflag:s5] =	ssyncadd.s32 $0xFFFFFFE0  }
0x25: {  	[tilespmem:s8], [sflag:$0x3] =	stream.linear.gather [hbm4b:s7+s4], $0x20, $0x38;
	[tilespmem:$0x2100] =	vst v63  }
0x26: {  	_ =	swait.ge [sflag:s5], $0x20  }
0x27: {  	[sflag:s5] =	ssyncset.done $0x0  }
0x28: {  	[sflag:s5] =	ssyncadd.s32 $0xFFFFFFE0  }
0x29: {  	[tilespmem:s10], [sflag:$0x1] =	stream.indirect.gather [hbm4b:s1+s9], $0x80, s4, s9, $0xb8;
	[tilespmem:$0x2100] =	vst v63  }
0x2a: {  	_ = 	snop  }
0x2b: {  	[tilespmem:s11], [sflag:$0x2] =	stream.indirect.gather [hbm4b:s2+s9], $0x80, s8, s9, $0xb8;
	[tilespmem:$0x2100] =	vst v63  }
0x2c: {  	_ =	swait.ge [sflag:s12], $0x1000  }
0x2d: {  	[sflag:s12] =	ssyncset.done $0x0  }
0x2e: {  	[sflag:s12] =	ssyncadd.s32 $0xFFFFF000  }
0x2f: {  	_ =	swait.ge [sflag:s13], $0x1000  }
0x30: {  	[sflag:s13] =	ssyncset.done $0x0  }
0x31: {  	[sflag:s13] =	ssyncadd.s32 $0xFFFFF000  }
0x32: {  	[hbm4b:s14+s4] =	stream.linear.scatter [tilespmem:s10], [sflag:$0x3], $0x1000, $0x38;
	[tilespmem:$0x2100] =	vst v63  }
0x33: {  	_ =	swait.ge [sflag:s5], $0x1000  }
.Ltmp1:
0x34: {  	[sflag:s5] =	ssyncset.done $0x0;
	(pc) =	sbr.rel @p0 .LBB2_1-.Ltmp1, $4  }
0x35: {  	[sflag:s5] =	ssyncadd.s32 $0xFFFFF000  }
0x36: {  	[hbm4b:s15+s4] =	stream.linear.scatter [tilespmem:s11], [sflag:$0x3], $0x1000, $0x38;
	[tilespmem:$0x2100] =	vst v63  }
0x37: {  	_ =	swait.ge [sflag:s5], $0x1000  }
0x38: {  	[sflag:s5] =	ssyncset.done $0x0  }
.LBB2_2:
0x39: {  	[sflag:s5] =	ssyncadd.s32 $0xFFFFF000  }
0x3a: {  	_ =	sfence.sel $0x180000  }
0x3b: {  	[bflag:$0x0] =	sbarrier.arrive $0xFFFF  }
0x3c: {  	p0 =	sne.s32 s0, $0x0;
	_ =	strace $0x90000047  }
0x3d: {  	s0 =	sadd.s32 @!p0 $0x100000, s3;
	[bflag:$0x2] =	sbarrier.arrive $0xFFFF  }
0x3e: {  	[sflag:s0] =	ssyncadd.tile.s32 @!p0 $0x1;
	_ =	shalt  }
.Lfunc_end2:
_tile_overlayer_lowered:
.L_overlay_start_2:
0x3f: {  	(tag) =	ssettag $0x2  }
0x40: {  	s0 =	rddreg [dreg:$0x0];
	s2 =	stileid.u32  }
0x41: {  	s1 =	rddreg [dreg:$0x1];
	p0 =	sne.s32 s2, $0x0  }
0x42: {  	s3 =	rddreg [dreg:$0x2];
	[bflag:$0x3] =	sbarrier.arrive $0xFFFF;
	s2 =	simm.s32 @!p0 $0x1C03  }
0x43: {  	[timem:s3], [sflag:s2] =	dma.local @!p0 [hbm:s0], s1  }
0x44: {  	s0 =	simm.s32 @!p0 $0x3  }
0x45: {  	_ =	swait.ge @!p0 [sflag:s0], s1  }
0x46: {  	s1 =	ssub.s32 @!p0 $0x0, s1;
	[sflag:s0] =	ssyncset.done @!p0 $0x0  }
0x47: {  	[sflag:s0] =	ssyncadd.s32 @!p0 s1  }
0x48: {  	[bflag:$0x3] =	sbarrier.arrive $0xFFFF  }
0x49: {  	_ =	shalt  }

</sc_bundles>
